<compile_context>
chip_gen: v7x
topology: tpu7x:2x2x1
jax: 0.10.2.dev20260603
libtpu: 0.0.44.dev20260713+nightly
codegen_flags: <defaults>
</compile_context>

<pallas_src>
import functools
import math

import jax
import jax.numpy as jnp
from jax import lax
from jax.experimental import pallas as pl
from jax.experimental.pallas import tpu as pltpu
from jax.experimental.pallas import tpu_sc as plsc

TOPK = 2
CF = 1.25
THRESH = 0.2

NC = 2
NS = 16
NW = NC * NS
L = 16


def _router_body(n, e, cap, x_ref, wg_ref,
                 dst1_ref, dst2_ref, tokmap_ref, g1_ref, g2_ref,
                 aux_ref):
    x = x_ref[...]
    wg = wg_ref[...]
    logits = jnp.dot(x, wg, preferred_element_type=jnp.float32)
    mx = jnp.max(logits, axis=1, keepdims=True)
    ex = jnp.exp(logits - mx)
    se = jnp.sum(ex, axis=1, keepdims=True)
    probs = ex / se
    z = mx + jnp.log(se)

    lane = lax.broadcasted_iota(jnp.int32, (n, e), 1)
    m1 = jnp.max(probs, axis=1, keepdims=True)
    e1 = jnp.min(jnp.where(probs == m1, lane, e), axis=1, keepdims=True)
    probs_m = jnp.where(lane == e1, -1.0, probs)
    m2 = jnp.max(probs_m, axis=1, keepdims=True)
    e2 = jnp.min(jnp.where(probs_m == m2, lane, e), axis=1, keepdims=True)

    mask1 = (lane == e1).astype(jnp.float32)
    mask2 = (lane == e2).astype(jnp.float32)

    ch = 512
    nch = n // ch
    r_i = lax.broadcasted_iota(jnp.int32, (ch, ch), 0)
    c_i = lax.broadcasted_iota(jnp.int32, (ch, ch), 1)
    tri = (c_i <= r_i).astype(jnp.float32)
    carry1 = jnp.zeros((1, e), jnp.float32)
    carry2 = jnp.zeros((1, e), jnp.float32)
    c1_parts = []
    c2_parts = []
    for i in range(nch):
        m1c = lax.slice_in_dim(mask1, i * ch, (i + 1) * ch, axis=0)
        m2c = lax.slice_in_dim(mask2, i * ch, (i + 1) * ch, axis=0)
        c1_parts.append(jnp.dot(tri, m1c, preferred_element_type=jnp.float32)
                        + carry1)
        c2_parts.append(jnp.dot(tri, m2c, preferred_element_type=jnp.float32)
                        + carry2)
        carry1 = carry1 + jnp.sum(m1c, axis=0, keepdims=True)
        carry2 = carry2 + jnp.sum(m2c, axis=0, keepdims=True)
    c1 = jnp.concatenate(c1_parts, axis=0)
    c2 = jnp.concatenate(c2_parts, axis=0)

    pos1 = jnp.sum(c1 * mask1, axis=1, keepdims=True) - 1.0
    pos2 = (jnp.sum(c2 * mask2, axis=1, keepdims=True) - 1.0
            + jnp.sum(carry1 * mask2, axis=1, keepdims=True))

    keep1 = (pos1 < cap).astype(jnp.float32)
    keep2 = jnp.logical_and(pos2 < cap, m2 > THRESH).astype(jnp.float32)
    p1 = jnp.clip(pos1, 0.0, cap - 1.0).astype(jnp.int32)
    p2 = jnp.clip(pos2, 0.0, cap - 1.0).astype(jnp.int32)
    dst1 = e1 * cap + p1
    dst2 = e2 * cap + p2

    pidx_i = lax.broadcasted_iota(jnp.int32, (n, 128), 1)
    h1 = (pidx_i == p1).astype(jnp.float32)
    h2 = (pidx_i == p2).astype(jnp.float32)
    tvals = (lax.broadcasted_iota(jnp.int32, (n, e), 0)
             + 1).astype(jnp.float32)
    g1m = mask1 * keep1 * tvals
    g2m = mask2 * keep2 * tvals
    dn = (((0,), (0,)), ((), ()))
    tokmap = (lax.dot_general(g1m, h1, dn,
                              precision=lax.Precision.HIGHEST,
                              preferred_element_type=jnp.float32)
              + lax.dot_general(g2m, h2, dn,
                                precision=lax.Precision.HIGHEST,
                                preferred_element_type=jnp.float32))
    tokmap = tokmap.astype(jnp.int32) - 1
    tokmap_ref[...] = jnp.where(tokmap < 0, n, tokmap)

    dst1_ref[...] = dst1
    dst2_ref[...] = dst2
    g1_ref[...] = m1 * keep1
    g2_ref[...] = m2 * keep2

    density = jnp.sum(probs, axis=0, keepdims=True) / n
    f = carry1 / n
    bal = e * jnp.sum(f * density, keepdims=True)
    rz = jnp.sum(z * z, keepdims=True) / n
    tot = 0.01 * bal + 0.001 * rz
    rr = lax.broadcasted_iota(jnp.int32, (8, 128), 0)
    cc = lax.broadcasted_iota(jnp.int32, (8, 128), 1)
    aux_ref[...] = (bal * ((rr == 0) & (cc == 0))
                    + rz * ((rr == 0) & (cc == 1))
                    + tot * ((rr == 0) & (cc == 2)))


def _ffn_body(buf_ref, w1_ref, b1_ref, w2_ref, b2_ref, lng_ref, lnb_ref,
              y_ref):
    xb = buf_ref[...]
    mu = jnp.mean(xb, axis=1, keepdims=True)
    d = xb - mu
    var = jnp.mean(d * d, axis=1, keepdims=True)
    normed = d * lax.rsqrt(var + 1e-5) * lng_ref[0] + lnb_ref[0]
    h = jnp.dot(normed, w1_ref[0], preferred_element_type=jnp.float32)
    h = h + b1_ref[0]
    h = jnp.where(h > 0.0, h, 0.01 * h)
    y = jnp.dot(h, w2_ref[0], preferred_element_type=jnp.float32)
    y_ref[...] = y + b2_ref[0]


def kernel(x, W_g, ln_g, ln_b, W1, b1, W2, b2):
    b_, s_, d = x.shape
    n = b_ * s_
    e = W_g.shape[1]
    hid = W1.shape[2]
    cap = int(math.ceil(TOPK * n / e * CF))
    slots = e * cap

    xt = x.reshape(n, d)

    router = pl.pallas_call(
        functools.partial(_router_body, n, e, cap),
        out_shape=(
            jax.ShapeDtypeStruct((n, 1), jnp.int32),
            jax.ShapeDtypeStruct((n, 1), jnp.int32),
            jax.ShapeDtypeStruct((e, 128), jnp.int32),
            jax.ShapeDtypeStruct((n, 1), jnp.float32),
            jax.ShapeDtypeStruct((n, 1), jnp.float32),
            jax.ShapeDtypeStruct((8, 128), jnp.float32),
        ),
    )
    dst1, dst2, tokmap, g1, g2, aux = router(xt, W_g)
    dst1 = dst1.reshape(n)
    dst2 = dst2.reshape(n)
    tokmap = tokmap[:, :cap].reshape(slots)
    g1 = g1.reshape(n)
    g2 = g2.reshape(n)

    mesh = plsc.VectorSubcoreMesh(core_axis_name="c", subcore_axis_name="s",
                                  num_cores=NC, num_subcores=NS)
    tok_per_w = n // NW
    rows_per_w = slots // NW
    chunk = rows_per_w // 2
    tokpad = slots + L

    xp = jnp.concatenate([xt, jnp.zeros((8, d), xt.dtype)], axis=0)

    @functools.partial(
        pl.kernel,
        out_type=jax.ShapeDtypeStruct((slots, d), jnp.float32),
        mesh=mesh,
        scratch_types=[
            pltpu.VMEM((chunk,), jnp.int32),
            pltpu.VMEM((chunk,), jnp.int32),
            pltpu.VMEM((chunk, d), jnp.float32),
            pltpu.VMEM((chunk, d), jnp.float32),
            pltpu.SemaphoreType.DMA,
            pltpu.SemaphoreType.DMA,
        ],
        compiler_params=pltpu.CompilerParams(needs_layout_passes=False),
    )
    def dispatch(xp_hbm, tok_hbm, buf_hbm,
                 idxa_v, idxb_v, rows_a, rows_b, sema, semb):
        cid = lax.axis_index("c")
        sid = lax.axis_index("s")
        wid = sid * NC + cid
        w0 = wid * rows_per_w
        pltpu.sync_copy(tok_hbm.at[pl.ds(w0, chunk)], idxa_v)
        pltpu.sync_copy(tok_hbm.at[pl.ds(w0 + chunk, chunk)], idxb_v)
        ca = pltpu.async_copy(xp_hbm.at[idxa_v], rows_a, sema)
        cb = pltpu.async_copy(xp_hbm.at[idxb_v], rows_b, semb)
        ca.wait()
        pltpu.sync_copy(rows_a, buf_hbm.at[pl.ds(w0, chunk)])
        cb.wait()
        pltpu.sync_copy(rows_b, buf_hbm.at[pl.ds(w0 + chunk, chunk)])

    buf = dispatch(xp, tokmap)

    y = pl.pallas_call(
        _ffn_body,
        grid=(e,),
        in_specs=[
            pl.BlockSpec((cap, d), lambda i: (i, 0)),
            pl.BlockSpec((1, d, hid), lambda i: (i, 0, 0)),
            pl.BlockSpec((1, 1, hid), lambda i: (i, 0, 0)),
            pl.BlockSpec((1, hid, d), lambda i: (i, 0, 0)),
            pl.BlockSpec((1, 1, d), lambda i: (i, 0, 0)),
            pl.BlockSpec((1, 1, d), lambda i: (i, 0, 0)),
            pl.BlockSpec((1, 1, d), lambda i: (i, 0, 0)),
        ],
        out_specs=pl.BlockSpec((cap, d), lambda i: (i, 0)),
        out_shape=jax.ShapeDtypeStruct((slots, d), jnp.float32),
    )(buf, W1, b1.reshape(e, 1, hid), W2, b2.reshape(e, 1, d),
      ln_g.reshape(e, 1, d), ln_b.reshape(e, 1, d))

    @functools.partial(
        pl.kernel,
        out_type=jax.ShapeDtypeStruct((n, d), jnp.float32),
        mesh=mesh,
        scratch_types=[
            pltpu.VMEM((tok_per_w,), jnp.int32),
            pltpu.VMEM((tok_per_w,), jnp.int32),
            pltpu.VMEM((tok_per_w,), jnp.float32),
            pltpu.VMEM((tok_per_w,), jnp.float32),
            pltpu.VMEM((tok_per_w, d), jnp.float32),
            pltpu.VMEM((tok_per_w, d), jnp.float32),
            pltpu.SemaphoreType.DMA,
            pltpu.SemaphoreType.DMA,
        ],
        compiler_params=pltpu.CompilerParams(needs_layout_passes=False),
    )
    def combine(y_hbm, dst1_hbm, dst2_hbm, g1_hbm, g2_hbm, out_hbm,
                s1_v, s2_v, g1_v, g2_v, r1_v, r2_v, sem1, sem2):
        cid = lax.axis_index("c")
        sid = lax.axis_index("s")
        wid = sid * NC + cid
        t0 = wid * tok_per_w
        pltpu.sync_copy(dst1_hbm.at[pl.ds(t0, tok_per_w)], s1_v)
        pltpu.sync_copy(dst2_hbm.at[pl.ds(t0, tok_per_w)], s2_v)
        pltpu.sync_copy(g1_hbm.at[pl.ds(t0, tok_per_w)], g1_v)
        pltpu.sync_copy(g2_hbm.at[pl.ds(t0, tok_per_w)], g2_v)
        cp1 = pltpu.async_copy(y_hbm.at[s1_v], r1_v, sem1)
        cp2 = pltpu.async_copy(y_hbm.at[s2_v], r2_v, sem2)
        cp1.wait()
        cp2.wait()

        def tok_body(t, _):
            idx = jnp.full((L,), t, jnp.int32)
            gv1 = plsc.load_gather(g1_v, [idx])
            gv2 = plsc.load_gather(g2_v, [idx])
            p1 = gv1 != 0.0
            p2 = gv2 != 0.0
            zero = jnp.zeros((L,), jnp.float32)
            for j in range(d // L):
                a = r1_v[t, pl.ds(j * L, L)]
                b = r2_v[t, pl.ds(j * L, L)]
                va = jnp.where(p1, a * gv1, zero)
                vb = jnp.where(p2, b * gv2, zero)
                r1_v[t, pl.ds(j * L, L)] = va + vb
            return 0
        lax.fori_loop(0, tok_per_w, tok_body, 0)
        pltpu.sync_copy(r1_v, out_hbm.at[pl.ds(t0, tok_per_w)])

    out = combine(y, dst1, dst2, g1, g2)
    out = out.reshape(b_, s_, d)

    balance_loss = aux[0, 0]
    router_z_loss = aux[0, 1]
    total_aux_loss = aux[0, 2]
    return out, total_aux_loss, balance_loss, router_z_loss

# --- scband reference (transcript-rebuilt; emitter-appended) ---
"""Pipeline reference for scband-spatial-stmo-e-38182259261877 (READ-ONLY COPY).

The authoritative reference and input builder live on the scoring server;
editing this copy changes nothing except your own understanding.
"""

import jax, jax.numpy as jnp
import numpy as np
import math

B = 1
S = 2048
DIM = 768
E = 64
TOPK = 2
HID = int(DIM * 4 * 2 / 3)
CF = 1.25
THRESH = 0.2


def setup_inputs(seed: int = 0) -> dict:
    key = jax.random.key(seed)
    ks = jax.random.split(key, 8)
    x = jax.random.normal(ks[0], (B, S, DIM), dtype=jnp.float32)
    std_g = DIM ** -0.5
    W_g = jax.random.normal(ks[1], (DIM, E), dtype=jnp.float32) * std_g
    ln_g = jnp.ones((E, DIM), dtype=jnp.float32)
    ln_b = jnp.zeros((E, DIM), dtype=jnp.float32)
    s1 = HID ** -0.5
    W1 = jax.random.uniform(ks[2], (E, DIM, HID), minval=-s1, maxval=s1, dtype=jnp.float32)
    b1 = jax.random.uniform(ks[3], (E, HID), minval=-s1, maxval=s1, dtype=jnp.float32)
    s2 = DIM ** -0.5
    W2 = jax.random.uniform(ks[4], (E, HID, DIM), minval=-s2, maxval=s2, dtype=jnp.float32)
    b2 = jax.random.uniform(ks[5], (E, DIM), minval=-s2, maxval=s2, dtype=jnp.float32)
    return {"x": x, "W_g": W_g, "ln_g": ln_g, "ln_b": ln_b, "W1": W1, "b1": b1, "W2": W2, "b2": b2}


def reference(x, W_g, ln_g, ln_b, W1, b1, W2, b2):
    B_, S_, d = x.shape
    N = B_ * S_
    xt = x.reshape(N, d)
    # router
    logits = xt @ W_g                      # [N, E]
    probs = jax.nn.softmax(logits, axis=-1)
    gates, idxs = jax.lax.top_k(probs, TOPK)  # [N, TOPK]
    capacity = int(math.ceil(TOPK * N / E * CF))
    e1 = idxs[:, 0]
    e2 = idxs[:, 1]
    mask1 = jax.nn.one_hot(e1, E, dtype=jnp.float32)
    mask2 = jax.nn.one_hot(e2, E, dtype=jnp.float32)
    loc1 = jnp.cumsum(mask1, axis=0) - 1.0
    loc2 = jnp.cumsum(mask2, axis=0) - 1.0 + jnp.sum(mask1, axis=0, keepdims=True)
    pos1 = jnp.sum(loc1 * mask1, axis=1).astype(jnp.int32)
    pos2 = jnp.sum(loc2 * mask2, axis=1).astype(jnp.int32)
    keep1 = (pos1 < capacity).astype(x.dtype)
    keep2 = ((pos2 < capacity) & (gates[:, 1] > THRESH)).astype(x.dtype)
    p1 = jnp.clip(pos1, 0, capacity - 1)
    p2 = jnp.clip(pos2, 0, capacity - 1)
    # dispatch (scatter-add into per-expert buffers)
    buf = jnp.zeros((E, capacity, d), dtype=x.dtype)
    buf = buf.at[e1, p1].add(xt * keep1[:, None])
    buf = buf.at[e2, p2].add(xt * keep2[:, None])
    # per-expert FFN: LayerNorm -> Linear -> LeakyReLU -> Linear  (Expert_alt)
    mu = jnp.mean(buf, axis=-1, keepdims=True)
    var = jnp.var(buf, axis=-1, keepdims=True)
    normed = (buf - mu) * jax.lax.rsqrt(var + 1e-5) * ln_g[:, None, :] + ln_b[:, None, :]
    h = jax.nn.leaky_relu(jnp.einsum('ecd,edh->ech', normed, W1) + b1[:, None, :], 0.01)
    y = jnp.einsum('ech,ehd->ecd', h, W2) + b2[:, None, :]
    # combine (gather back, gate-weighted)
    out = y[e1, p1] * (gates[:, 0] * keep1)[:, None] + y[e2, p2] * (gates[:, 1] * keep2)[:, None]
    out = out.reshape(B_, S_, d)
    # aux losses
    density = jnp.mean(probs, axis=0)
    f = jnp.mean(mask1, axis=0)
    balance_loss = E * jnp.sum(f * density)
    z = jax.nn.logsumexp(logits, axis=-1)
    router_z_loss = jnp.mean(z ** 2)
    total_aux_loss = 0.01 * balance_loss + 0.001 * router_z_loss
    return out, total_aux_loss, balance_loss, router_z_loss

if __name__ == "__main__":
    import jax
    _d = setup_inputs()
    print(jax.jit(kernel)(*tuple(_d.values())))

</pallas_src>

<mosaic_0001>
#map = affine_map<(d0, d1) -> (0, 0)>
#map1 = affine_map<(d0, d1) -> (0)>
module attributes {stable_mosaic.version = 14 : i64} {
  func.func @combine(%arg0: i32, %arg1: i32, %arg2: memref<5120x768xf32, #tpu.memory_space<hbm>>, %arg3: memref<2048xi32, #tpu.memory_space<hbm>>, %arg4: memref<2048xi32, #tpu.memory_space<hbm>>, %arg5: memref<2048xf32, #tpu.memory_space<hbm>>, %arg6: memref<2048xf32, #tpu.memory_space<hbm>>, %arg7: memref<2048x768xf32, #tpu.memory_space<hbm>>, %arg8: memref<64xi32, #tpu.memory_space<vmem>>, %arg9: memref<64xi32, #tpu.memory_space<vmem>>, %arg10: memref<64xf32, #tpu.memory_space<vmem>>, %arg11: memref<64xf32, #tpu.memory_space<vmem>>, %arg12: memref<64x768xf32, #tpu.memory_space<vmem>>, %arg13: memref<64x768xf32, #tpu.memory_space<vmem>>, %arg14: memref<!tpu.dma_semaphore, #tpu.memory_space<semaphore_mem>>, %arg15: memref<!tpu.dma_semaphore, #tpu.memory_space<semaphore_mem>>) attributes {dimension_semantics = [#tpu.dimension_semantics<core_parallel>, #tpu.dimension_semantics<subcore_parallel>], iteration_bounds = array<i64: 2, 16>, scalar_prefetch = 0 : i64, scratch_operands = 8 : i64, tpu.core_type = #tpu.core_type<sc_vector_subcore>, window_params = [{transform_indices = #map}, {transform_indices = #map1}, {transform_indices = #map1}, {transform_indices = #map1}, {transform_indices = #map1}, {transform_indices = #map}]} {
    %mul3A = arith.constant 2 : i32
    %mul3A_0 = arith.muli %arg1, %mul3A : i32
    %add3A = arith.addi %mul3A_0, %arg0 : i32
    %mul3A_1 = arith.constant 64 : i32
    %mul3A_2 = arith.muli %add3A, %mul3A_1 : i32
    "tpu.region"() ({
      %run_scoped3A = tpu.sem_alloc : memref<!tpu.dma_semaphore, #tpu.memory_space<semaphore_mem>>
      %dma_start3A_19 = tpu.memref_slice %arg3[%mul3A_2] : memref<2048xi32, #tpu.memory_space<hbm>> -> memref<64xi32, #tpu.memory_space<hbm>>
      %dma_start3A_20 = tpu.memref_slice %arg3[%mul3A_2] : memref<2048xi32, #tpu.memory_space<hbm>> -> memref<64xi32, #tpu.memory_space<hbm>>
      tpu.enqueue_dma source(%dma_start3A_20 : memref<64xi32, #tpu.memory_space<hbm>>) target(%arg8 : memref<64xi32, #tpu.memory_space<vmem>>) target_semaphore(%run_scoped3A : memref<!tpu.dma_semaphore, #tpu.memory_space<semaphore_mem>>)
      %dma_wait3A_21 = tpu.memref_slice %arg3[%mul3A_2] : memref<2048xi32, #tpu.memory_space<hbm>> -> memref<64xi32, #tpu.memory_space<hbm>>
      %dma_wait3A_22 = tpu.memref_slice %arg3[%mul3A_2] : memref<2048xi32, #tpu.memory_space<hbm>> -> memref<64xi32, #tpu.memory_space<hbm>>
      tpu.wait_dma2 semaphore(%run_scoped3A : memref<!tpu.dma_semaphore, #tpu.memory_space<semaphore_mem>>) src(%dma_wait3A_22 : memref<64xi32, #tpu.memory_space<hbm>>) dst(%arg8 : memref<64xi32, #tpu.memory_space<vmem>>)
      tpu.yield
    }) : () -> ()
    "tpu.region"() ({
      %run_scoped3A = tpu.sem_alloc : memref<!tpu.dma_semaphore, #tpu.memory_space<semaphore_mem>>
      %dma_start3A_19 = tpu.memref_slice %arg4[%mul3A_2] : memref<2048xi32, #tpu.memory_space<hbm>> -> memref<64xi32, #tpu.memory_space<hbm>>
      %dma_start3A_20 = tpu.memref_slice %arg4[%mul3A_2] : memref<2048xi32, #tpu.memory_space<hbm>> -> memref<64xi32, #tpu.memory_space<hbm>>
      tpu.enqueue_dma source(%dma_start3A_20 : memref<64xi32, #tpu.memory_space<hbm>>) target(%arg9 : memref<64xi32, #tpu.memory_space<vmem>>) target_semaphore(%run_scoped3A : memref<!tpu.dma_semaphore, #tpu.memory_space<semaphore_mem>>)
      %dma_wait3A_21 = tpu.memref_slice %arg4[%mul3A_2] : memref<2048xi32, #tpu.memory_space<hbm>> -> memref<64xi32, #tpu.memory_space<hbm>>
      %dma_wait3A_22 = tpu.memref_slice %arg4[%mul3A_2] : memref<2048xi32, #tpu.memory_space<hbm>> -> memref<64xi32, #tpu.memory_space<hbm>>
      tpu.wait_dma2 semaphore(%run_scoped3A : memref<!tpu.dma_semaphore, #tpu.memory_space<semaphore_mem>>) src(%dma_wait3A_22 : memref<64xi32, #tpu.memory_space<hbm>>) dst(%arg9 : memref<64xi32, #tpu.memory_space<vmem>>)
      tpu.yield
    }) : () -> ()
    "tpu.region"() ({
      %run_scoped3A = tpu.sem_alloc : memref<!tpu.dma_semaphore, #tpu.memory_space<semaphore_mem>>
      %dma_start3A_19 = tpu.memref_slice %arg5[%mul3A_2] : memref<2048xf32, #tpu.memory_space<hbm>> -> memref<64xf32, #tpu.memory_space<hbm>>
      %dma_start3A_20 = tpu.memref_slice %arg5[%mul3A_2] : memref<2048xf32, #tpu.memory_space<hbm>> -> memref<64xf32, #tpu.memory_space<hbm>>
      tpu.enqueue_dma source(%dma_start3A_20 : memref<64xf32, #tpu.memory_space<hbm>>) target(%arg10 : memref<64xf32, #tpu.memory_space<vmem>>) target_semaphore(%run_scoped3A : memref<!tpu.dma_semaphore, #tpu.memory_space<semaphore_mem>>)
      %dma_wait3A_21 = tpu.memref_slice %arg5[%mul3A_2] : memref<2048xf32, #tpu.memory_space<hbm>> -> memref<64xf32, #tpu.memory_space<hbm>>
      %dma_wait3A_22 = tpu.memref_slice %arg5[%mul3A_2] : memref<2048xf32, #tpu.memory_space<hbm>> -> memref<64xf32, #tpu.memory_space<hbm>>
      tpu.wait_dma2 semaphore(%run_scoped3A : memref<!tpu.dma_semaphore, #tpu.memory_space<semaphore_mem>>) src(%dma_wait3A_22 : memref<64xf32, #tpu.memory_space<hbm>>) dst(%arg10 : memref<64xf32, #tpu.memory_space<vmem>>)
      tpu.yield
    }) : () -> ()
    "tpu.region"() ({
      %run_scoped3A = tpu.sem_alloc : memref<!tpu.dma_semaphore, #tpu.memory_space<semaphore_mem>>
      %dma_start3A_19 = tpu.memref_slice %arg6[%mul3A_2] : memref<2048xf32, #tpu.memory_space<hbm>> -> memref<64xf32, #tpu.memory_space<hbm>>
      %dma_start3A_20 = tpu.memref_slice %arg6[%mul3A_2] : memref<2048xf32, #tpu.memory_space<hbm>> -> memref<64xf32, #tpu.memory_space<hbm>>
      tpu.enqueue_dma source(%dma_start3A_20 : memref<64xf32, #tpu.memory_space<hbm>>) target(%arg11 : memref<64xf32, #tpu.memory_space<vmem>>) target_semaphore(%run_scoped3A : memref<!tpu.dma_semaphore, #tpu.memory_space<semaphore_mem>>)
      %dma_wait3A_21 = tpu.memref_slice %arg6[%mul3A_2] : memref<2048xf32, #tpu.memory_space<hbm>> -> memref<64xf32, #tpu.memory_space<hbm>>
      %dma_wait3A_22 = tpu.memref_slice %arg6[%mul3A_2] : memref<2048xf32, #tpu.memory_space<hbm>> -> memref<64xf32, #tpu.memory_space<hbm>>
      tpu.wait_dma2 semaphore(%run_scoped3A : memref<!tpu.dma_semaphore, #tpu.memory_space<semaphore_mem>>) src(%dma_wait3A_22 : memref<64xf32, #tpu.memory_space<hbm>>) dst(%arg11 : memref<64xf32, #tpu.memory_space<vmem>>)
      tpu.yield
    }) : () -> ()
    %dma_start3A = arith.constant 0 : i32
    %dma_start3A_3 = arith.constant 0 : i32
    %dma_start3A_4 = tpu.memref_slice %arg2[%dma_start3A, %dma_start3A_3] : memref<5120x768xf32, #tpu.memory_space<hbm>> -> memref<5120x768xf32, #tpu.memory_space<hbm>>
    tpu.enqueue_indirect_dma source(%dma_start3A_4 : memref<5120x768xf32, #tpu.memory_space<hbm>>) target(%arg12 : memref<64x768xf32, #tpu.memory_space<vmem>>) offsets(%arg8 : memref<64xi32, #tpu.memory_space<vmem>>) semaphore(%arg14 : memref<!tpu.dma_semaphore, #tpu.memory_space<semaphore_mem>>)
    %dma_start3A_5 = arith.constant 0 : i32
    %dma_start3A_6 = arith.constant 0 : i32
    %dma_start3A_7 = tpu.memref_slice %arg2[%dma_start3A_5, %dma_start3A_6] : memref<5120x768xf32, #tpu.memory_space<hbm>> -> memref<5120x768xf32, #tpu.memory_space<hbm>>
    tpu.enqueue_indirect_dma source(%dma_start3A_7 : memref<5120x768xf32, #tpu.memory_space<hbm>>) target(%arg13 : memref<64x768xf32, #tpu.memory_space<vmem>>) offsets(%arg9 : memref<64xi32, #tpu.memory_space<vmem>>) semaphore(%arg15 : memref<!tpu.dma_semaphore, #tpu.memory_space<semaphore_mem>>)
    %dma_wait3A = arith.constant 0 : i32
    %dma_wait3A_8 = arith.constant 0 : i32
    %dma_wait3A_9 = tpu.memref_slice %arg2[%dma_wait3A, %dma_wait3A_8] : memref<5120x768xf32, #tpu.memory_space<hbm>> -> memref<5120x768xf32, #tpu.memory_space<hbm>>
    tpu.wait_indirect_dma semaphore(%arg14 : memref<!tpu.dma_semaphore, #tpu.memory_space<semaphore_mem>>) src(%dma_wait3A_9 : memref<5120x768xf32, #tpu.memory_space<hbm>>) dst(%arg12 : memref<64x768xf32, #tpu.memory_space<vmem>>)
    %dma_wait3A_10 = arith.constant 0 : i32
    %dma_wait3A_11 = arith.constant 0 : i32
    %dma_wait3A_12 = tpu.memref_slice %arg2[%dma_wait3A_10, %dma_wait3A_11] : memref<5120x768xf32, #tpu.memory_space<hbm>> -> memref<5120x768xf32, #tpu.memory_space<hbm>>
    tpu.wait_indirect_dma semaphore(%arg15 : memref<!tpu.dma_semaphore, #tpu.memory_space<semaphore_mem>>) src(%dma_wait3A_12 : memref<5120x768xf32, #tpu.memory_space<hbm>>) dst(%arg13 : memref<64x768xf32, #tpu.memory_space<vmem>>)
    %scan3A = arith.constant 0 : i32
    %scan3A_13 = arith.constant 0 : i32
    %scan3A_14 = arith.constant 64 : i32
    %scan3A_15 = arith.addi %scan3A_13, %scan3A_14 : i32
    %scan3A_16 = arith.constant 1 : i32
    %scan3A_17 = scf.for %scan3A_19 = %scan3A_13 to %scan3A_15 step %scan3A_16 iter_args(%scan3A_20 = %scan3A) -> (i32)  : i32 {
      %broadcast_in_dim3A = vector.broadcast %scan3A_19 : i32 to vector<16xi32>
      %gather3A = tpu.vector_load_idx %arg10[%broadcast_in_dim3A] : memref<64xf32, #tpu.memory_space<vmem>>[vector<16xi32>], vector<16xf32>,
      %gather3A_21 = tpu.vector_load_idx %arg11[%broadcast_in_dim3A] : memref<64xf32, #tpu.memory_space<vmem>>[vector<16xi32>], vector<16xf32>,
      %ne3A = arith.constant 0.000000e+00 : f32
      %ne3A_22 = vector.broadcast %ne3A : f32 to vector<16xf32>
      %ne3A_23 = arith.cmpf one, %gather3A, %ne3A_22 : vector<16xf32>
      %ne3A_24 = arith.constant 0.000000e+00 : f32
      %ne3A_25 = vector.broadcast %ne3A_24 : f32 to vector<16xf32>
      %ne3A_26 = arith.cmpf one, %gather3A_21, %ne3A_25 : vector<16xf32>
      %broadcast_in_dim3A_27 = arith.constant 0.000000e+00 : f32
      %broadcast_in_dim3A_28 = vector.broadcast %broadcast_in_dim3A_27 : f32 to vector<16xf32>
      %get3A = arith.index_cast %scan3A_19 : i32 to index
      %get3A_29 = arith.constant 0 : index
      %get3A_30 = tpu.vector_load %arg12[%get3A, %get3A_29] {strides = array<i32>} : memref<64x768xf32, #tpu.memory_space<vmem>>, vector<16xf32>,
      %get3A_31 = arith.index_cast %scan3A_19 : i32 to index
      %get3A_32 = arith.constant 0 : index
      %get3A_33 = tpu.vector_load %arg13[%get3A_31, %get3A_32] {strides = array<i32>} : memref<64x768xf32, #tpu.memory_space<vmem>>, vector<16xf32>,
      %mul3A_34 = arith.mulf %get3A_30, %gather3A : vector<16xf32>
      %select_n3A = arith.select %ne3A_23, %mul3A_34, %broadcast_in_dim3A_28 : vector<16xi1>, vector<16xf32>
      %mul3A_35 = arith.mulf %get3A_33, %gather3A_21 : vector<16xf32>
      %select_n3A_36 = arith.select %ne3A_26, %mul3A_35, %broadcast_in_dim3A_28 : vector<16xi1>, vector<16xf32>
      %add3A_37 = arith.addf %select_n3A, %select_n3A_36 : vector<16xf32>
      %swap3A = arith.index_cast %scan3A_19 : i32 to index
      %swap3A_38 = arith.constant 0 : index
      %swap3A_39 = tpu.vector_load %arg12[%swap3A, %swap3A_38] {strides = array<i32>} : memref<64x768xf32, #tpu.memory_space<vmem>>, vector<16xf32>,
      tpu.vector_store %arg12[%swap3A, %swap3A_38], %add3A_37 {strides = array<i32>} : memref<64x768xf32, #tpu.memory_space<vmem>>, vector<16xf32>,
      %get3A_40 = arith.index_cast %scan3A_19 : i32 to index
      %get3A_41 = arith.constant 16 : index
      %get3A_42 = tpu.vector_load %arg12[%get3A_40, %get3A_41] {strides = array<i32>} : memref<64x768xf32, #tpu.memory_space<vmem>>, vector<16xf32>,
      %get3A_43 = arith.index_cast %scan3A_19 : i32 to index
      %get3A_44 = arith.constant 16 : index
      %get3A_45 = tpu.vector_load %arg13[%get3A_43, %get3A_44] {strides = array<i32>} : memref<64x768xf32, #tpu.memory_space<vmem>>, vector<16xf32>,
      %mul3A_46 = arith.mulf %get3A_42, %gather3A : vector<16xf32>
      %select_n3A_47 = arith.select %ne3A_23, %mul3A_46, %broadcast_in_dim3A_28 : vector<16xi1>, vector<16xf32>
      %mul3A_48 = arith.mulf %get3A_45, %gather3A_21 : vector<16xf32>
      %select_n3A_49 = arith.select %ne3A_26, %mul3A_48, %broadcast_in_dim3A_28 : vector<16xi1>, vector<16xf32>
      %add3A_50 = arith.addf %select_n3A_47, %select_n3A_49 : vector<16xf32>
      %swap3A_51 = arith.index_cast %scan3A_19 : i32 to index
      %swap3A_52 = arith.constant 16 : index
      %swap3A_53 = tpu.vector_load %arg12[%swap3A_51, %swap3A_52] {strides = array<i32>} : memref<64x768xf32, #tpu.memory_space<vmem>>, vector<16xf32>,
      tpu.vector_store %arg12[%swap3A_51, %swap3A_52], %add3A_50 {strides = array<i32>} : memref<64x768xf32, #tpu.memory_space<vmem>>, vector<16xf32>,
      %get3A_54 = arith.index_cast %scan3A_19 : i32 to index
      %get3A_55 = arith.constant 32 : index
      %get3A_56 = tpu.vector_load %arg12[%get3A_54, %get3A_55] {strides = array<i32>} : memref<64x768xf32, #tpu.memory_space<vmem>>, vector<16xf32>,
      %get3A_57 = arith.index_cast %scan3A_19 : i32 to index
      %get3A_58 = arith.constant 32 : index
      %get3A_59 = tpu.vector_load %arg13[%get3A_57, %get3A_58] {strides = array<i32>} : memref<64x768xf32, #tpu.memory_space<vmem>>, vector<16xf32>,
      %mul3A_60 = arith.mulf %get3A_56, %gather3A : vector<16xf32>
      %select_n3A_61 = arith.select %ne3A_23, %mul3A_60, %broadcast_in_dim3A_28 : vector<16xi1>, vector<16xf32>
      %mul3A_62 = arith.mulf %get3A_59, %gather3A_21 : vector<16xf32>
      %select_n3A_63 = arith.select %ne3A_26, %mul3A_62, %broadcast_in_dim3A_28 : vector<16xi1>, vector<16xf32>
      %add3A_64 = arith.addf %select_n3A_61, %select_n3A_63 : vector<16xf32>
      %swap3A_65 = arith.index_cast %scan3A_19 : i32 to index
      %swap3A_66 = arith.constant 32 : index
      %swap3A_67 = tpu.vector_load %arg12[%swap3A_65, %swap3A_66] {strides = array<i32>} : memref<64x768xf32, #tpu.memory_space<vmem>>, vector<16xf32>,
      tpu.vector_store %arg12[%swap3A_65, %swap3A_66], %add3A_64 {strides = array<i32>} : memref<64x768xf32, #tpu.memory_space<vmem>>, vector<16xf32>,
      %get3A_68 = arith.index_cast %scan3A_19 : i32 to index
      %get3A_69 = arith.constant 48 : index
      %get3A_70 = tpu.vector_load %arg12[%get3A_68, %get3A_69] {strides = array<i32>} : memref<64x768xf32, #tpu.memory_space<vmem>>, vector<16xf32>,
      %get3A_71 = arith.index_cast %scan3A_19 : i32 to index
      %get3A_72 = arith.constant 48 : index
      %get3A_73 = tpu.vector_load %arg13[%get3A_71, %get3A_72] {strides = array<i32>} : memref<64x768xf32, #tpu.memory_space<vmem>>, vector<16xf32>,
      %mul3A_74 = arith.mulf %get3A_70, %gather3A : vector<16xf32>
      %select_n3A_75 = arith.select %ne3A_23, %mul3A_74, %broadcast_in_dim3A_28 : vector<16xi1>, vector<16xf32>
      %mul3A_76 = arith.mulf %get3A_73, %gather3A_21 : vector<16xf32>
      %select_n3A_77 = arith.select %ne3A_26, %mul3A_76, %broadcast_in_dim3A_28 : vector<16xi1>, vector<16xf32>
      %add3A_78 = arith.addf %select_n3A_75, %select_n3A_77 : vector<16xf32>
      %swap3A_79 = arith.index_cast %scan3A_19 : i32 to index
      %swap3A_80 = arith.constant 48 : index
      %swap3A_81 = tpu.vector_load %arg12[%swap3A_79, %swap3A_80] {strides = array<i32>} : memref<64x768xf32, #tpu.memory_space<vmem>>, vector<16xf32>,
      tpu.vector_store %arg12[%swap3A_79, %swap3A_80], %add3A_78 {strides = array<i32>} : memref<64x768xf32, #tpu.memory_space<vmem>>, vector<16xf32>,
      %get3A_82 = arith.index_cast %scan3A_19 : i32 to index
      %get3A_83 = arith.constant 64 : index
      %get3A_84 = tpu.vector_load %arg12[%get3A_82, %get3A_83] {strides = array<i32>} : memref<64x768xf32, #tpu.memory_space<vmem>>, vector<16xf32>,
      %get3A_85 = arith.index_cast %scan3A_19 : i32 to index
      %get3A_86 = arith.constant 64 : index
      %get3A_87 = tpu.vector_load %arg13[%get3A_85, %get3A_86] {strides = array<i32>} : memref<64x768xf32, #tpu.memory_space<vmem>>, vector<16xf32>,
      %mul3A_88 = arith.mulf %get3A_84, %gather3A : vector<16xf32>
      %select_n3A_89 = arith.select %ne3A_23, %mul3A_88, %broadcast_in_dim3A_28 : vector<16xi1>, vector<16xf32>
      %mul3A_90 = arith.mulf %get3A_87, %gather3A_21 : vector<16xf32>
      %select_n3A_91 = arith.select %ne3A_26, %mul3A_90, %broadcast_in_dim3A_28 : vector<16xi1>, vector<16xf32>
      %add3A_92 = arith.addf %select_n3A_89, %select_n3A_91 : vector<16xf32>
      %swap3A_93 = arith.index_cast %scan3A_19 : i32 to index
      %swap3A_94 = arith.constant 64 : index
      %swap3A_95 = tpu.vector_load %arg12[%swap3A_93, %swap3A_94] {strides = array<i32>} : memref<64x768xf32, #tpu.memory_space<vmem>>, vector<16xf32>,
      tpu.vector_store %arg12[%swap3A_93, %swap3A_94], %add3A_92 {strides = array<i32>} : memref<64x768xf32, #tpu.memory_space<vmem>>, vector<16xf32>,
      %get3A_96 = arith.index_cast %scan3A_19 : i32 to index
      %get3A_97 = arith.constant 80 : index
      %get3A_98 = tpu.vector_load %arg12[%get3A_96, %get3A_97] {strides = array<i32>} : memref<64x768xf32, #tpu.memory_space<vmem>>, vector<16xf32>,
      %get3A_99 = arith.index_cast %scan3A_19 : i32 to index
      %get3A_100 = arith.constant 80 : index
      %get3A_101 = tpu.vector_load %arg13[%get3A_99, %get3A_100] {strides = array<i32>} : memref<64x768xf32, #tpu.memory_space<vmem>>, vector<16xf32>,
      %mul3A_102 = arith.mulf %get3A_98, %gather3A : vector<16xf32>
      %select_n3A_103 = arith.select %ne3A_23, %mul3A_102, %broadcast_in_dim3A_28 : vector<16xi1>, vector<16xf32>
      %mul3A_104 = arith.mulf %get3A_101, %gather3A_21 : vector<16xf32>
      %select_n3A_105 = arith.select %ne3A_26, %mul3A_104, %broadcast_in_dim3A_28 : vector<16xi1>, vector<16xf32>
      %add3A_106 = arith.addf %select_n3A_103, %select_n3A_105 : vector<16xf32>
      %swap3A_107 = arith.index_cast %scan3A_19 : i32 to index
      %swap3A_108 = arith.constant 80 : index
      %swap3A_109 = tpu.vector_load %arg12[%swap3A_107, %swap3A_108] {strides = array<i32>} : memref<64x768xf32, #tpu.memory_space<vmem>>, vector<16xf32>,
      tpu.vector_store %arg12[%swap3A_107, %swap3A_108], %add3A_106 {strides = array<i32>} : memref<64x768xf32, #tpu.memory_space<vmem>>, vector<16xf32>,
      %get3A_110 = arith.index_cast %scan3A_19 : i32 to index
      %get3A_111 = arith.constant 96 : index
      %get3A_112 = tpu.vector_load %arg12[%get3A_110, %get3A_111] {strides = array<i32>} : memref<64x768xf32, #tpu.memory_space<vmem>>, vector<16xf32>,
      %get3A_113 = arith.index_cast %scan3A_19 : i32 to index
      %get3A_114 = arith.constant 96 : index
      %get3A_115 = tpu.vector_load %arg13[%get3A_113, %get3A_114] {strides = array<i32>} : memref<64x768xf32, #tpu.memory_space<vmem>>, vector<16xf32>,
      %mul3A_116 = arith.mulf %get3A_112, %gather3A : vector<16xf32>
      %select_n3A_117 = arith.select %ne3A_23, %mul3A_116, %broadcast_in_dim3A_28 : vector<16xi1>, vector<16xf32>
      %mul3A_118 = arith.mulf %get3A_115, %gather3A_21 : vector<16xf32>
      %select_n3A_119 = arith.select %ne3A_26, %mul3A_118, %broadcast_in_dim3A_28 : vector<16xi1>, vector<16xf32>
      %add3A_120 = arith.addf %select_n3A_117, %select_n3A_119 : vector<16xf32>
      %swap3A_121 = arith.index_cast %scan3A_19 : i32 to index
      %swap3A_122 = arith.constant 96 : index
      %swap3A_123 = tpu.vector_load %arg12[%swap3A_121, %swap3A_122] {strides = array<i32>} : memref<64x768xf32, #tpu.memory_space<vmem>>, vector<16xf32>,
      tpu.vector_store %arg12[%swap3A_121, %swap3A_122], %add3A_120 {strides = array<i32>} : memref<64x768xf32, #tpu.memory_space<vmem>>, vector<16xf32>,
      %get3A_124 = arith.index_cast %scan3A_19 : i32 to index
      %get3A_125 = arith.constant 112 : index
      %get3A_126 = tpu.vector_load %arg12[%get3A_124, %get3A_125] {strides = array<i32>} : memref<64x768xf32, #tpu.memory_space<vmem>>, vector<16xf32>,
      %get3A_127 = arith.index_cast %scan3A_19 : i32 to index
      %get3A_128 = arith.constant 112 : index
      %get3A_129 = tpu.vector_load %arg13[%get3A_127, %get3A_128] {strides = array<i32>} : memref<64x768xf32, #tpu.memory_space<vmem>>, vector<16xf32>,
      %mul3A_130 = arith.mulf %get3A_126, %gather3A : vector<16xf32>
      %select_n3A_131 = arith.select %ne3A_23, %mul3A_130, %broadcast_in_dim3A_28 : vector<16xi1>, vector<16xf32>
      %mul3A_132 = arith.mulf %get3A_129, %gather3A_21 : vector<16xf32>
      %select_n3A_133 = arith.select %ne3A_26, %mul3A_132, %broadcast_in_dim3A_28 : vector<16xi1>, vector<16xf32>
      %add3A_134 = arith.addf %select_n3A_131, %select_n3A_133 : vector<16xf32>
      %swap3A_135 = arith.index_cast %scan3A_19 : i32 to index
      %swap3A_136 = arith.constant 112 : index
      %swap3A_137 = tpu.vector_load %arg12[%swap3A_135, %swap3A_136] {strides = array<i32>} : memref<64x768xf32, #tpu.memory_space<vmem>>, vector<16xf32>,
      tpu.vector_store %arg12[%swap3A_135, %swap3A_136], %add3A_134 {strides = array<i32>} : memref<64x768xf32, #tpu.memory_space<vmem>>, vector<16xf32>,
      %get3A_138 = arith.index_cast %scan3A_19 : i32 to index
      %get3A_139 = arith.constant 128 : index
      %get3A_140 = tpu.vector_load %arg12[%get3A_138, %get3A_139] {strides = array<i32>} : memref<64x768xf32, #tpu.memory_space<vmem>>, vector<16xf32>,
      %get3A_141 = arith.index_cast %scan3A_19 : i32 to index
      %get3A_142 = arith.constant 128 : index
      %get3A_143 = tpu.vector_load %arg13[%get3A_141, %get3A_142] {strides = array<i32>} : memref<64x768xf32, #tpu.memory_space<vmem>>, vector<16xf32>,
      %mul3A_144 = arith.mulf %get3A_140, %gather3A : vector<16xf32>
      %select_n3A_145 = arith.select %ne3A_23, %mul3A_144, %broadcast_in_dim3A_28 : vector<16xi1>, vector<16xf32>
      %mul3A_146 = arith.mulf %get3A_143, %gather3A_21 : vector<16xf32>
      %select_n3A_147 = arith.select %ne3A_26, %mul3A_146, %broadcast_in_dim3A_28 : vector<16xi1>, vector<16xf32>
      %add3A_148 = arith.addf %select_n3A_145, %select_n3A_147 : vector<16xf32>
      %swap3A_149 = arith.index_cast %scan3A_19 : i32 to index
      %swap3A_150 = arith.constant 128 : index
      %swap3A_151 = tpu.vector_load %arg12[%swap3A_149, %swap3A_150] {strides = array<i32>} : memref<64x768xf32, #tpu.memory_space<vmem>>, vector<16xf32>,
      tpu.vector_store %arg12[%swap3A_149, %swap3A_150], %add3A_148 {strides = array<i32>} : memref<64x768xf32, #tpu.memory_space<vmem>>, vector<16xf32>,
      %get3A_152 = arith.index_cast %scan3A_19 : i32 to index
      %get3A_153 = arith.constant 144 : index
      %get3A_154 = tpu.vector_load %arg12[%get3A_152, %get3A_153] {strides = array<i32>} : memref<64x768xf32, #tpu.memory_space<vmem>>, vector<16xf32>,
      %get3A_155 = arith.index_cast %scan3A_19 : i32 to index
      %get3A_156 = arith.constant 144 : index
      %get3A_157 = tpu.vector_load %arg13[%get3A_155, %get3A_156] {strides = array<i32>} : memref<64x768xf32, #tpu.memory_space<vmem>>, vector<16xf32>,
      %mul3A_158 = arith.mulf %get3A_154, %gather3A : vector<16xf32>
      %select_n3A_159 = arith.select %ne3A_23, %mul3A_158, %broadcast_in_dim3A_28 : vector<16xi1>, vector<16xf32>
      %mul3A_160 = arith.mulf %get3A_157, %gather3A_21 : vector<16xf32>
      %select_n3A_161 = arith.select %ne3A_26, %mul3A_160, %broadcast_in_dim3A_28 : vector<16xi1>, vector<16xf32>
      %add3A_162 = arith.addf %select_n3A_159, %select_n3A_161 : vector<16xf32>
      %swap3A_163 = arith.index_cast %scan3A_19 : i32 to index
      %swap3A_164 = arith.constant 144 : index
      %swap3A_165 = tpu.vector_load %arg12[%swap3A_163, %swap3A_164] {strides = array<i32>} : memref<64x768xf32, #tpu.memory_space<vmem>>, vector<16xf32>,
      tpu.vector_store %arg12[%swap3A_163, %swap3A_164], %add3A_162 {strides = array<i32>} : memref<64x768xf32, #tpu.memory_space<vmem>>, vector<16xf32>,
      %get3A_166 = arith.index_cast %scan3A_19 : i32 to index
      %get3A_167 = arith.constant 160 : index
      %get3A_168 = tpu.vector_load %arg12[%get3A_166, %get3A_167] {strides = array<i32>} : memref<64x768xf32, #tpu.memory_space<vmem>>, vector<16xf32>,
      %get3A_169 = arith.index_cast %scan3A_19 : i32 to index
      %get3A_170 = arith.constant 160 : index
      %get3A_171 = tpu.vector_load %arg13[%get3A_169, %get3A_170] {strides = array<i32>} : memref<64x768xf32, #tpu.memory_space<vmem>>, vector<16xf32>,
      %mul3A_172 = arith.mulf %get3A_168, %gather3A : vector<16xf32>
      %select_n3A_173 = arith.select %ne3A_23, %mul3A_172, %broadcast_in_dim3A_28 : vector<16xi1>, vector<16xf32>
      %mul3A_174 = arith.mulf %get3A_171, %gather3A_21 : vector<16xf32>
      %select_n3A_175 = arith.select %ne3A_26, %mul3A_174, %broadcast_in_dim3A_28 : vector<16xi1>, vector<16xf32>
      %add3A_176 = arith.addf %select_n3A_173, %select_n3A_175 : vector<16xf32>
      %swap3A_177 = arith.index_cast %scan3A_19 : i32 to index
      %swap3A_178 = arith.constant 160 : index
      %swap3A_179 = tpu.vector_load %arg12[%swap3A_177, %swap3A_178] {strides = array<i32>} : memref<64x768xf32, #tpu.memory_space<vmem>>, vector<16xf32>,
      tpu.vector_store %arg12[%swap3A_177, %swap3A_178], %add3A_176 {strides = array<i32>} : memref<64x768xf32, #tpu.memory_space<vmem>>, vector<16xf32>,
      %get3A_180 = arith.index_cast %scan3A_19 : i32 to index
      %get3A_181 = arith.constant 176 : index
      %get3A_182 = tpu.vector_load %arg12[%get3A_180, %get3A_181] {strides = array<i32>} : memref<64x768xf32, #tpu.memory_space<vmem>>, vector<16xf32>,
      %get3A_183 = arith.index_cast %scan3A_19 : i32 to index
      %get3A_184 = arith.constant 176 : index
      %get3A_185 = tpu.vector_load %arg13[%get3A_183, %get3A_184] {strides = array<i32>} : memref<64x768xf32, #tpu.memory_space<vmem>>, vector<16xf32>,
      %mul3A_186 = arith.mulf %get3A_182, %gather3A : vector<16xf32>
      %select_n3A_187 = arith.select %ne3A_23, %mul3A_186, %broadcast_in_dim3A_28 : vector<16xi1>, vector<16xf32>
      %mul3A_188 = arith.mulf %get3A_185, %gather3A_21 : vector<16xf32>
      %select_n3A_189 = arith.select %ne3A_26, %mul3A_188, %broadcast_in_dim3A_28 : vector<16xi1>, vector<16xf32>
      %add3A_190 = arith.addf %select_n3A_187, %select_n3A_189 : vector<16xf32>
      %swap3A_191 = arith.index_cast %scan3A_19 : i32 to index
      %swap3A_192 = arith.constant 176 : index
      %swap3A_193 = tpu.vector_load %arg12[%swap3A_191, %swap3A_192] {strides = array<i32>} : memref<64x768xf32, #tpu.memory_space<vmem>>, vector<16xf32>,
      tpu.vector_store %arg12[%swap3A_191, %swap3A_192], %add3A_190 {strides = array<i32>} : memref<64x768xf32, #tpu.memory_space<vmem>>, vector<16xf32>,
      %get3A_194 = arith.index_cast %scan3A_19 : i32 to index
      %get3A_195 = arith.constant 192 : index
      %get3A_196 = tpu.vector_load %arg12[%get3A_194, %get3A_195] {strides = array<i32>} : memref<64x768xf32, #tpu.memory_space<vmem>>, vector<16xf32>,
      %get3A_197 = arith.index_cast %scan3A_19 : i32 to index
      %get3A_198 = arith.constant 192 : index
      %get3A_199 = tpu.vector_load %arg13[%get3A_197, %get3A_198] {strides = array<i32>} : memref<64x768xf32, #tpu.memory_space<vmem>>, vector<16xf32>,
      %mul3A_200 = arith.mulf %get3A_196, %gather3A : vector<16xf32>
      %select_n3A_201 = arith.select %ne3A_23, %mul3A_200, %broadcast_in_dim3A_28 : vector<16xi1>, vector<16xf32>
      %mul3A_202 = arith.mulf %get3A_199, %gather3A_21 : vector<16xf32>
      %select_n3A_203 = arith.select %ne3A_26, %mul3A_202, %broadcast_in_dim3A_28 : vector<16xi1>, vector<16xf32>
      %add3A_204 = arith.addf %select_n3A_201, %select_n3A_203 : vector<16xf32>
      %swap3A_205 = arith.index_cast %scan3A_19 : i32 to index
      %swap3A_206 = arith.constant 192 : index
      %swap3A_207 = tpu.vector_load %arg12[%swap3A_205, %swap3A_206] {strides = array<i32>} : memref<64x768xf32, #tpu.memory_space<vmem>>, vector<16xf32>,
      tpu.vector_store %arg12[%swap3A_205, %swap3A_206], %add3A_204 {strides = array<i32>} : memref<64x768xf32, #tpu.memory_space<vmem>>, vector<16xf32>,
      %get3A_208 = arith.index_cast %scan3A_19 : i32 to index
      %get3A_209 = arith.constant 208 : index
      %get3A_210 = tpu.vector_load %arg12[%get3A_208, %get3A_209] {strides = array<i32>} : memref<64x768xf32, #tpu.memory_space<vmem>>, vector<16xf32>,
      %get3A_211 = arith.index_cast %scan3A_19 : i32 to index
      %get3A_212 = arith.constant 208 : index
      %get3A_213 = tpu.vector_load %arg13[%get3A_211, %get3A_212] {strides = array<i32>} : memref<64x768xf32, #tpu.memory_space<vmem>>, vector<16xf32>,
      %mul3A_214 = arith.mulf %get3A_210, %gather3A : vector<16xf32>
      %select_n3A_215 = arith.select %ne3A_23, %mul3A_214, %broadcast_in_dim3A_28 : vector<16xi1>, vector<16xf32>
      %mul3A_216 = arith.mulf %get3A_213, %gather3A_21 : vector<16xf32>
      %select_n3A_217 = arith.select %ne3A_26, %mul3A_216, %broadcast_in_dim3A_28 : vector<16xi1>, vector<16xf32>
      %add3A_218 = arith.addf %select_n3A_215, %select_n3A_217 : vector<16xf32>
      %swap3A_219 = arith.index_cast %scan3A_19 : i32 to index
      %swap3A_220 = arith.constant 208 : index
      %swap3A_221 = tpu.vector_load %arg12[%swap3A_219, %swap3A_220] {strides = array<i32>} : memref<64x768xf32, #tpu.memory_space<vmem>>, vector<16xf32>,
      tpu.vector_store %arg12[%swap3A_219, %swap3A_220], %add3A_218 {strides = array<i32>} : memref<64x768xf32, #tpu.memory_space<vmem>>, vector<16xf32>,
      %get3A_222 = arith.index_cast %scan3A_19 : i32 to index
      %get3A_223 = arith.constant 224 : index
      %get3A_224 = tpu.vector_load %arg12[%get3A_222, %get3A_223] {strides = array<i32>} : memref<64x768xf32, #tpu.memory_space<vmem>>, vector<16xf32>,
      %get3A_225 = arith.index_cast %scan3A_19 : i32 to index
      %get3A_226 = arith.constant 224 : index
      %get3A_227 = tpu.vector_load %arg13[%get3A_225, %get3A_226] {strides = array<i32>} : memref<64x768xf32, #tpu.memory_space<vmem>>, vector<16xf32>,
      %mul3A_228 = arith.mulf %get3A_224, %gather3A : vector<16xf32>
      %select_n3A_229 = arith.select %ne3A_23, %mul3A_228, %broadcast_in_dim3A_28 : vector<16xi1>, vector<16xf32>
      %mul3A_230 = arith.mulf %get3A_227, %gather3A_21 : vector<16xf32>
      %select_n3A_231 = arith.select %ne3A_26, %mul3A_230, %broadcast_in_dim3A_28 : vector<16xi1>, vector<16xf32>
      %add3A_232 = arith.addf %select_n3A_229, %select_n3A_231 : vector<16xf32>
      %swap3A_233 = arith.index_cast %scan3A_19 : i32 to index
      %swap3A_234 = arith.constant 224 : index
      %swap3A_235 = tpu.vector_load %arg12[%swap3A_233, %swap3A_234] {strides = array<i32>} : memref<64x768xf32, #tpu.memory_space<vmem>>, vector<16xf32>,
      tpu.vector_store %arg12[%swap3A_233, %swap3A_234], %add3A_232 {strides = array<i32>} : memref<64x768xf32, #tpu.memory_space<vmem>>, vector<16xf32>,
      %get3A_236 = arith.index_cast %scan3A_19 : i32 to index
      %get3A_237 = arith.constant 240 : index
      %get3A_238 = tpu.vector_load %arg12[%get3A_236, %get3A_237] {strides = array<i32>} : memref<64x768xf32, #tpu.memory_space<vmem>>, vector<16xf32>,
      %get3A_239 = arith.index_cast %scan3A_19 : i32 to index
      %get3A_240 = arith.constant 240 : index
      %get3A_241 = tpu.vector_load %arg13[%get3A_239, %get3A_240] {strides = array<i32>} : memref<64x768xf32, #tpu.memory_space<vmem>>, vector<16xf32>,
      %mul3A_242 = arith.mulf %get3A_238, %gather3A : vector<16xf32>
      %select_n3A_243 = arith.select %ne3A_23, %mul3A_242, %broadcast_in_dim3A_28 : vector<16xi1>, vector<16xf32>
      %mul3A_244 = arith.mulf %get3A_241, %gather3A_21 : vector<16xf32>
      %select_n3A_245 = arith.select %ne3A_26, %mul3A_244, %broadcast_in_dim3A_28 : vector<16xi1>, vector<16xf32>
      %add3A_246 = arith.addf %select_n3A_243, %select_n3A_245 : vector<16xf32>
      %swap3A_247 = arith.index_cast %scan3A_19 : i32 to index
      %swap3A_248 = arith.constant 240 : index
      %swap3A_249 = tpu.vector_load %arg12[%swap3A_247, %swap3A_248] {strides = array<i32>} : memref<64x768xf32, #tpu.memory_space<vmem>>, vector<16xf32>,
      tpu.vector_store %arg12[%swap3A_247, %swap3A_248], %add3A_246 {strides = array<i32>} : memref<64x768xf32, #tpu.memory_space<vmem>>, vector<16xf32>,
      %get3A_250 = arith.index_cast %scan3A_19 : i32 to index
      %get3A_251 = arith.constant 256 : index
      %get3A_252 = tpu.vector_load %arg12[%get3A_250, %get3A_251] {strides = array<i32>} : memref<64x768xf32, #tpu.memory_space<vmem>>, vector<16xf32>,
      %get3A_253 = arith.index_cast %scan3A_19 : i32 to index
      %get3A_254 = arith.constant 256 : index
      %get3A_255 = tpu.vector_load %arg13[%get3A_253, %get3A_254] {strides = array<i32>} : memref<64x768xf32, #tpu.memory_space<vmem>>, vector<16xf32>,
      %mul3A_256 = arith.mulf %get3A_252, %gather3A : vector<16xf32>
      %select_n3A_257 = arith.select %ne3A_23, %mul3A_256, %broadcast_in_dim3A_28 : vector<16xi1>, vector<16xf32>
      %mul3A_258 = arith.mulf %get3A_255, %gather3A_21 : vector<16xf32>
      %select_n3A_259 = arith.select %ne3A_26, %mul3A_258, %broadcast_in_dim3A_28 : vector<16xi1>, vector<16xf32>
      %add3A_260 = arith.addf %select_n3A_257, %select_n3A_259 : vector<16xf32>
      %swap3A_261 = arith.index_cast %scan3A_19 : i32 to index
      %swap3A_262 = arith.constant 256 : index
      %swap3A_263 = tpu.vector_load %arg12[%swap3A_261, %swap3A_262] {strides = array<i32>} : memref<64x768xf32, #tpu.memory_space<vmem>>, vector<16xf32>,
      tpu.vector_store %arg12[%swap3A_261, %swap3A_262], %add3A_260 {strides = array<i32>} : memref<64x768xf32, #tpu.memory_space<vmem>>, vector<16xf32>,
      %get3A_264 = arith.index_cast %scan3A_19 : i32 to index
      %get3A_265 = arith.constant 272 : index
      %get3A_266 = tpu.vector_load %arg12[%get3A_264, %get3A_265] {strides = array<i32>} : memref<64x768xf32, #tpu.memory_space<vmem>>, vector<16xf32>,
      %get3A_267 = arith.index_cast %scan3A_19 : i32 to index
      %get3A_268 = arith.constant 272 : index
      %get3A_269 = tpu.vector_load %arg13[%get3A_267, %get3A_268] {strides = array<i32>} : memref<64x768xf32, #tpu.memory_space<vmem>>, vector<16xf32>,
      %mul3A_270 = arith.mulf %get3A_266, %gather3A : vector<16xf32>
      %select_n3A_271 = arith.select %ne3A_23, %mul3A_270, %broadcast_in_dim3A_28 : vector<16xi1>, vector<16xf32>
      %mul3A_272 = arith.mulf %get3A_269, %gather3A_21 : vector<16xf32>
      %select_n3A_273 = arith.select %ne3A_26, %mul3A_272, %broadcast_in_dim3A_28 : vector<16xi1>, vector<16xf32>
      %add3A_274 = arith.addf %select_n3A_271, %select_n3A_273 : vector<16xf32>
      %swap3A_275 = arith.index_cast %scan3A_19 : i32 to index
      %swap3A_276 = arith.constant 272 : index
      %swap3A_277 = tpu.vector_load %arg12[%swap3A_275, %swap3A_276] {strides = array<i32>} : memref<64x768xf32, #tpu.memory_space<vmem>>, vector<16xf32>,
      tpu.vector_store %arg12[%swap3A_275, %swap3A_276], %add3A_274 {strides = array<i32>} : memref<64x768xf32, #tpu.memory_space<vmem>>, vector<16xf32>,
      %get3A_278 = arith.index_cast %scan3A_19 : i32 to index
      %get3A_279 = arith.constant 288 : index
      %get3A_280 = tpu.vector_load %arg12[%get3A_278, %get3A_279] {strides = array<i32>} : memref<64x768xf32, #tpu.memory_space<vmem>>, vector<16xf32>,
      %get3A_281 = arith.index_cast %scan3A_19 : i32 to index
      %get3A_282 = arith.constant 288 : index
      %get3A_283 = tpu.vector_load %arg13[%get3A_281, %get3A_282] {strides = array<i32>} : memref<64x768xf32, #tpu.memory_space<vmem>>, vector<16xf32>,
      %mul3A_284 = arith.mulf %get3A_280, %gather3A : vector<16xf32>
      %select_n3A_285 = arith.select %ne3A_23, %mul3A_284, %broadcast_in_dim3A_28 : vector<16xi1>, vector<16xf32>
      %mul3A_286 = arith.mulf %get3A_283, %gather3A_21 : vector<16xf32>
      %select_n3A_287 = arith.select %ne3A_26, %mul3A_286, %broadcast_in_dim3A_28 : vector<16xi1>, vector<16xf32>
      %add3A_288 = arith.addf %select_n3A_285, %select_n3A_287 : vector<16xf32>
      %swap3A_289 = arith.index_cast %scan3A_19 : i32 to index
      %swap3A_290 = arith.constant 288 : index
      %swap3A_291 = tpu.vector_load %arg12[%swap3A_289, %swap3A_290] {strides = array<i32>} : memref<64x768xf32, #tpu.memory_space<vmem>>, vector<16xf32>,
      tpu.vector_store %arg12[%swap3A_289, %swap3A_290], %add3A_288 {strides = array<i32>} : memref<64x768xf32, #tpu.memory_space<vmem>>, vector<16xf32>,
      %get3A_292 = arith.index_cast %scan3A_19 : i32 to index
      %get3A_293 = arith.constant 304 : index
      %get3A_294 = tpu.vector_load %arg12[%get3A_292, %get3A_293] {strides = array<i32>} : memref<64x768xf32, #tpu.memory_space<vmem>>, vector<16xf32>,
      %get3A_295 = arith.index_cast %scan3A_19 : i32 to index
      %get3A_296 = arith.constant 304 : index
      %get3A_297 = tpu.vector_load %arg13[%get3A_295, %get3A_296] {strides = array<i32>} : memref<64x768xf32, #tpu.memory_space<vmem>>, vector<16xf32>,
      %mul3A_298 = arith.mulf %get3A_294, %gather3A : vector<16xf32>
      %select_n3A_299 = arith.select %ne3A_23, %mul3A_298, %broadcast_in_dim3A_28 : vector<16xi1>, vector<16xf32>
      %mul3A_300 = arith.mulf %get3A_297, %gather3A_21 : vector<16xf32>
      %select_n3A_301 = arith.select %ne3A_26, %mul3A_300, %broadcast_in_dim3A_28 : vector<16xi1>, vector<16xf32>
      %add3A_302 = arith.addf %select_n3A_299, %select_n3A_301 : vector<16xf32>
      %swap3A_303 = arith.index_cast %scan3A_19 : i32 to index
      %swap3A_304 = arith.constant 304 : index
      %swap3A_305 = tpu.vector_load %arg12[%swap3A_303, %swap3A_304] {strides = array<i32>} : memref<64x768xf32, #tpu.memory_space<vmem>>, vector<16xf32>,
      tpu.vector_store %arg12[%swap3A_303, %swap3A_304], %add3A_302 {strides = array<i32>} : memref<64x768xf32, #tpu.memory_space<vmem>>, vector<16xf32>,
      %get3A_306 = arith.index_cast %scan3A_19 : i32 to index
      %get3A_307 = arith.constant 320 : index
      %get3A_308 = tpu.vector_load %arg12[%get3A_306, %get3A_307] {strides = array<i32>} : memref<64x768xf32, #tpu.memory_space<vmem>>, vector<16xf32>,
      %get3A_309 = arith.index_cast %scan3A_19 : i32 to index
      %get3A_310 = arith.constant 320 : index
      %get3A_311 = tpu.vector_load %arg13[%get3A_309, %get3A_310] {strides = array<i32>} : memref<64x768xf32, #tpu.memory_space<vmem>>, vector<16xf32>,
      %mul3A_312 = arith.mulf %get3A_308, %gather3A : vector<16xf32>
      %select_n3A_313 = arith.select %ne3A_23, %mul3A_312, %broadcast_in_dim3A_28 : vector<16xi1>, vector<16xf32>
      %mul3A_314 = arith.mulf %get3A_311, %gather3A_21 : vector<16xf32>
      %select_n3A_315 = arith.select %ne3A_26, %mul3A_314, %broadcast_in_dim3A_28 : vector<16xi1>, vector<16xf32>
      %add3A_316 = arith.addf %select_n3A_313, %select_n3A_315 : vector<16xf32>
      %swap3A_317 = arith.index_cast %scan3A_19 : i32 to index
      %swap3A_318 = arith.constant 320 : index
      %swap3A_319 = tpu.vector_load %arg12[%swap3A_317, %swap3A_318] {strides = array<i32>} : memref<64x768xf32, #tpu.memory_space<vmem>>, vector<16xf32>,
      tpu.vector_store %arg12[%swap3A_317, %swap3A_318], %add3A_316 {strides = array<i32>} : memref<64x768xf32, #tpu.memory_space<vmem>>, vector<16xf32>,
      %get3A_320 = arith.index_cast %scan3A_19 : i32 to index
      %get3A_321 = arith.constant 336 : index
      %get3A_322 = tpu.vector_load %arg12[%get3A_320, %get3A_321] {strides = array<i32>} : memref<64x768xf32, #tpu.memory_space<vmem>>, vector<16xf32>,
      %get3A_323 = arith.index_cast %scan3A_19 : i32 to index
      %get3A_324 = arith.constant 336 : index
      %get3A_325 = tpu.vector_load %arg13[%get3A_323, %get3A_324] {strides = array<i32>} : memref<64x768xf32, #tpu.memory_space<vmem>>, vector<16xf32>,
      %mul3A_326 = arith.mulf %get3A_322, %gather3A : vector<16xf32>
      %select_n3A_327 = arith.select %ne3A_23, %mul3A_326, %broadcast_in_dim3A_28 : vector<16xi1>, vector<16xf32>
      %mul3A_328 = arith.mulf %get3A_325, %gather3A_21 : vector<16xf32>
      %select_n3A_329 = arith.select %ne3A_26, %mul3A_328, %broadcast_in_dim3A_28 : vector<16xi1>, vector<16xf32>
      %add3A_330 = arith.addf %select_n3A_327, %select_n3A_329 : vector<16xf32>
      %swap3A_331 = arith.index_cast %scan3A_19 : i32 to index
      %swap3A_332 = arith.constant 336 : index
      %swap3A_333 = tpu.vector_load %arg12[%swap3A_331, %swap3A_332] {strides = array<i32>} : memref<64x768xf32, #tpu.memory_space<vmem>>, vector<16xf32>,
      tpu.vector_store %arg12[%swap3A_331, %swap3A_332], %add3A_330 {strides = array<i32>} : memref<64x768xf32, #tpu.memory_space<vmem>>, vector<16xf32>,
      %get3A_334 = arith.index_cast %scan3A_19 : i32 to index
      %get3A_335 = arith.constant 352 : index
      %get3A_336 = tpu.vector_load %arg12[%get3A_334, %get3A_335] {strides = array<i32>} : memref<64x768xf32, #tpu.memory_space<vmem>>, vector<16xf32>,
      %get3A_337 = arith.index_cast %scan3A_19 : i32 to index
      %get3A_338 = arith.constant 352 : index
      %get3A_339 = tpu.vector_load %arg13[%get3A_337, %get3A_338] {strides = array<i32>} : memref<64x768xf32, #tpu.memory_space<vmem>>, vector<16xf32>,
      %mul3A_340 = arith.mulf %get3A_336, %gather3A : vector<16xf32>
      %select_n3A_341 = arith.select %ne3A_23, %mul3A_340, %broadcast_in_dim3A_28 : vector<16xi1>, vector<16xf32>
      %mul3A_342 = arith.mulf %get3A_339, %gather3A_21 : vector<16xf32>
      %select_n3A_343 = arith.select %ne3A_26, %mul3A_342, %broadcast_in_dim3A_28 : vector<16xi1>, vector<16xf32>
      %add3A_344 = arith.addf %select_n3A_341, %select_n3A_343 : vector<16xf32>
      %swap3A_345 = arith.index_cast %scan3A_19 : i32 to index
      %swap3A_346 = arith.constant 352 : index
      %swap3A_347 = tpu.vector_load %arg12[%swap3A_345, %swap3A_346] {strides = array<i32>} : memref<64x768xf32, #tpu.memory_space<vmem>>, vector<16xf32>,
      tpu.vector_store %arg12[%swap3A_345, %swap3A_346], %add3A_344 {strides = array<i32>} : memref<64x768xf32, #tpu.memory_space<vmem>>, vector<16xf32>,
      %get3A_348 = arith.index_cast %scan3A_19 : i32 to index
      %get3A_349 = arith.constant 368 : index
      %get3A_350 = tpu.vector_load %arg12[%get3A_348, %get3A_349] {strides = array<i32>} : memref<64x768xf32, #tpu.memory_space<vmem>>, vector<16xf32>,
      %get3A_351 = arith.index_cast %scan3A_19 : i32 to index
      %get3A_352 = arith.constant 368 : index
      %get3A_353 = tpu.vector_load %arg13[%get3A_351, %get3A_352] {strides = array<i32>} : memref<64x768xf32, #tpu.memory_space<vmem>>, vector<16xf32>,
      %mul3A_354 = arith.mulf %get3A_350, %gather3A : vector<16xf32>
      %select_n3A_355 = arith.select %ne3A_23, %mul3A_354, %broadcast_in_dim3A_28 : vector<16xi1>, vector<16xf32>
      %mul3A_356 = arith.mulf %get3A_353, %gather3A_21 : vector<16xf32>
      %select_n3A_357 = arith.select %ne3A_26, %mul3A_356, %broadcast_in_dim3A_28 : vector<16xi1>, vector<16xf32>
      %add3A_358 = arith.addf %select_n3A_355, %select_n3A_357 : vector<16xf32>
      %swap3A_359 = arith.index_cast %scan3A_19 : i32 to index
      %swap3A_360 = arith.constant 368 : index
      %swap3A_361 = tpu.vector_load %arg12[%swap3A_359, %swap3A_360] {strides = array<i32>} : memref<64x768xf32, #tpu.memory_space<vmem>>, vector<16xf32>,
      tpu.vector_store %arg12[%swap3A_359, %swap3A_360], %add3A_358 {strides = array<i32>} : memref<64x768xf32, #tpu.memory_space<vmem>>, vector<16xf32>,
      %get3A_362 = arith.index_cast %scan3A_19 : i32 to index
      %get3A_363 = arith.constant 384 : index
      %get3A_364 = tpu.vector_load %arg12[%get3A_362, %get3A_363] {strides = array<i32>} : memref<64x768xf32, #tpu.memory_space<vmem>>, vector<16xf32>,
      %get3A_365 = arith.index_cast %scan3A_19 : i32 to index
      %get3A_366 = arith.constant 384 : index
      %get3A_367 = tpu.vector_load %arg13[%get3A_365, %get3A_366] {strides = array<i32>} : memref<64x768xf32, #tpu.memory_space<vmem>>, vector<16xf32>,
      %mul3A_368 = arith.mulf %get3A_364, %gather3A : vector<16xf32>
      %select_n3A_369 = arith.select %ne3A_23, %mul3A_368, %broadcast_in_dim3A_28 : vector<16xi1>, vector<16xf32>
      %mul3A_370 = arith.mulf %get3A_367, %gather3A_21 : vector<16xf32>
      %select_n3A_371 = arith.select %ne3A_26, %mul3A_370, %broadcast_in_dim3A_28 : vector<16xi1>, vector<16xf32>
      %add3A_372 = arith.addf %select_n3A_369, %select_n3A_371 : vector<16xf32>
      %swap3A_373 = arith.index_cast %scan3A_19 : i32 to index
      %swap3A_374 = arith.constant 384 : index
      %swap3A_375 = tpu.vector_load %arg12[%swap3A_373, %swap3A_374] {strides = array<i32>} : memref<64x768xf32, #tpu.memory_space<vmem>>, vector<16xf32>,
      tpu.vector_store %arg12[%swap3A_373, %swap3A_374], %add3A_372 {strides = array<i32>} : memref<64x768xf32, #tpu.memory_space<vmem>>, vector<16xf32>,
      %get3A_376 = arith.index_cast %scan3A_19 : i32 to index
      %get3A_377 = arith.constant 400 : index
      %get3A_378 = tpu.vector_load %arg12[%get3A_376, %get3A_377] {strides = array<i32>} : memref<64x768xf32, #tpu.memory_space<vmem>>, vector<16xf32>,
      %get3A_379 = arith.index_cast %scan3A_19 : i32 to index
      %get3A_380 = arith.constant 400 : index
      %get3A_381 = tpu.vector_load %arg13[%get3A_379, %get3A_380] {strides = array<i32>} : memref<64x768xf32, #tpu.memory_space<vmem>>, vector<16xf32>,
      %mul3A_382 = arith.mulf %get3A_378, %gather3A : vector<16xf32>
      %select_n3A_383 = arith.select %ne3A_23, %mul3A_382, %broadcast_in_dim3A_28 : vector<16xi1>, vector<16xf32>
      %mul3A_384 = arith.mulf %get3A_381, %gather3A_21 : vector<16xf32>
      %select_n3A_385 = arith.select %ne3A_26, %mul3A_384, %broadcast_in_dim3A_28 : vector<16xi1>, vector<16xf32>
      %add3A_386 = arith.addf %select_n3A_383, %select_n3A_385 : vector<16xf32>
      %swap3A_387 = arith.index_cast %scan3A_19 : i32 to index
      %swap3A_388 = arith.constant 400 : index
      %swap3A_389 = tpu.vector_load %arg12[%swap3A_387, %swap3A_388] {strides = array<i32>} : memref<64x768xf32, #tpu.memory_space<vmem>>, vector<16xf32>,
      tpu.vector_store %arg12[%swap3A_387, %swap3A_388], %add3A_386 {strides = array<i32>} : memref<64x768xf32, #tpu.memory_space<vmem>>, vector<16xf32>,
      %get3A_390 = arith.index_cast %scan3A_19 : i32 to index
      %get3A_391 = arith.constant 416 : index
      %get3A_392 = tpu.vector_load %arg12[%get3A_390, %get3A_391] {strides = array<i32>} : memref<64x768xf32, #tpu.memory_space<vmem>>, vector<16xf32>,
      %get3A_393 = arith.index_cast %scan3A_19 : i32 to index
      %get3A_394 = arith.constant 416 : index
      %get3A_395 = tpu.vector_load %arg13[%get3A_393, %get3A_394] {strides = array<i32>} : memref<64x768xf32, #tpu.memory_space<vmem>>, vector<16xf32>,
      %mul3A_396 = arith.mulf %get3A_392, %gather3A : vector<16xf32>
      %select_n3A_397 = arith.select %ne3A_23, %mul3A_396, %broadcast_in_dim3A_28 : vector<16xi1>, vector<16xf32>
      %mul3A_398 = arith.mulf %get3A_395, %gather3A_21 : vector<16xf32>
      %select_n3A_399 = arith.select %ne3A_26, %mul3A_398, %broadcast_in_dim3A_28 : vector<16xi1>, vector<16xf32>
      %add3A_400 = arith.addf %select_n3A_397, %select_n3A_399 : vector<16xf32>
      %swap3A_401 = arith.index_cast %scan3A_19 : i32 to index
      %swap3A_402 = arith.constant 416 : index
      %swap3A_403 = tpu.vector_load %arg12[%swap3A_401, %swap3A_402] {strides = array<i32>} : memref<64x768xf32, #tpu.memory_space<vmem>>, vector<16xf32>,
      tpu.vector_store %arg12[%swap3A_401, %swap3A_402], %add3A_400 {strides = array<i32>} : memref<64x768xf32, #tpu.memory_space<vmem>>, vector<16xf32>,
      %get3A_404 = arith.index_cast %scan3A_19 : i32 to index
      %get3A_405 = arith.constant 432 : index
      %get3A_406 = tpu.vector_load %arg12[%get3A_404, %get3A_405] {strides = array<i32>} : memref<64x768xf32, #tpu.memory_space<vmem>>, vector<16xf32>,
      %get3A_407 = arith.index_cast %scan3A_19 : i32 to index
      %get3A_408 = arith.constant 432 : index
      %get3A_409 = tpu.vector_load %arg13[%get3A_407, %get3A_408] {strides = array<i32>} : memref<64x768xf32, #tpu.memory_space<vmem>>, vector<16xf32>,
      %mul3A_410 = arith.mulf %get3A_406, %gather3A : vector<16xf32>
      %select_n3A_411 = arith.select %ne3A_23, %mul3A_410, %broadcast_in_dim3A_28 : vector<16xi1>, vector<16xf32>
      %mul3A_412 = arith.mulf %get3A_409, %gather3A_21 : vector<16xf32>
      %select_n3A_413 = arith.select %ne3A_26, %mul3A_412, %broadcast_in_dim3A_28 : vector<16xi1>, vector<16xf32>
      %add3A_414 = arith.addf %select_n3A_411, %select_n3A_413 : vector<16xf32>
      %swap3A_415 = arith.index_cast %scan3A_19 : i32 to index
      %swap3A_416 = arith.constant 432 : index
      %swap3A_417 = tpu.vector_load %arg12[%swap3A_415, %swap3A_416] {strides = array<i32>} : memref<64x768xf32, #tpu.memory_space<vmem>>, vector<16xf32>,
      tpu.vector_store %arg12[%swap3A_415, %swap3A_416], %add3A_414 {strides = array<i32>} : memref<64x768xf32, #tpu.memory_space<vmem>>, vector<16xf32>,
      %get3A_418 = arith.index_cast %scan3A_19 : i32 to index
      %get3A_419 = arith.constant 448 : index
      %get3A_420 = tpu.vector_load %arg12[%get3A_418, %get3A_419] {strides = array<i32>} : memref<64x768xf32, #tpu.memory_space<vmem>>, vector<16xf32>,
      %get3A_421 = arith.index_cast %scan3A_19 : i32 to index
      %get3A_422 = arith.constant 448 : index
      %get3A_423 = tpu.vector_load %arg13[%get3A_421, %get3A_422] {strides = array<i32>} : memref<64x768xf32, #tpu.memory_space<vmem>>, vector<16xf32>,
      %mul3A_424 = arith.mulf %get3A_420, %gather3A : vector<16xf32>
      %select_n3A_425 = arith.select %ne3A_23, %mul3A_424, %broadcast_in_dim3A_28 : vector<16xi1>, vector<16xf32>
      %mul3A_426 = arith.mulf %get3A_423, %gather3A_21 : vector<16xf32>
      %select_n3A_427 = arith.select %ne3A_26, %mul3A_426, %broadcast_in_dim3A_28 : vector<16xi1>, vector<16xf32>
      %add3A_428 = arith.addf %select_n3A_425, %select_n3A_427 : vector<16xf32>
      %swap3A_429 = arith.index_cast %scan3A_19 : i32 to index
      %swap3A_430 = arith.constant 448 : index
      %swap3A_431 = tpu.vector_load %arg12[%swap3A_429, %swap3A_430] {strides = array<i32>} : memref<64x768xf32, #tpu.memory_space<vmem>>, vector<16xf32>,
      tpu.vector_store %arg12[%swap3A_429, %swap3A_430], %add3A_428 {strides = array<i32>} : memref<64x768xf32, #tpu.memory_space<vmem>>, vector<16xf32>,
      %get3A_432 = arith.index_cast %scan3A_19 : i32 to index
      %get3A_433 = arith.constant 464 : index
      %get3A_434 = tpu.vector_load %arg12[%get3A_432, %get3A_433] {strides = array<i32>} : memref<64x768xf32, #tpu.memory_space<vmem>>, vector<16xf32>,
      %get3A_435 = arith.index_cast %scan3A_19 : i32 to index
      %get3A_436 = arith.constant 464 : index
      %get3A_437 = tpu.vector_load %arg13[%get3A_435, %get3A_436] {strides = array<i32>} : memref<64x768xf32, #tpu.memory_space<vmem>>, vector<16xf32>,
      %mul3A_438 = arith.mulf %get3A_434, %gather3A : vector<16xf32>
      %select_n3A_439 = arith.select %ne3A_23, %mul3A_438, %broadcast_in_dim3A_28 : vector<16xi1>, vector<16xf32>
      %mul3A_440 = arith.mulf %get3A_437, %gather3A_21 : vector<16xf32>
      %select_n3A_441 = arith.select %ne3A_26, %mul3A_440, %broadcast_in_dim3A_28 : vector<16xi1>, vector<16xf32>
      %add3A_442 = arith.addf %select_n3A_439, %select_n3A_441 : vector<16xf32>
      %swap3A_443 = arith.index_cast %scan3A_19 : i32 to index
      %swap3A_444 = arith.constant 464 : index
      %swap3A_445 = tpu.vector_load %arg12[%swap3A_443, %swap3A_444] {strides = array<i32>} : memref<64x768xf32, #tpu.memory_space<vmem>>, vector<16xf32>,
      tpu.vector_store %arg12[%swap3A_443, %swap3A_444], %add3A_442 {strides = array<i32>} : memref<64x768xf32, #tpu.memory_space<vmem>>, vector<16xf32>,
      %get3A_446 = arith.index_cast %scan3A_19 : i32 to index
      %get3A_447 = arith.constant 480 : index
      %get3A_448 = tpu.vector_load %arg12[%get3A_446, %get3A_447] {strides = array<i32>} : memref<64x768xf32, #tpu.memory_space<vmem>>, vector<16xf32>,
      %get3A_449 = arith.index_cast %scan3A_19 : i32 to index
      %get3A_450 = arith.constant 480 : index
      %get3A_451 = tpu.vector_load %arg13[%get3A_449, %get3A_450] {strides = array<i32>} : memref<64x768xf32, #tpu.memory_space<vmem>>, vector<16xf32>,
      %mul3A_452 = arith.mulf %get3A_448, %gather3A : vector<16xf32>
      %select_n3A_453 = arith.select %ne3A_23, %mul3A_452, %broadcast_in_dim3A_28 : vector<16xi1>, vector<16xf32>
      %mul3A_454 = arith.mulf %get3A_451, %gather3A_21 : vector<16xf32>
      %select_n3A_455 = arith.select %ne3A_26, %mul3A_454, %broadcast_in_dim3A_28 : vector<16xi1>, vector<16xf32>
      %add3A_456 = arith.addf %select_n3A_453, %select_n3A_455 : vector<16xf32>
      %swap3A_457 = arith.index_cast %scan3A_19 : i32 to index
      %swap3A_458 = arith.constant 480 : index
      %swap3A_459 = tpu.vector_load %arg12[%swap3A_457, %swap3A_458] {strides = array<i32>} : memref<64x768xf32, #tpu.memory_space<vmem>>, vector<16xf32>,
      tpu.vector_store %arg12[%swap3A_457, %swap3A_458], %add3A_456 {strides = array<i32>} : memref<64x768xf32, #tpu.memory_space<vmem>>, vector<16xf32>,
      %get3A_460 = arith.index_cast %scan3A_19 : i32 to index
      %get3A_461 = arith.constant 496 : index
      %get3A_462 = tpu.vector_load %arg12[%get3A_460, %get3A_461] {strides = array<i32>} : memref<64x768xf32, #tpu.memory_space<vmem>>, vector<16xf32>,
      %get3A_463 = arith.index_cast %scan3A_19 : i32 to index
      %get3A_464 = arith.constant 496 : index
      %get3A_465 = tpu.vector_load %arg13[%get3A_463, %get3A_464] {strides = array<i32>} : memref<64x768xf32, #tpu.memory_space<vmem>>, vector<16xf32>,
      %mul3A_466 = arith.mulf %get3A_462, %gather3A : vector<16xf32>
      %select_n3A_467 = arith.select %ne3A_23, %mul3A_466, %broadcast_in_dim3A_28 : vector<16xi1>, vector<16xf32>
      %mul3A_468 = arith.mulf %get3A_465, %gather3A_21 : vector<16xf32>
      %select_n3A_469 = arith.select %ne3A_26, %mul3A_468, %broadcast_in_dim3A_28 : vector<16xi1>, vector<16xf32>
      %add3A_470 = arith.addf %select_n3A_467, %select_n3A_469 : vector<16xf32>
      %swap3A_471 = arith.index_cast %scan3A_19 : i32 to index
      %swap3A_472 = arith.constant 496 : index
      %swap3A_473 = tpu.vector_load %arg12[%swap3A_471, %swap3A_472] {strides = array<i32>} : memref<64x768xf32, #tpu.memory_space<vmem>>, vector<16xf32>,
      tpu.vector_store %arg12[%swap3A_471, %swap3A_472], %add3A_470 {strides = array<i32>} : memref<64x768xf32, #tpu.memory_space<vmem>>, vector<16xf32>,
      %get3A_474 = arith.index_cast %scan3A_19 : i32 to index
      %get3A_475 = arith.constant 512 : index
      %get3A_476 = tpu.vector_load %arg12[%get3A_474, %get3A_475] {strides = array<i32>} : memref<64x768xf32, #tpu.memory_space<vmem>>, vector<16xf32>,
      %get3A_477 = arith.index_cast %scan3A_19 : i32 to index
      %get3A_478 = arith.constant 512 : index
      %get3A_479 = tpu.vector_load %arg13[%get3A_477, %get3A_478] {strides = array<i32>} : memref<64x768xf32, #tpu.memory_space<vmem>>, vector<16xf32>,
      %mul3A_480 = arith.mulf %get3A_476, %gather3A : vector<16xf32>
      %select_n3A_481 = arith.select %ne3A_23, %mul3A_480, %broadcast_in_dim3A_28 : vector<16xi1>, vector<16xf32>
      %mul3A_482 = arith.mulf %get3A_479, %gather3A_21 : vector<16xf32>
      %select_n3A_483 = arith.select %ne3A_26, %mul3A_482, %broadcast_in_dim3A_28 : vector<16xi1>, vector<16xf32>
      %add3A_484 = arith.addf %select_n3A_481, %select_n3A_483 : vector<16xf32>
      %swap3A_485 = arith.index_cast %scan3A_19 : i32 to index
      %swap3A_486 = arith.constant 512 : index
      %swap3A_487 = tpu.vector_load %arg12[%swap3A_485, %swap3A_486] {strides = array<i32>} : memref<64x768xf32, #tpu.memory_space<vmem>>, vector<16xf32>,
      tpu.vector_store %arg12[%swap3A_485, %swap3A_486], %add3A_484 {strides = array<i32>} : memref<64x768xf32, #tpu.memory_space<vmem>>, vector<16xf32>,
      %get3A_488 = arith.index_cast %scan3A_19 : i32 to index
      %get3A_489 = arith.constant 528 : index
      %get3A_490 = tpu.vector_load %arg12[%get3A_488, %get3A_489] {strides = array<i32>} : memref<64x768xf32, #tpu.memory_space<vmem>>, vector<16xf32>,
      %get3A_491 = arith.index_cast %scan3A_19 : i32 to index
      %get3A_492 = arith.constant 528 : index
      %get3A_493 = tpu.vector_load %arg13[%get3A_491, %get3A_492] {strides = array<i32>} : memref<64x768xf32, #tpu.memory_space<vmem>>, vector<16xf32>,
      %mul3A_494 = arith.mulf %get3A_490, %gather3A : vector<16xf32>
      %select_n3A_495 = arith.select %ne3A_23, %mul3A_494, %broadcast_in_dim3A_28 : vector<16xi1>, vector<16xf32>
      %mul3A_496 = arith.mulf %get3A_493, %gather3A_21 : vector<16xf32>
      %select_n3A_497 = arith.select %ne3A_26, %mul3A_496, %broadcast_in_dim3A_28 : vector<16xi1>, vector<16xf32>
      %add3A_498 = arith.addf %select_n3A_495, %select_n3A_497 : vector<16xf32>
      %swap3A_499 = arith.index_cast %scan3A_19 : i32 to index
      %swap3A_500 = arith.constant 528 : index
      %swap3A_501 = tpu.vector_load %arg12[%swap3A_499, %swap3A_500] {strides = array<i32>} : memref<64x768xf32, #tpu.memory_space<vmem>>, vector<16xf32>,
      tpu.vector_store %arg12[%swap3A_499, %swap3A_500], %add3A_498 {strides = array<i32>} : memref<64x768xf32, #tpu.memory_space<vmem>>, vector<16xf32>,
      %get3A_502 = arith.index_cast %scan3A_19 : i32 to index
      %get3A_503 = arith.constant 544 : index
      %get3A_504 = tpu.vector_load %arg12[%get3A_502, %get3A_503] {strides = array<i32>} : memref<64x768xf32, #tpu.memory_space<vmem>>, vector<16xf32>,
      %get3A_505 = arith.index_cast %scan3A_19 : i32 to index
      %get3A_506 = arith.constant 544 : index
      %get3A_507 = tpu.vector_load %arg13[%get3A_505, %get3A_506] {strides = array<i32>} : memref<64x768xf32, #tpu.memory_space<vmem>>, vector<16xf32>,
      %mul3A_508 = arith.mulf %get3A_504, %gather3A : vector<16xf32>
      %select_n3A_509 = arith.select %ne3A_23, %mul3A_508, %broadcast_in_dim3A_28 : vector<16xi1>, vector<16xf32>
      %mul3A_510 = arith.mulf %get3A_507, %gather3A_21 : vector<16xf32>
      %select_n3A_511 = arith.select %ne3A_26, %mul3A_510, %broadcast_in_dim3A_28 : vector<16xi1>, vector<16xf32>
      %add3A_512 = arith.addf %select_n3A_509, %select_n3A_511 : vector<16xf32>
      %swap3A_513 = arith.index_cast %scan3A_19 : i32 to index
      %swap3A_514 = arith.constant 544 : index
      %swap3A_515 = tpu.vector_load %arg12[%swap3A_513, %swap3A_514] {strides = array<i32>} : memref<64x768xf32, #tpu.memory_space<vmem>>, vector<16xf32>,
      tpu.vector_store %arg12[%swap3A_513, %swap3A_514], %add3A_512 {strides = array<i32>} : memref<64x768xf32, #tpu.memory_space<vmem>>, vector<16xf32>,
      %get3A_516 = arith.index_cast %scan3A_19 : i32 to index
      %get3A_517 = arith.constant 560 : index
      %get3A_518 = tpu.vector_load %arg12[%get3A_516, %get3A_517] {strides = array<i32>} : memref<64x768xf32, #tpu.memory_space<vmem>>, vector<16xf32>,
      %get3A_519 = arith.index_cast %scan3A_19 : i32 to index
      %get3A_520 = arith.constant 560 : index
      %get3A_521 = tpu.vector_load %arg13[%get3A_519, %get3A_520] {strides = array<i32>} : memref<64x768xf32, #tpu.memory_space<vmem>>, vector<16xf32>,
      %mul3A_522 = arith.mulf %get3A_518, %gather3A : vector<16xf32>
      %select_n3A_523 = arith.select %ne3A_23, %mul3A_522, %broadcast_in_dim3A_28 : vector<16xi1>, vector<16xf32>
      %mul3A_524 = arith.mulf %get3A_521, %gather3A_21 : vector<16xf32>
      %select_n3A_525 = arith.select %ne3A_26, %mul3A_524, %broadcast_in_dim3A_28 : vector<16xi1>, vector<16xf32>
      %add3A_526 = arith.addf %select_n3A_523, %select_n3A_525 : vector<16xf32>
      %swap3A_527 = arith.index_cast %scan3A_19 : i32 to index
      %swap3A_528 = arith.constant 560 : index
      %swap3A_529 = tpu.vector_load %arg12[%swap3A_527, %swap3A_528] {strides = array<i32>} : memref<64x768xf32, #tpu.memory_space<vmem>>, vector<16xf32>,
      tpu.vector_store %arg12[%swap3A_527, %swap3A_528], %add3A_526 {strides = array<i32>} : memref<64x768xf32, #tpu.memory_space<vmem>>, vector<16xf32>,
      %get3A_530 = arith.index_cast %scan3A_19 : i32 to index
      %get3A_531 = arith.constant 576 : index
      %get3A_532 = tpu.vector_load %arg12[%get3A_530, %get3A_531] {strides = array<i32>} : memref<64x768xf32, #tpu.memory_space<vmem>>, vector<16xf32>,
      %get3A_533 = arith.index_cast %scan3A_19 : i32 to index
      %get3A_534 = arith.constant 576 : index
      %get3A_535 = tpu.vector_load %arg13[%get3A_533, %get3A_534] {strides = array<i32>} : memref<64x768xf32, #tpu.memory_space<vmem>>, vector<16xf32>,
      %mul3A_536 = arith.mulf %get3A_532, %gather3A : vector<16xf32>
      %select_n3A_537 = arith.select %ne3A_23, %mul3A_536, %broadcast_in_dim3A_28 : vector<16xi1>, vector<16xf32>
      %mul3A_538 = arith.mulf %get3A_535, %gather3A_21 : vector<16xf32>
      %select_n3A_539 = arith.select %ne3A_26, %mul3A_538, %broadcast_in_dim3A_28 : vector<16xi1>, vector<16xf32>
      %add3A_540 = arith.addf %select_n3A_537, %select_n3A_539 : vector<16xf32>
      %swap3A_541 = arith.index_cast %scan3A_19 : i32 to index
      %swap3A_542 = arith.constant 576 : index
      %swap3A_543 = tpu.vector_load %arg12[%swap3A_541, %swap3A_542] {strides = array<i32>} : memref<64x768xf32, #tpu.memory_space<vmem>>, vector<16xf32>,
      tpu.vector_store %arg12[%swap3A_541, %swap3A_542], %add3A_540 {strides = array<i32>} : memref<64x768xf32, #tpu.memory_space<vmem>>, vector<16xf32>,
      %get3A_544 = arith.index_cast %scan3A_19 : i32 to index
      %get3A_545 = arith.constant 592 : index
      %get3A_546 = tpu.vector_load %arg12[%get3A_544, %get3A_545] {strides = array<i32>} : memref<64x768xf32, #tpu.memory_space<vmem>>, vector<16xf32>,
      %get3A_547 = arith.index_cast %scan3A_19 : i32 to index
      %get3A_548 = arith.constant 592 : index
      %get3A_549 = tpu.vector_load %arg13[%get3A_547, %get3A_548] {strides = array<i32>} : memref<64x768xf32, #tpu.memory_space<vmem>>, vector<16xf32>,
      %mul3A_550 = arith.mulf %get3A_546, %gather3A : vector<16xf32>
      %select_n3A_551 = arith.select %ne3A_23, %mul3A_550, %broadcast_in_dim3A_28 : vector<16xi1>, vector<16xf32>
      %mul3A_552 = arith.mulf %get3A_549, %gather3A_21 : vector<16xf32>
      %select_n3A_553 = arith.select %ne3A_26, %mul3A_552, %broadcast_in_dim3A_28 : vector<16xi1>, vector<16xf32>
      %add3A_554 = arith.addf %select_n3A_551, %select_n3A_553 : vector<16xf32>
      %swap3A_555 = arith.index_cast %scan3A_19 : i32 to index
      %swap3A_556 = arith.constant 592 : index
      %swap3A_557 = tpu.vector_load %arg12[%swap3A_555, %swap3A_556] {strides = array<i32>} : memref<64x768xf32, #tpu.memory_space<vmem>>, vector<16xf32>,
      tpu.vector_store %arg12[%swap3A_555, %swap3A_556], %add3A_554 {strides = array<i32>} : memref<64x768xf32, #tpu.memory_space<vmem>>, vector<16xf32>,
      %get3A_558 = arith.index_cast %scan3A_19 : i32 to index
      %get3A_559 = arith.constant 608 : index
      %get3A_560 = tpu.vector_load %arg12[%get3A_558, %get3A_559] {strides = array<i32>} : memref<64x768xf32, #tpu.memory_space<vmem>>, vector<16xf32>,
      %get3A_561 = arith.index_cast %scan3A_19 : i32 to index
      %get3A_562 = arith.constant 608 : index
      %get3A_563 = tpu.vector_load %arg13[%get3A_561, %get3A_562] {strides = array<i32>} : memref<64x768xf32, #tpu.memory_space<vmem>>, vector<16xf32>,
      %mul3A_564 = arith.mulf %get3A_560, %gather3A : vector<16xf32>
      %select_n3A_565 = arith.select %ne3A_23, %mul3A_564, %broadcast_in_dim3A_28 : vector<16xi1>, vector<16xf32>
      %mul3A_566 = arith.mulf %get3A_563, %gather3A_21 : vector<16xf32>
      %select_n3A_567 = arith.select %ne3A_26, %mul3A_566, %broadcast_in_dim3A_28 : vector<16xi1>, vector<16xf32>
      %add3A_568 = arith.addf %select_n3A_565, %select_n3A_567 : vector<16xf32>
      %swap3A_569 = arith.index_cast %scan3A_19 : i32 to index
      %swap3A_570 = arith.constant 608 : index
      %swap3A_571 = tpu.vector_load %arg12[%swap3A_569, %swap3A_570] {strides = array<i32>} : memref<64x768xf32, #tpu.memory_space<vmem>>, vector<16xf32>,
      tpu.vector_store %arg12[%swap3A_569, %swap3A_570], %add3A_568 {strides = array<i32>} : memref<64x768xf32, #tpu.memory_space<vmem>>, vector<16xf32>,
      %get3A_572 = arith.index_cast %scan3A_19 : i32 to index
      %get3A_573 = arith.constant 624 : index
      %get3A_574 = tpu.vector_load %arg12[%get3A_572, %get3A_573] {strides = array<i32>} : memref<64x768xf32, #tpu.memory_space<vmem>>, vector<16xf32>,
      %get3A_575 = arith.index_cast %scan3A_19 : i32 to index
      %get3A_576 = arith.constant 624 : index
      %get3A_577 = tpu.vector_load %arg13[%get3A_575, %get3A_576] {strides = array<i32>} : memref<64x768xf32, #tpu.memory_space<vmem>>, vector<16xf32>,
      %mul3A_578 = arith.mulf %get3A_574, %gather3A : vector<16xf32>
      %select_n3A_579 = arith.select %ne3A_23, %mul3A_578, %broadcast_in_dim3A_28 : vector<16xi1>, vector<16xf32>
      %mul3A_580 = arith.mulf %get3A_577, %gather3A_21 : vector<16xf32>
      %select_n3A_581 = arith.select %ne3A_26, %mul3A_580, %broadcast_in_dim3A_28 : vector<16xi1>, vector<16xf32>
      %add3A_582 = arith.addf %select_n3A_579, %select_n3A_581 : vector<16xf32>
      %swap3A_583 = arith.index_cast %scan3A_19 : i32 to index
      %swap3A_584 = arith.constant 624 : index
      %swap3A_585 = tpu.vector_load %arg12[%swap3A_583, %swap3A_584] {strides = array<i32>} : memref<64x768xf32, #tpu.memory_space<vmem>>, vector<16xf32>,
      tpu.vector_store %arg12[%swap3A_583, %swap3A_584], %add3A_582 {strides = array<i32>} : memref<64x768xf32, #tpu.memory_space<vmem>>, vector<16xf32>,
      %get3A_586 = arith.index_cast %scan3A_19 : i32 to index
      %get3A_587 = arith.constant 640 : index
      %get3A_588 = tpu.vector_load %arg12[%get3A_586, %get3A_587] {strides = array<i32>} : memref<64x768xf32, #tpu.memory_space<vmem>>, vector<16xf32>,
      %get3A_589 = arith.index_cast %scan3A_19 : i32 to index
      %get3A_590 = arith.constant 640 : index
      %get3A_591 = tpu.vector_load %arg13[%get3A_589, %get3A_590] {strides = array<i32>} : memref<64x768xf32, #tpu.memory_space<vmem>>, vector<16xf32>,
      %mul3A_592 = arith.mulf %get3A_588, %gather3A : vector<16xf32>
      %select_n3A_593 = arith.select %ne3A_23, %mul3A_592, %broadcast_in_dim3A_28 : vector<16xi1>, vector<16xf32>
      %mul3A_594 = arith.mulf %get3A_591, %gather3A_21 : vector<16xf32>
      %select_n3A_595 = arith.select %ne3A_26, %mul3A_594, %broadcast_in_dim3A_28 : vector<16xi1>, vector<16xf32>
      %add3A_596 = arith.addf %select_n3A_593, %select_n3A_595 : vector<16xf32>
      %swap3A_597 = arith.index_cast %scan3A_19 : i32 to index
      %swap3A_598 = arith.constant 640 : index
      %swap3A_599 = tpu.vector_load %arg12[%swap3A_597, %swap3A_598] {strides = array<i32>} : memref<64x768xf32, #tpu.memory_space<vmem>>, vector<16xf32>,
      tpu.vector_store %arg12[%swap3A_597, %swap3A_598], %add3A_596 {strides = array<i32>} : memref<64x768xf32, #tpu.memory_space<vmem>>, vector<16xf32>,
      %get3A_600 = arith.index_cast %scan3A_19 : i32 to index
      %get3A_601 = arith.constant 656 : index
      %get3A_602 = tpu.vector_load %arg12[%get3A_600, %get3A_601] {strides = array<i32>} : memref<64x768xf32, #tpu.memory_space<vmem>>, vector<16xf32>,
      %get3A_603 = arith.index_cast %scan3A_19 : i32 to index
      %get3A_604 = arith.constant 656 : index
      %get3A_605 = tpu.vector_load %arg13[%get3A_603, %get3A_604] {strides = array<i32>} : memref<64x768xf32, #tpu.memory_space<vmem>>, vector<16xf32>,
      %mul3A_606 = arith.mulf %get3A_602, %gather3A : vector<16xf32>
      %select_n3A_607 = arith.select %ne3A_23, %mul3A_606, %broadcast_in_dim3A_28 : vector<16xi1>, vector<16xf32>
      %mul3A_608 = arith.mulf %get3A_605, %gather3A_21 : vector<16xf32>
      %select_n3A_609 = arith.select %ne3A_26, %mul3A_608, %broadcast_in_dim3A_28 : vector<16xi1>, vector<16xf32>
      %add3A_610 = arith.addf %select_n3A_607, %select_n3A_609 : vector<16xf32>
      %swap3A_611 = arith.index_cast %scan3A_19 : i32 to index
      %swap3A_612 = arith.constant 656 : index
      %swap3A_613 = tpu.vector_load %arg12[%swap3A_611, %swap3A_612] {strides = array<i32>} : memref<64x768xf32, #tpu.memory_space<vmem>>, vector<16xf32>,
      tpu.vector_store %arg12[%swap3A_611, %swap3A_612], %add3A_610 {strides = array<i32>} : memref<64x768xf32, #tpu.memory_space<vmem>>, vector<16xf32>,
      %get3A_614 = arith.index_cast %scan3A_19 : i32 to index
      %get3A_615 = arith.constant 672 : index
      %get3A_616 = tpu.vector_load %arg12[%get3A_614, %get3A_615] {strides = array<i32>} : memref<64x768xf32, #tpu.memory_space<vmem>>, vector<16xf32>,
      %get3A_617 = arith.index_cast %scan3A_19 : i32 to index
      %get3A_618 = arith.constant 672 : index
      %get3A_619 = tpu.vector_load %arg13[%get3A_617, %get3A_618] {strides = array<i32>} : memref<64x768xf32, #tpu.memory_space<vmem>>, vector<16xf32>,
      %mul3A_620 = arith.mulf %get3A_616, %gather3A : vector<16xf32>
      %select_n3A_621 = arith.select %ne3A_23, %mul3A_620, %broadcast_in_dim3A_28 : vector<16xi1>, vector<16xf32>
      %mul3A_622 = arith.mulf %get3A_619, %gather3A_21 : vector<16xf32>
      %select_n3A_623 = arith.select %ne3A_26, %mul3A_622, %broadcast_in_dim3A_28 : vector<16xi1>, vector<16xf32>
      %add3A_624 = arith.addf %select_n3A_621, %select_n3A_623 : vector<16xf32>
      %swap3A_625 = arith.index_cast %scan3A_19 : i32 to index
      %swap3A_626 = arith.constant 672 : index
      %swap3A_627 = tpu.vector_load %arg12[%swap3A_625, %swap3A_626] {strides = array<i32>} : memref<64x768xf32, #tpu.memory_space<vmem>>, vector<16xf32>,
      tpu.vector_store %arg12[%swap3A_625, %swap3A_626], %add3A_624 {strides = array<i32>} : memref<64x768xf32, #tpu.memory_space<vmem>>, vector<16xf32>,
      %get3A_628 = arith.index_cast %scan3A_19 : i32 to index
      %get3A_629 = arith.constant 688 : index
      %get3A_630 = tpu.vector_load %arg12[%get3A_628, %get3A_629] {strides = array<i32>} : memref<64x768xf32, #tpu.memory_space<vmem>>, vector<16xf32>,
      %get3A_631 = arith.index_cast %scan3A_19 : i32 to index
      %get3A_632 = arith.constant 688 : index
      %get3A_633 = tpu.vector_load %arg13[%get3A_631, %get3A_632] {strides = array<i32>} : memref<64x768xf32, #tpu.memory_space<vmem>>, vector<16xf32>,
      %mul3A_634 = arith.mulf %get3A_630, %gather3A : vector<16xf32>
      %select_n3A_635 = arith.select %ne3A_23, %mul3A_634, %broadcast_in_dim3A_28 : vector<16xi1>, vector<16xf32>
      %mul3A_636 = arith.mulf %get3A_633, %gather3A_21 : vector<16xf32>
      %select_n3A_637 = arith.select %ne3A_26, %mul3A_636, %broadcast_in_dim3A_28 : vector<16xi1>, vector<16xf32>
      %add3A_638 = arith.addf %select_n3A_635, %select_n3A_637 : vector<16xf32>
      %swap3A_639 = arith.index_cast %scan3A_19 : i32 to index
      %swap3A_640 = arith.constant 688 : index
      %swap3A_641 = tpu.vector_load %arg12[%swap3A_639, %swap3A_640] {strides = array<i32>} : memref<64x768xf32, #tpu.memory_space<vmem>>, vector<16xf32>,
      tpu.vector_store %arg12[%swap3A_639, %swap3A_640], %add3A_638 {strides = array<i32>} : memref<64x768xf32, #tpu.memory_space<vmem>>, vector<16xf32>,
      %get3A_642 = arith.index_cast %scan3A_19 : i32 to index
      %get3A_643 = arith.constant 704 : index
      %get3A_644 = tpu.vector_load %arg12[%get3A_642, %get3A_643] {strides = array<i32>} : memref<64x768xf32, #tpu.memory_space<vmem>>, vector<16xf32>,
      %get3A_645 = arith.index_cast %scan3A_19 : i32 to index
      %get3A_646 = arith.constant 704 : index
      %get3A_647 = tpu.vector_load %arg13[%get3A_645, %get3A_646] {strides = array<i32>} : memref<64x768xf32, #tpu.memory_space<vmem>>, vector<16xf32>,
      %mul3A_648 = arith.mulf %get3A_644, %gather3A : vector<16xf32>
      %select_n3A_649 = arith.select %ne3A_23, %mul3A_648, %broadcast_in_dim3A_28 : vector<16xi1>, vector<16xf32>
      %mul3A_650 = arith.mulf %get3A_647, %gather3A_21 : vector<16xf32>
      %select_n3A_651 = arith.select %ne3A_26, %mul3A_650, %broadcast_in_dim3A_28 : vector<16xi1>, vector<16xf32>
      %add3A_652 = arith.addf %select_n3A_649, %select_n3A_651 : vector<16xf32>
      %swap3A_653 = arith.index_cast %scan3A_19 : i32 to index
      %swap3A_654 = arith.constant 704 : index
      %swap3A_655 = tpu.vector_load %arg12[%swap3A_653, %swap3A_654] {strides = array<i32>} : memref<64x768xf32, #tpu.memory_space<vmem>>, vector<16xf32>,
      tpu.vector_store %arg12[%swap3A_653, %swap3A_654], %add3A_652 {strides = array<i32>} : memref<64x768xf32, #tpu.memory_space<vmem>>, vector<16xf32>,
      %get3A_656 = arith.index_cast %scan3A_19 : i32 to index
      %get3A_657 = arith.constant 720 : index
      %get3A_658 = tpu.vector_load %arg12[%get3A_656, %get3A_657] {strides = array<i32>} : memref<64x768xf32, #tpu.memory_space<vmem>>, vector<16xf32>,
      %get3A_659 = arith.index_cast %scan3A_19 : i32 to index
      %get3A_660 = arith.constant 720 : index
      %get3A_661 = tpu.vector_load %arg13[%get3A_659, %get3A_660] {strides = array<i32>} : memref<64x768xf32, #tpu.memory_space<vmem>>, vector<16xf32>,
      %mul3A_662 = arith.mulf %get3A_658, %gather3A : vector<16xf32>
      %select_n3A_663 = arith.select %ne3A_23, %mul3A_662, %broadcast_in_dim3A_28 : vector<16xi1>, vector<16xf32>
      %mul3A_664 = arith.mulf %get3A_661, %gather3A_21 : vector<16xf32>
      %select_n3A_665 = arith.select %ne3A_26, %mul3A_664, %broadcast_in_dim3A_28 : vector<16xi1>, vector<16xf32>
      %add3A_666 = arith.addf %select_n3A_663, %select_n3A_665 : vector<16xf32>
      %swap3A_667 = arith.index_cast %scan3A_19 : i32 to index
      %swap3A_668 = arith.constant 720 : index
      %swap3A_669 = tpu.vector_load %arg12[%swap3A_667, %swap3A_668] {strides = array<i32>} : memref<64x768xf32, #tpu.memory_space<vmem>>, vector<16xf32>,
      tpu.vector_store %arg12[%swap3A_667, %swap3A_668], %add3A_666 {strides = array<i32>} : memref<64x768xf32, #tpu.memory_space<vmem>>, vector<16xf32>,
      %get3A_670 = arith.index_cast %scan3A_19 : i32 to index
      %get3A_671 = arith.constant 736 : index
      %get3A_672 = tpu.vector_load %arg12[%get3A_670, %get3A_671] {strides = array<i32>} : memref<64x768xf32, #tpu.memory_space<vmem>>, vector<16xf32>,
      %get3A_673 = arith.index_cast %scan3A_19 : i32 to index
      %get3A_674 = arith.constant 736 : index
      %get3A_675 = tpu.vector_load %arg13[%get3A_673, %get3A_674] {strides = array<i32>} : memref<64x768xf32, #tpu.memory_space<vmem>>, vector<16xf32>,
      %mul3A_676 = arith.mulf %get3A_672, %gather3A : vector<16xf32>
      %select_n3A_677 = arith.select %ne3A_23, %mul3A_676, %broadcast_in_dim3A_28 : vector<16xi1>, vector<16xf32>
      %mul3A_678 = arith.mulf %get3A_675, %gather3A_21 : vector<16xf32>
      %select_n3A_679 = arith.select %ne3A_26, %mul3A_678, %broadcast_in_dim3A_28 : vector<16xi1>, vector<16xf32>
      %add3A_680 = arith.addf %select_n3A_677, %select_n3A_679 : vector<16xf32>
      %swap3A_681 = arith.index_cast %scan3A_19 : i32 to index
      %swap3A_682 = arith.constant 736 : index
      %swap3A_683 = tpu.vector_load %arg12[%swap3A_681, %swap3A_682] {strides = array<i32>} : memref<64x768xf32, #tpu.memory_space<vmem>>, vector<16xf32>,
      tpu.vector_store %arg12[%swap3A_681, %swap3A_682], %add3A_680 {strides = array<i32>} : memref<64x768xf32, #tpu.memory_space<vmem>>, vector<16xf32>,
      %get3A_684 = arith.index_cast %scan3A_19 : i32 to index
      %get3A_685 = arith.constant 752 : index
      %get3A_686 = tpu.vector_load %arg12[%get3A_684, %get3A_685] {strides = array<i32>} : memref<64x768xf32, #tpu.memory_space<vmem>>, vector<16xf32>,
      %get3A_687 = arith.index_cast %scan3A_19 : i32 to index
      %get3A_688 = arith.constant 752 : index
      %get3A_689 = tpu.vector_load %arg13[%get3A_687, %get3A_688] {strides = array<i32>} : memref<64x768xf32, #tpu.memory_space<vmem>>, vector<16xf32>,
      %mul3A_690 = arith.mulf %get3A_686, %gather3A : vector<16xf32>
      %select_n3A_691 = arith.select %ne3A_23, %mul3A_690, %broadcast_in_dim3A_28 : vector<16xi1>, vector<16xf32>
      %mul3A_692 = arith.mulf %get3A_689, %gather3A_21 : vector<16xf32>
      %select_n3A_693 = arith.select %ne3A_26, %mul3A_692, %broadcast_in_dim3A_28 : vector<16xi1>, vector<16xf32>
      %add3A_694 = arith.addf %select_n3A_691, %select_n3A_693 : vector<16xf32>
      %swap3A_695 = arith.index_cast %scan3A_19 : i32 to index
      %swap3A_696 = arith.constant 752 : index
      %swap3A_697 = tpu.vector_load %arg12[%swap3A_695, %swap3A_696] {strides = array<i32>} : memref<64x768xf32, #tpu.memory_space<vmem>>, vector<16xf32>,
      tpu.vector_store %arg12[%swap3A_695, %swap3A_696], %add3A_694 {strides = array<i32>} : memref<64x768xf32, #tpu.memory_space<vmem>>, vector<16xf32>,
      %scan3A_698 = arith.constant 0 : i32
      scf.yield %scan3A_698 : i32
    }
    %scan3A_18 = arith.constant 64 : i32
    "tpu.region"() ({
      %run_scoped3A = tpu.sem_alloc : memref<!tpu.dma_semaphore, #tpu.memory_space<semaphore_mem>>
      %dma_start3A_19 = arith.constant 0 : i32
      %dma_start3A_20 = tpu.memref_slice %arg7[%mul3A_2, %dma_start3A_19] : memref<2048x768xf32, #tpu.memory_space<hbm>> -> memref<64x768xf32, #tpu.memory_space<hbm>>
      %dma_start3A_21 = arith.constant 0 : i32
      %dma_start3A_22 = tpu.memref_slice %arg7[%mul3A_2, %dma_start3A_21] : memref<2048x768xf32, #tpu.memory_space<hbm>> -> memref<64x768xf32, #tpu.memory_space<hbm>>
      tpu.enqueue_dma source(%arg12 : memref<64x768xf32, #tpu.memory_space<vmem>>) target(%dma_start3A_22 : memref<64x768xf32, #tpu.memory_space<hbm>>) target_semaphore(%run_scoped3A : memref<!tpu.dma_semaphore, #tpu.memory_space<semaphore_mem>>)
      %dma_wait3A_23 = arith.constant 0 : i32
      %dma_wait3A_24 = tpu.memref_slice %arg7[%mul3A_2, %dma_wait3A_23] : memref<2048x768xf32, #tpu.memory_space<hbm>> -> memref<64x768xf32, #tpu.memory_space<hbm>>
      %dma_wait3A_25 = arith.constant 0 : i32
      %dma_wait3A_26 = tpu.memref_slice %arg7[%mul3A_2, %dma_wait3A_25] : memref<2048x768xf32, #tpu.memory_space<hbm>> -> memref<64x768xf32, #tpu.memory_space<hbm>>
      tpu.wait_dma2 semaphore(%run_scoped3A : memref<!tpu.dma_semaphore, #tpu.memory_space<semaphore_mem>>) src(%arg12 : memref<64x768xf32, #tpu.memory_space<vmem>>) dst(%dma_wait3A_26 : memref<64x768xf32, #tpu.memory_space<hbm>>)
      tpu.yield
    }) : () -> ()
    return
  }
}

#map = affine_map<(d0, d1) -> (0, 0)>
#map1 = affine_map<(d0, d1) -> (0)>
module attributes {stable_mosaic.version = 14 : i64} {
  func.func @dispatch(%arg0: i32, %arg1: i32, %arg2: memref<2056x768xf32, #tpu.memory_space<hbm>>, %arg3: memref<5120xi32, #tpu.memory_space<hbm>>, %arg4: memref<5120x768xf32, #tpu.memory_space<hbm>>, %arg5: memref<80xi32, #tpu.memory_space<vmem>>, %arg6: memref<80xi32, #tpu.memory_space<vmem>>, %arg7: memref<80x768xf32, #tpu.memory_space<vmem>>, %arg8: memref<80x768xf32, #tpu.memory_space<vmem>>, %arg9: memref<!tpu.dma_semaphore, #tpu.memory_space<semaphore_mem>>, %arg10: memref<!tpu.dma_semaphore, #tpu.memory_space<semaphore_mem>>) attributes {dimension_semantics = [#tpu.dimension_semantics<core_parallel>, #tpu.dimension_semantics<subcore_parallel>], iteration_bounds = array<i64: 2, 16>, scalar_prefetch = 0 : i64, scratch_operands = 6 : i64, tpu.core_type = #tpu.core_type<sc_vector_subcore>, window_params = [{transform_indices = #map}, {transform_indices = #map1}, {transform_indices = #map}]} {
    %mul3A = arith.constant 2 : i32
    %mul3A_0 = arith.muli %arg1, %mul3A : i32
    %add3A = arith.addi %mul3A_0, %arg0 : i32
    %mul3A_1 = arith.constant 160 : i32
    %mul3A_2 = arith.muli %add3A, %mul3A_1 : i32
    "tpu.region"() ({
      %run_scoped3A = tpu.sem_alloc : memref<!tpu.dma_semaphore, #tpu.memory_space<semaphore_mem>>
      %dma_start3A_17 = tpu.memref_slice %arg3[%mul3A_2] : memref<5120xi32, #tpu.memory_space<hbm>> -> memref<80xi32, #tpu.memory_space<hbm>>
      %dma_start3A_18 = tpu.memref_slice %arg3[%mul3A_2] : memref<5120xi32, #tpu.memory_space<hbm>> -> memref<80xi32, #tpu.memory_space<hbm>>
      tpu.enqueue_dma source(%dma_start3A_18 : memref<80xi32, #tpu.memory_space<hbm>>) target(%arg5 : memref<80xi32, #tpu.memory_space<vmem>>) target_semaphore(%run_scoped3A : memref<!tpu.dma_semaphore, #tpu.memory_space<semaphore_mem>>)
      %dma_wait3A_19 = tpu.memref_slice %arg3[%mul3A_2] : memref<5120xi32, #tpu.memory_space<hbm>> -> memref<80xi32, #tpu.memory_space<hbm>>
      %dma_wait3A_20 = tpu.memref_slice %arg3[%mul3A_2] : memref<5120xi32, #tpu.memory_space<hbm>> -> memref<80xi32, #tpu.memory_space<hbm>>
      tpu.wait_dma2 semaphore(%run_scoped3A : memref<!tpu.dma_semaphore, #tpu.memory_space<semaphore_mem>>) src(%dma_wait3A_20 : memref<80xi32, #tpu.memory_space<hbm>>) dst(%arg5 : memref<80xi32, #tpu.memory_space<vmem>>)
      tpu.yield
    }) : () -> ()
    %add3A_3 = arith.constant 80 : i32
    %add3A_4 = arith.addi %mul3A_2, %add3A_3 : i32
    "tpu.region"() ({
      %run_scoped3A = tpu.sem_alloc : memref<!tpu.dma_semaphore, #tpu.memory_space<semaphore_mem>>
      %dma_start3A_17 = tpu.memref_slice %arg3[%add3A_4] : memref<5120xi32, #tpu.memory_space<hbm>> -> memref<80xi32, #tpu.memory_space<hbm>>
      %dma_start3A_18 = tpu.memref_slice %arg3[%add3A_4] : memref<5120xi32, #tpu.memory_space<hbm>> -> memref<80xi32, #tpu.memory_space<hbm>>
      tpu.enqueue_dma source(%dma_start3A_18 : memref<80xi32, #tpu.memory_space<hbm>>) target(%arg6 : memref<80xi32, #tpu.memory_space<vmem>>) target_semaphore(%run_scoped3A : memref<!tpu.dma_semaphore, #tpu.memory_space<semaphore_mem>>)
      %dma_wait3A_19 = tpu.memref_slice %arg3[%add3A_4] : memref<5120xi32, #tpu.memory_space<hbm>> -> memref<80xi32, #tpu.memory_space<hbm>>
      %dma_wait3A_20 = tpu.memref_slice %arg3[%add3A_4] : memref<5120xi32, #tpu.memory_space<hbm>> -> memref<80xi32, #tpu.memory_space<hbm>>
      tpu.wait_dma2 semaphore(%run_scoped3A : memref<!tpu.dma_semaphore, #tpu.memory_space<semaphore_mem>>) src(%dma_wait3A_20 : memref<80xi32, #tpu.memory_space<hbm>>) dst(%arg6 : memref<80xi32, #tpu.memory_space<vmem>>)
      tpu.yield
    }) : () -> ()
    %dma_start3A = arith.constant 0 : i32
    %dma_start3A_5 = arith.constant 0 : i32
    %dma_start3A_6 = tpu.memref_slice %arg2[%dma_start3A, %dma_start3A_5] : memref<2056x768xf32, #tpu.memory_space<hbm>> -> memref<2056x768xf32, #tpu.memory_space<hbm>>
    tpu.enqueue_indirect_dma source(%dma_start3A_6 : memref<2056x768xf32, #tpu.memory_space<hbm>>) target(%arg7 : memref<80x768xf32, #tpu.memory_space<vmem>>) offsets(%arg5 : memref<80xi32, #tpu.memory_space<vmem>>) semaphore(%arg9 : memref<!tpu.dma_semaphore, #tpu.memory_space<semaphore_mem>>)
    %dma_start3A_7 = arith.constant 0 : i32
    %dma_start3A_8 = arith.constant 0 : i32
    %dma_start3A_9 = tpu.memref_slice %arg2[%dma_start3A_7, %dma_start3A_8] : memref<2056x768xf32, #tpu.memory_space<hbm>> -> memref<2056x768xf32, #tpu.memory_space<hbm>>
    tpu.enqueue_indirect_dma source(%dma_start3A_9 : memref<2056x768xf32, #tpu.memory_space<hbm>>) target(%arg8 : memref<80x768xf32, #tpu.memory_space<vmem>>) offsets(%arg6 : memref<80xi32, #tpu.memory_space<vmem>>) semaphore(%arg10 : memref<!tpu.dma_semaphore, #tpu.memory_space<semaphore_mem>>)
    %dma_wait3A = arith.constant 0 : i32
    %dma_wait3A_10 = arith.constant 0 : i32
    %dma_wait3A_11 = tpu.memref_slice %arg2[%dma_wait3A, %dma_wait3A_10] : memref<2056x768xf32, #tpu.memory_space<hbm>> -> memref<2056x768xf32, #tpu.memory_space<hbm>>
    tpu.wait_indirect_dma semaphore(%arg9 : memref<!tpu.dma_semaphore, #tpu.memory_space<semaphore_mem>>) src(%dma_wait3A_11 : memref<2056x768xf32, #tpu.memory_space<hbm>>) dst(%arg7 : memref<80x768xf32, #tpu.memory_space<vmem>>)
    "tpu.region"() ({
      %run_scoped3A = tpu.sem_alloc : memref<!tpu.dma_semaphore, #tpu.memory_space<semaphore_mem>>
      %dma_start3A_17 = arith.constant 0 : i32
      %dma_start3A_18 = tpu.memref_slice %arg4[%mul3A_2, %dma_start3A_17] : memref<5120x768xf32, #tpu.memory_space<hbm>> -> memref<80x768xf32, #tpu.memory_space<hbm>>
      %dma_start3A_19 = arith.constant 0 : i32
      %dma_start3A_20 = tpu.memref_slice %arg4[%mul3A_2, %dma_start3A_19] : memref<5120x768xf32, #tpu.memory_space<hbm>> -> memref<80x768xf32, #tpu.memory_space<hbm>>
      tpu.enqueue_dma source(%arg7 : memref<80x768xf32, #tpu.memory_space<vmem>>) target(%dma_start3A_20 : memref<80x768xf32, #tpu.memory_space<hbm>>) target_semaphore(%run_scoped3A : memref<!tpu.dma_semaphore, #tpu.memory_space<semaphore_mem>>)
      %dma_wait3A_21 = arith.constant 0 : i32
      %dma_wait3A_22 = tpu.memref_slice %arg4[%mul3A_2, %dma_wait3A_21] : memref<5120x768xf32, #tpu.memory_space<hbm>> -> memref<80x768xf32, #tpu.memory_space<hbm>>
      %dma_wait3A_23 = arith.constant 0 : i32
      %dma_wait3A_24 = tpu.memref_slice %arg4[%mul3A_2, %dma_wait3A_23] : memref<5120x768xf32, #tpu.memory_space<hbm>> -> memref<80x768xf32, #tpu.memory_space<hbm>>
      tpu.wait_dma2 semaphore(%run_scoped3A : memref<!tpu.dma_semaphore, #tpu.memory_space<semaphore_mem>>) src(%arg7 : memref<80x768xf32, #tpu.memory_space<vmem>>) dst(%dma_wait3A_24 : memref<80x768xf32, #tpu.memory_space<hbm>>)
      tpu.yield
    }) : () -> ()
    %dma_wait3A_12 = arith.constant 0 : i32
    %dma_wait3A_13 = arith.constant 0 : i32
    %dma_wait3A_14 = tpu.memref_slice %arg2[%dma_wait3A_12, %dma_wait3A_13] : memref<2056x768xf32, #tpu.memory_space<hbm>> -> memref<2056x768xf32, #tpu.memory_space<hbm>>
    tpu.wait_indirect_dma semaphore(%arg10 : memref<!tpu.dma_semaphore, #tpu.memory_space<semaphore_mem>>) src(%dma_wait3A_14 : memref<2056x768xf32, #tpu.memory_space<hbm>>) dst(%arg8 : memref<80x768xf32, #tpu.memory_space<vmem>>)
    %add3A_15 = arith.constant 80 : i32
    %add3A_16 = arith.addi %mul3A_2, %add3A_15 : i32
    "tpu.region"() ({
      %run_scoped3A = tpu.sem_alloc : memref<!tpu.dma_semaphore, #tpu.memory_space<semaphore_mem>>
      %dma_start3A_17 = arith.constant 0 : i32
      %dma_start3A_18 = tpu.memref_slice %arg4[%add3A_16, %dma_start3A_17] : memref<5120x768xf32, #tpu.memory_space<hbm>> -> memref<80x768xf32, #tpu.memory_space<hbm>>
      %dma_start3A_19 = arith.constant 0 : i32
      %dma_start3A_20 = tpu.memref_slice %arg4[%add3A_16, %dma_start3A_19] : memref<5120x768xf32, #tpu.memory_space<hbm>> -> memref<80x768xf32, #tpu.memory_space<hbm>>
      tpu.enqueue_dma source(%arg8 : memref<80x768xf32, #tpu.memory_space<vmem>>) target(%dma_start3A_20 : memref<80x768xf32, #tpu.memory_space<hbm>>) target_semaphore(%run_scoped3A : memref<!tpu.dma_semaphore, #tpu.memory_space<semaphore_mem>>)
      %dma_wait3A_21 = arith.constant 0 : i32
      %dma_wait3A_22 = tpu.memref_slice %arg4[%add3A_16, %dma_wait3A_21] : memref<5120x768xf32, #tpu.memory_space<hbm>> -> memref<80x768xf32, #tpu.memory_space<hbm>>
      %dma_wait3A_23 = arith.constant 0 : i32
      %dma_wait3A_24 = tpu.memref_slice %arg4[%add3A_16, %dma_wait3A_23] : memref<5120x768xf32, #tpu.memory_space<hbm>> -> memref<80x768xf32, #tpu.memory_space<hbm>>
      tpu.wait_dma2 semaphore(%run_scoped3A : memref<!tpu.dma_semaphore, #tpu.memory_space<semaphore_mem>>) src(%arg8 : memref<80x768xf32, #tpu.memory_space<vmem>>) dst(%dma_wait3A_24 : memref<80x768xf32, #tpu.memory_space<hbm>>)
      tpu.yield
    }) : () -> ()
    return
  }
}

module attributes {stable_mosaic.version = 14 : i64} {
  func.func @_router_body(%arg0: memref<2048x768xf32, #tpu.memory_space<vmem>>, %arg1: memref<768x64xf32, #tpu.memory_space<vmem>>, %arg2: memref<2048x1xi32, #tpu.memory_space<vmem>>, %arg3: memref<2048x1xi32, #tpu.memory_space<vmem>>, %arg4: memref<64x128xi32, #tpu.memory_space<vmem>>, %arg5: memref<2048x1xf32, #tpu.memory_space<vmem>>, %arg6: memref<2048x1xf32, #tpu.memory_space<vmem>>, %arg7: memref<8x128xf32, #tpu.memory_space<vmem>>) attributes {dimension_semantics = [], scalar_prefetch = 0 : i64, scratch_operands = 0 : i64, tpu.core_type = #tpu.core_type<tc>} {
    %get3A = arith.constant 0 : index
    %get3A_0 = arith.constant 0 : index
    %get3A_1 = vector.load %arg0[%get3A, %get3A_0] : memref<2048x768xf32, #tpu.memory_space<vmem>>, vector<2048x768xf32>
    %get3A_2 = arith.constant 0 : index
    %get3A_3 = arith.constant 0 : index
    %get3A_4 = vector.load %arg1[%get3A_2, %get3A_3] : memref<768x64xf32, #tpu.memory_space<vmem>>, vector<768x64xf32>
    %dot_general3A = arith.constant dense<0.000000e+00> : vector<2048x64xf32>
    %dot_general3A_5 = tpu.matmul %get3A_1, %get3A_4, %dot_general3A {dimension_numbers = #tpu.dot_dimension_numbers<[1], [0], [0], [1], [0, 0, 1, 1], [], []>, transpose_lhs_hint = false} : vector<2048x768xf32>, vector<768x64xf32>, vector<2048x64xf32> -> vector<2048x64xf32>
    %reduce_max3A = arith.constant dense<0xFF800000> : vector<2048xf32>
    %reduce_max3A_6 = vector.multi_reduction <maximumf>, %dot_general3A_5, %reduce_max3A [1] : vector<2048x64xf32> to vector<2048xf32>
    %broadcast_in_dim3A = vector.shape_cast %reduce_max3A_6 : vector<2048xf32> to vector<2048x1xf32>
    %sub3A = vector.broadcast %broadcast_in_dim3A : vector<2048x1xf32> to vector<2048x64xf32>
    %sub3A_7 = arith.subf %dot_general3A_5, %sub3A : vector<2048x64xf32>
    %exp3A = math.exp %sub3A_7 : vector<2048x64xf32>
    %reduce_sum3A = arith.constant dense<0.000000e+00> : vector<2048xf32>
    %reduce_sum3A_8 = vector.multi_reduction <add>, %exp3A, %reduce_sum3A [1] : vector<2048x64xf32> to vector<2048xf32>
    %broadcast_in_dim3A_9 = vector.shape_cast %reduce_sum3A_8 : vector<2048xf32> to vector<2048x1xf32>
    %div3A = vector.broadcast %broadcast_in_dim3A_9 : vector<2048x1xf32> to vector<2048x64xf32>
    %div3A_10 = arith.divf %exp3A, %div3A : vector<2048x64xf32>
    %log3A = math.log %broadcast_in_dim3A_9 : vector<2048x1xf32>
    %add3A = arith.addf %broadcast_in_dim3A, %log3A : vector<2048x1xf32>
    %iota3A = tpu.iota {dimensions = array<i32: 1>} : vector<2048x64xi32>
    %reduce_max3A_11 = arith.constant dense<0xFF800000> : vector<2048xf32>
    %reduce_max3A_12 = vector.multi_reduction <maximumf>, %div3A_10, %reduce_max3A_11 [1] : vector<2048x64xf32> to vector<2048xf32>
    %broadcast_in_dim3A_13 = vector.shape_cast %reduce_max3A_12 : vector<2048xf32> to vector<2048x1xf32>
    %eq3A = vector.broadcast %broadcast_in_dim3A_13 : vector<2048x1xf32> to vector<2048x64xf32>
    %eq3A_14 = arith.cmpf oeq, %div3A_10, %eq3A : vector<2048x64xf32>
    %jit3A = arith.constant 64 : i32
    %broadcast_in_dim3A_15 = vector.broadcast %jit3A : i32 to vector<2048x64xi32>
    %select_n3A = arith.select %eq3A_14, %iota3A, %broadcast_in_dim3A_15 : vector<2048x64xi1>, vector<2048x64xi32>
    %reduce_min3A = arith.constant dense<2147483647> : vector<2048xi32>
    %reduce_min3A_16 = vector.multi_reduction <minsi>, %select_n3A, %reduce_min3A [1] : vector<2048x64xi32> to vector<2048xi32>
    %broadcast_in_dim3A_17 = vector.shape_cast %reduce_min3A_16 : vector<2048xi32> to vector<2048x1xi32>
    %eq3A_18 = vector.broadcast %broadcast_in_dim3A_17 : vector<2048x1xi32> to vector<2048x64xi32>
    %eq3A_19 = arith.cmpi eq, %iota3A, %eq3A_18 : vector<2048x64xi32>
    %jit3A_20 = arith.constant -1.000000e+00 : f32
    %broadcast_in_dim3A_21 = vector.broadcast %jit3A_20 : f32 to vector<2048x64xf32>
    %select_n3A_22 = arith.select %eq3A_19, %broadcast_in_dim3A_21, %div3A_10 : vector<2048x64xi1>, vector<2048x64xf32>
    %reduce_max3A_23 = arith.constant dense<0xFF800000> : vector<2048xf32>
    %reduce_max3A_24 = vector.multi_reduction <maximumf>, %select_n3A_22, %reduce_max3A_23 [1] : vector<2048x64xf32> to vector<2048xf32>
    %broadcast_in_dim3A_25 = vector.shape_cast %reduce_max3A_24 : vector<2048xf32> to vector<2048x1xf32>
    %eq3A_26 = vector.broadcast %broadcast_in_dim3A_25 : vector<2048x1xf32> to vector<2048x64xf32>
    %eq3A_27 = arith.cmpf oeq, %select_n3A_22, %eq3A_26 : vector<2048x64xf32>
    %jit3A_28 = arith.constant 64 : i32
    %broadcast_in_dim3A_29 = vector.broadcast %jit3A_28 : i32 to vector<2048x64xi32>
    %select_n3A_30 = arith.select %eq3A_27, %iota3A, %broadcast_in_dim3A_29 : vector<2048x64xi1>, vector<2048x64xi32>
    %reduce_min3A_31 = arith.constant dense<2147483647> : vector<2048xi32>
    %reduce_min3A_32 = vector.multi_reduction <minsi>, %select_n3A_30, %reduce_min3A_31 [1] : vector<2048x64xi32> to vector<2048xi32>
    %broadcast_in_dim3A_33 = vector.shape_cast %reduce_min3A_32 : vector<2048xi32> to vector<2048x1xi32>
    %eq3A_34 = vector.broadcast %broadcast_in_dim3A_17 : vector<2048x1xi32> to vector<2048x64xi32>
    %eq3A_35 = arith.cmpi eq, %iota3A, %eq3A_34 : vector<2048x64xi32>
    %convert_element_type3A = arith.extui %eq3A_35 : vector<2048x64xi1> to vector<2048x64xi32>
    %convert_element_type3A_36 = arith.sitofp %convert_element_type3A : vector<2048x64xi32> to vector<2048x64xf32>
    %eq3A_37 = vector.broadcast %broadcast_in_dim3A_33 : vector<2048x1xi32> to vector<2048x64xi32>
    %eq3A_38 = arith.cmpi eq, %iota3A, %eq3A_37 : vector<2048x64xi32>
    %convert_element_type3A_39 = arith.extui %eq3A_38 : vector<2048x64xi1> to vector<2048x64xi32>
    %convert_element_type3A_40 = arith.sitofp %convert_element_type3A_39 : vector<2048x64xi32> to vector<2048x64xf32>
    %iota3A_41 = tpu.iota {dimensions = array<i32: 0>} : vector<512x512xi32>
    %iota3A_42 = tpu.iota {dimensions = array<i32: 1>} : vector<512x512xi32>
    %le3A = arith.cmpi sle, %iota3A_42, %iota3A_41 : vector<512x512xi32>
    %convert_element_type3A_43 = arith.extui %le3A : vector<512x512xi1> to vector<512x512xi32>
    %convert_element_type3A_44 = arith.sitofp %convert_element_type3A_43 : vector<512x512xi32> to vector<512x512xf32>
    %broadcast_in_dim3A_45 = arith.constant 0.000000e+00 : f32
    %broadcast_in_dim3A_46 = vector.broadcast %broadcast_in_dim3A_45 : f32 to vector<1x64xf32>
    %broadcast_in_dim3A_47 = arith.constant 0.000000e+00 : f32
    %broadcast_in_dim3A_48 = vector.broadcast %broadcast_in_dim3A_47 : f32 to vector<1x64xf32>
    %slice3A = vector.extract_strided_slice %convert_element_type3A_36 {offsets = [0, 0], sizes = [512, 64], strides = [1, 1]} : vector<2048x64xf32> to vector<512x64xf32>
    %slice3A_49 = vector.extract_strided_slice %convert_element_type3A_40 {offsets = [0, 0], sizes = [512, 64], strides = [1, 1]} : vector<2048x64xf32> to vector<512x64xf32>
    %dot_general3A_50 = arith.constant dense<0.000000e+00> : vector<512x64xf32>
    %dot_general3A_51 = tpu.matmul %convert_element_type3A_44, %slice3A, %dot_general3A_50 {dimension_numbers = #tpu.dot_dimension_numbers<[1], [0], [0], [1], [0, 0, 1, 1], [], []>, transpose_lhs_hint = false} : vector<512x512xf32>, vector<512x64xf32>, vector<512x64xf32> -> vector<512x64xf32>
    %add3A_52 = vector.broadcast %broadcast_in_dim3A_46 : vector<1x64xf32> to vector<512x64xf32>
    %add3A_53 = arith.addf %dot_general3A_51, %add3A_52 : vector<512x64xf32>
    %dot_general3A_54 = arith.constant dense<0.000000e+00> : vector<512x64xf32>
    %dot_general3A_55 = tpu.matmul %convert_element_type3A_44, %slice3A_49, %dot_general3A_54 {dimension_numbers = #tpu.dot_dimension_numbers<[1], [0], [0], [1], [0, 0, 1, 1], [], []>, transpose_lhs_hint = false} : vector<512x512xf32>, vector<512x64xf32>, vector<512x64xf32> -> vector<512x64xf32>
    %add3A_56 = vector.broadcast %broadcast_in_dim3A_48 : vector<1x64xf32> to vector<512x64xf32>
    %add3A_57 = arith.addf %dot_general3A_55, %add3A_56 : vector<512x64xf32>
    %reduce_sum3A_58 = arith.constant dense<0.000000e+00> : vector<64xf32>
    %reduce_sum3A_59 = vector.multi_reduction <add>, %slice3A, %reduce_sum3A_58 [0] : vector<512x64xf32> to vector<64xf32>
    %broadcast_in_dim3A_60 = vector.shape_cast %reduce_sum3A_59 : vector<64xf32> to vector<1x64xf32>
    %add3A_61 = arith.addf %broadcast_in_dim3A_46, %broadcast_in_dim3A_60 : vector<1x64xf32>
    %reduce_sum3A_62 = arith.constant dense<0.000000e+00> : vector<64xf32>
    %reduce_sum3A_63 = vector.multi_reduction <add>, %slice3A_49, %reduce_sum3A_62 [0] : vector<512x64xf32> to vector<64xf32>
    %broadcast_in_dim3A_64 = vector.shape_cast %reduce_sum3A_63 : vector<64xf32> to vector<1x64xf32>
    %add3A_65 = arith.addf %broadcast_in_dim3A_48, %broadcast_in_dim3A_64 : vector<1x64xf32>
    %slice3A_66 = vector.extract_strided_slice %convert_element_type3A_36 {offsets = [512, 0], sizes = [512, 64], strides = [1, 1]} : vector<2048x64xf32> to vector<512x64xf32>
    %slice3A_67 = vector.extract_strided_slice %convert_element_type3A_40 {offsets = [512, 0], sizes = [512, 64], strides = [1, 1]} : vector<2048x64xf32> to vector<512x64xf32>
    %dot_general3A_68 = arith.constant dense<0.000000e+00> : vector<512x64xf32>
    %dot_general3A_69 = tpu.matmul %convert_element_type3A_44, %slice3A_66, %dot_general3A_68 {dimension_numbers = #tpu.dot_dimension_numbers<[1], [0], [0], [1], [0, 0, 1, 1], [], []>, transpose_lhs_hint = false} : vector<512x512xf32>, vector<512x64xf32>, vector<512x64xf32> -> vector<512x64xf32>
    %add3A_70 = vector.broadcast %add3A_61 : vector<1x64xf32> to vector<512x64xf32>
    %add3A_71 = arith.addf %dot_general3A_69, %add3A_70 : vector<512x64xf32>
    %dot_general3A_72 = arith.constant dense<0.000000e+00> : vector<512x64xf32>
    %dot_general3A_73 = tpu.matmul %convert_element_type3A_44, %slice3A_67, %dot_general3A_72 {dimension_numbers = #tpu.dot_dimension_numbers<[1], [0], [0], [1], [0, 0, 1, 1], [], []>, transpose_lhs_hint = false} : vector<512x512xf32>, vector<512x64xf32>, vector<512x64xf32> -> vector<512x64xf32>
    %add3A_74 = vector.broadcast %add3A_65 : vector<1x64xf32> to vector<512x64xf32>
    %add3A_75 = arith.addf %dot_general3A_73, %add3A_74 : vector<512x64xf32>
    %reduce_sum3A_76 = arith.constant dense<0.000000e+00> : vector<64xf32>
    %reduce_sum3A_77 = vector.multi_reduction <add>, %slice3A_66, %reduce_sum3A_76 [0] : vector<512x64xf32> to vector<64xf32>
    %broadcast_in_dim3A_78 = vector.shape_cast %reduce_sum3A_77 : vector<64xf32> to vector<1x64xf32>
    %add3A_79 = arith.addf %add3A_61, %broadcast_in_dim3A_78 : vector<1x64xf32>
    %reduce_sum3A_80 = arith.constant dense<0.000000e+00> : vector<64xf32>
    %reduce_sum3A_81 = vector.multi_reduction <add>, %slice3A_67, %reduce_sum3A_80 [0] : vector<512x64xf32> to vector<64xf32>
    %broadcast_in_dim3A_82 = vector.shape_cast %reduce_sum3A_81 : vector<64xf32> to vector<1x64xf32>
    %add3A_83 = arith.addf %add3A_65, %broadcast_in_dim3A_82 : vector<1x64xf32>
    %slice3A_84 = vector.extract_strided_slice %convert_element_type3A_36 {offsets = [1024, 0], sizes = [512, 64], strides = [1, 1]} : vector<2048x64xf32> to vector<512x64xf32>
    %slice3A_85 = vector.extract_strided_slice %convert_element_type3A_40 {offsets = [1024, 0], sizes = [512, 64], strides = [1, 1]} : vector<2048x64xf32> to vector<512x64xf32>
    %dot_general3A_86 = arith.constant dense<0.000000e+00> : vector<512x64xf32>
    %dot_general3A_87 = tpu.matmul %convert_element_type3A_44, %slice3A_84, %dot_general3A_86 {dimension_numbers = #tpu.dot_dimension_numbers<[1], [0], [0], [1], [0, 0, 1, 1], [], []>, transpose_lhs_hint = false} : vector<512x512xf32>, vector<512x64xf32>, vector<512x64xf32> -> vector<512x64xf32>
    %add3A_88 = vector.broadcast %add3A_79 : vector<1x64xf32> to vector<512x64xf32>
    %add3A_89 = arith.addf %dot_general3A_87, %add3A_88 : vector<512x64xf32>
    %dot_general3A_90 = arith.constant dense<0.000000e+00> : vector<512x64xf32>
    %dot_general3A_91 = tpu.matmul %convert_element_type3A_44, %slice3A_85, %dot_general3A_90 {dimension_numbers = #tpu.dot_dimension_numbers<[1], [0], [0], [1], [0, 0, 1, 1], [], []>, transpose_lhs_hint = false} : vector<512x512xf32>, vector<512x64xf32>, vector<512x64xf32> -> vector<512x64xf32>
    %add3A_92 = vector.broadcast %add3A_83 : vector<1x64xf32> to vector<512x64xf32>
    %add3A_93 = arith.addf %dot_general3A_91, %add3A_92 : vector<512x64xf32>
    %reduce_sum3A_94 = arith.constant dense<0.000000e+00> : vector<64xf32>
    %reduce_sum3A_95 = vector.multi_reduction <add>, %slice3A_84, %reduce_sum3A_94 [0] : vector<512x64xf32> to vector<64xf32>
    %broadcast_in_dim3A_96 = vector.shape_cast %reduce_sum3A_95 : vector<64xf32> to vector<1x64xf32>
    %add3A_97 = arith.addf %add3A_79, %broadcast_in_dim3A_96 : vector<1x64xf32>
    %reduce_sum3A_98 = arith.constant dense<0.000000e+00> : vector<64xf32>
    %reduce_sum3A_99 = vector.multi_reduction <add>, %slice3A_85, %reduce_sum3A_98 [0] : vector<512x64xf32> to vector<64xf32>
    %broadcast_in_dim3A_100 = vector.shape_cast %reduce_sum3A_99 : vector<64xf32> to vector<1x64xf32>
    %add3A_101 = arith.addf %add3A_83, %broadcast_in_dim3A_100 : vector<1x64xf32>
    %slice3A_102 = vector.extract_strided_slice %convert_element_type3A_36 {offsets = [1536, 0], sizes = [512, 64], strides = [1, 1]} : vector<2048x64xf32> to vector<512x64xf32>
    %slice3A_103 = vector.extract_strided_slice %convert_element_type3A_40 {offsets = [1536, 0], sizes = [512, 64], strides = [1, 1]} : vector<2048x64xf32> to vector<512x64xf32>
    %dot_general3A_104 = arith.constant dense<0.000000e+00> : vector<512x64xf32>
    %dot_general3A_105 = tpu.matmul %convert_element_type3A_44, %slice3A_102, %dot_general3A_104 {dimension_numbers = #tpu.dot_dimension_numbers<[1], [0], [0], [1], [0, 0, 1, 1], [], []>, transpose_lhs_hint = false} : vector<512x512xf32>, vector<512x64xf32>, vector<512x64xf32> -> vector<512x64xf32>
    %add3A_106 = vector.broadcast %add3A_97 : vector<1x64xf32> to vector<512x64xf32>
    %add3A_107 = arith.addf %dot_general3A_105, %add3A_106 : vector<512x64xf32>
    %dot_general3A_108 = arith.constant dense<0.000000e+00> : vector<512x64xf32>
    %dot_general3A_109 = tpu.matmul %convert_element_type3A_44, %slice3A_103, %dot_general3A_108 {dimension_numbers = #tpu.dot_dimension_numbers<[1], [0], [0], [1], [0, 0, 1, 1], [], []>, transpose_lhs_hint = false} : vector<512x512xf32>, vector<512x64xf32>, vector<512x64xf32> -> vector<512x64xf32>
    %add3A_110 = vector.broadcast %add3A_101 : vector<1x64xf32> to vector<512x64xf32>
    %add3A_111 = arith.addf %dot_general3A_109, %add3A_110 : vector<512x64xf32>
    %reduce_sum3A_112 = arith.constant dense<0.000000e+00> : vector<64xf32>
    %reduce_sum3A_113 = vector.multi_reduction <add>, %slice3A_102, %reduce_sum3A_112 [0] : vector<512x64xf32> to vector<64xf32>
    %broadcast_in_dim3A_114 = vector.shape_cast %reduce_sum3A_113 : vector<64xf32> to vector<1x64xf32>
    %add3A_115 = arith.addf %add3A_97, %broadcast_in_dim3A_114 : vector<1x64xf32>
    %concatenate3A = tpu.concatenate %add3A_53, %add3A_71, %add3A_89, %add3A_107 in 0 : vector<512x64xf32>, vector<512x64xf32>, vector<512x64xf32>, vector<512x64xf32> -> vector<2048x64xf32>
    %concatenate3A_116 = tpu.concatenate %add3A_57, %add3A_75, %add3A_93, %add3A_111 in 0 : vector<512x64xf32>, vector<512x64xf32>, vector<512x64xf32>, vector<512x64xf32> -> vector<2048x64xf32>
    %mul3A = arith.mulf %concatenate3A, %convert_element_type3A_36 : vector<2048x64xf32>
    %reduce_sum3A_117 = arith.constant dense<0.000000e+00> : vector<2048xf32>
    %reduce_sum3A_118 = vector.multi_reduction <add>, %mul3A, %reduce_sum3A_117 [1] : vector<2048x64xf32> to vector<2048xf32>
    %broadcast_in_dim3A_119 = vector.shape_cast %reduce_sum3A_118 : vector<2048xf32> to vector<2048x1xf32>
    %sub3A_120 = arith.constant 1.000000e+00 : f32
    %sub3A_121 = vector.broadcast %sub3A_120 : f32 to vector<2048x1xf32>
    %sub3A_122 = arith.subf %broadcast_in_dim3A_119, %sub3A_121 : vector<2048x1xf32>
    %mul3A_123 = arith.mulf %concatenate3A_116, %convert_element_type3A_40 : vector<2048x64xf32>
    %reduce_sum3A_124 = arith.constant dense<0.000000e+00> : vector<2048xf32>
    %reduce_sum3A_125 = vector.multi_reduction <add>, %mul3A_123, %reduce_sum3A_124 [1] : vector<2048x64xf32> to vector<2048xf32>
    %broadcast_in_dim3A_126 = vector.shape_cast %reduce_sum3A_125 : vector<2048xf32> to vector<2048x1xf32>
    %sub3A_127 = arith.constant 1.000000e+00 : f32
    %sub3A_128 = vector.broadcast %sub3A_127 : f32 to vector<2048x1xf32>
    %sub3A_129 = arith.subf %broadcast_in_dim3A_126, %sub3A_128 : vector<2048x1xf32>
    %mul3A_130 = vector.broadcast %add3A_115 : vector<1x64xf32> to vector<2048x64xf32>
    %mul3A_131 = arith.mulf %mul3A_130, %convert_element_type3A_40 : vector<2048x64xf32>
    %reduce_sum3A_132 = arith.constant dense<0.000000e+00> : vector<2048xf32>
    %reduce_sum3A_133 = vector.multi_reduction <add>, %mul3A_131, %reduce_sum3A_132 [1] : vector<2048x64xf32> to vector<2048xf32>
    %broadcast_in_dim3A_134 = vector.shape_cast %reduce_sum3A_133 : vector<2048xf32> to vector<2048x1xf32>
    %add3A_135 = arith.addf %sub3A_129, %broadcast_in_dim3A_134 : vector<2048x1xf32>
    %lt3A = arith.constant 8.000000e+01 : f32
    %lt3A_136 = vector.broadcast %lt3A : f32 to vector<2048x1xf32>
    %lt3A_137 = arith.cmpf olt, %sub3A_122, %lt3A_136 : vector<2048x1xf32>
    %convert_element_type3A_138 = arith.extui %lt3A_137 : vector<2048x1xi1> to vector<2048x1xi32>
    %convert_element_type3A_139 = arith.sitofp %convert_element_type3A_138 : vector<2048x1xi32> to vector<2048x1xf32>
    %lt3A_140 = arith.constant 8.000000e+01 : f32
    %lt3A_141 = vector.broadcast %lt3A_140 : f32 to vector<2048x1xf32>
    %lt3A_142 = arith.cmpf olt, %add3A_135, %lt3A_141 : vector<2048x1xf32>
    %gt3A = arith.constant 2.000000e-01 : f32
    %gt3A_143 = vector.broadcast %gt3A : f32 to vector<2048x1xf32>
    %gt3A_144 = arith.cmpf ogt, %broadcast_in_dim3A_25, %gt3A_143 : vector<2048x1xf32>
    %and3A = arith.andi %lt3A_142, %gt3A_144 : vector<2048x1xi1>
    %convert_element_type3A_145 = arith.extui %and3A : vector<2048x1xi1> to vector<2048x1xi32>
    %convert_element_type3A_146 = arith.sitofp %convert_element_type3A_145 : vector<2048x1xi32> to vector<2048x1xf32>
    %jit3A_147 = arith.constant 0.000000e+00 : f32
    %jit3A_148 = arith.constant 7.900000e+01 : f32
    %max3A = vector.broadcast %jit3A_147 : f32 to vector<2048x1xf32>
    %max3A_149 = arith.maximumf %max3A, %sub3A_122 : vector<2048x1xf32>
    %min3A = vector.broadcast %jit3A_148 : f32 to vector<2048x1xf32>
    %min3A_150 = arith.minimumf %min3A, %max3A_149 : vector<2048x1xf32>
    %convert_element_type3A_151 = arith.fptosi %min3A_150 : vector<2048x1xf32> to vector<2048x1xi32>
    %jit3A_152 = arith.constant 0.000000e+00 : f32
    %jit3A_153 = arith.constant 7.900000e+01 : f32
    %max3A_154 = vector.broadcast %jit3A_152 : f32 to vector<2048x1xf32>
    %max3A_155 = arith.maximumf %max3A_154, %add3A_135 : vector<2048x1xf32>
    %min3A_156 = vector.broadcast %jit3A_153 : f32 to vector<2048x1xf32>
    %min3A_157 = arith.minimumf %min3A_156, %max3A_155 : vector<2048x1xf32>
    %convert_element_type3A_158 = arith.fptosi %min3A_157 : vector<2048x1xf32> to vector<2048x1xi32>
    %mul3A_159 = arith.constant 80 : i32
    %mul3A_160 = vector.broadcast %mul3A_159 : i32 to vector<2048x1xi32>
    %mul3A_161 = arith.muli %broadcast_in_dim3A_17, %mul3A_160 : vector<2048x1xi32>
    %add3A_162 = arith.addi %mul3A_161, %convert_element_type3A_151 : vector<2048x1xi32>
    %mul3A_163 = arith.constant 80 : i32
    %mul3A_164 = vector.broadcast %mul3A_163 : i32 to vector<2048x1xi32>
    %mul3A_165 = arith.muli %broadcast_in_dim3A_33, %mul3A_164 : vector<2048x1xi32>
    %add3A_166 = arith.addi %mul3A_165, %convert_element_type3A_158 : vector<2048x1xi32>
    %iota3A_167 = tpu.iota {dimensions = array<i32: 1>} : vector<2048x128xi32>
    %eq3A_168 = vector.broadcast %convert_element_type3A_151 : vector<2048x1xi32> to vector<2048x128xi32>
    %eq3A_169 = arith.cmpi eq, %iota3A_167, %eq3A_168 : vector<2048x128xi32>
    %convert_element_type3A_170 = arith.extui %eq3A_169 : vector<2048x128xi1> to vector<2048x128xi32>
    %convert_element_type3A_171 = arith.sitofp %convert_element_type3A_170 : vector<2048x128xi32> to vector<2048x128xf32>
    %eq3A_172 = vector.broadcast %convert_element_type3A_158 : vector<2048x1xi32> to vector<2048x128xi32>
    %eq3A_173 = arith.cmpi eq, %iota3A_167, %eq3A_172 : vector<2048x128xi32>
    %convert_element_type3A_174 = arith.extui %eq3A_173 : vector<2048x128xi1> to vector<2048x128xi32>
    %convert_element_type3A_175 = arith.sitofp %convert_element_type3A_174 : vector<2048x128xi32> to vector<2048x128xf32>
    %iota3A_176 = tpu.iota {dimensions = array<i32: 0>} : vector<2048x64xi32>
    %add3A_177 = arith.constant 1 : i32
    %add3A_178 = vector.broadcast %add3A_177 : i32 to vector<2048x64xi32>
    %add3A_179 = arith.addi %iota3A_176, %add3A_178 : vector<2048x64xi32>
    %convert_element_type3A_180 = arith.sitofp %add3A_179 : vector<2048x64xi32> to vector<2048x64xf32>
    %mul3A_181 = vector.broadcast %convert_element_type3A_139 : vector<2048x1xf32> to vector<2048x64xf32>
    %mul3A_182 = arith.mulf %convert_element_type3A_36, %mul3A_181 : vector<2048x64xf32>
    %mul3A_183 = arith.mulf %mul3A_182, %convert_element_type3A_180 : vector<2048x64xf32>
    %mul3A_184 = vector.broadcast %convert_element_type3A_146 : vector<2048x1xf32> to vector<2048x64xf32>
    %mul3A_185 = arith.mulf %convert_element_type3A_40, %mul3A_184 : vector<2048x64xf32>
    %mul3A_186 = arith.mulf %mul3A_185, %convert_element_type3A_180 : vector<2048x64xf32>
    %dot_general3A_187 = arith.constant dense<0.000000e+00> : vector<64x128xf32>
    %dot_general3A_188 = tpu.matmul %mul3A_183, %convert_element_type3A_171, %dot_general3A_187 {dimension_numbers = #tpu.dot_dimension_numbers<[0], [0], [1], [1], [0, 1, 1, 1], [], []>, precision = #tpu.contract_precision<fp32>, transpose_lhs_hint = false} : vector<2048x64xf32>, vector<2048x128xf32>, vector<64x128xf32> -> vector<64x128xf32>
    %dot_general3A_189 = arith.constant dense<0.000000e+00> : vector<64x128xf32>
    %dot_general3A_190 = tpu.matmul %mul3A_186, %convert_element_type3A_175, %dot_general3A_189 {dimension_numbers = #tpu.dot_dimension_numbers<[0], [0], [1], [1], [0, 1, 1, 1], [], []>, precision = #tpu.contract_precision<fp32>, transpose_lhs_hint = false} : vector<2048x64xf32>, vector<2048x128xf32>, vector<64x128xf32> -> vector<64x128xf32>
    %add3A_191 = arith.addf %dot_general3A_188, %dot_general3A_190 : vector<64x128xf32>
    %convert_element_type3A_192 = arith.fptosi %add3A_191 : vector<64x128xf32> to vector<64x128xi32>
    %sub3A_193 = arith.constant 1 : i32
    %sub3A_194 = vector.broadcast %sub3A_193 : i32 to vector<64x128xi32>
    %sub3A_195 = arith.subi %convert_element_type3A_192, %sub3A_194 : vector<64x128xi32>
    %lt3A_196 = arith.constant 0 : i32
    %lt3A_197 = vector.broadcast %lt3A_196 : i32 to vector<64x128xi32>
    %lt3A_198 = arith.cmpi slt, %sub3A_195, %lt3A_197 : vector<64x128xi32>
    %jit3A_199 = arith.constant 2048 : i32
    %broadcast_in_dim3A_200 = vector.broadcast %jit3A_199 : i32 to vector<64x128xi32>
    %select_n3A_201 = arith.select %lt3A_198, %broadcast_in_dim3A_200, %sub3A_195 : vector<64x128xi1>, vector<64x128xi32>
    %swap3A = arith.constant 0 : index
    %swap3A_202 = arith.constant 0 : index
    %swap3A_203 = vector.load %arg4[%swap3A, %swap3A_202] : memref<64x128xi32, #tpu.memory_space<vmem>>, vector<64x128xi32>
    tpu.vector_store %arg4[%swap3A, %swap3A_202], %select_n3A_201 {strides = array<i32>} : memref<64x128xi32, #tpu.memory_space<vmem>>, vector<64x128xi32>,
    %swap3A_204 = arith.constant 0 : index
    %swap3A_205 = arith.constant 0 : index
    %swap3A_206 = vector.load %arg2[%swap3A_204, %swap3A_205] : memref<2048x1xi32, #tpu.memory_space<vmem>>, vector<2048x1xi32>
    tpu.vector_store %arg2[%swap3A_204, %swap3A_205], %add3A_162 {strides = array<i32>} : memref<2048x1xi32, #tpu.memory_space<vmem>>, vector<2048x1xi32>,
    %swap3A_207 = arith.constant 0 : index
    %swap3A_208 = arith.constant 0 : index
    %swap3A_209 = vector.load %arg3[%swap3A_207, %swap3A_208] : memref<2048x1xi32, #tpu.memory_space<vmem>>, vector<2048x1xi32>
    tpu.vector_store %arg3[%swap3A_207, %swap3A_208], %add3A_166 {strides = array<i32>} : memref<2048x1xi32, #tpu.memory_space<vmem>>, vector<2048x1xi32>,
    %mul3A_210 = arith.mulf %broadcast_in_dim3A_13, %convert_element_type3A_139 : vector<2048x1xf32>
    %swap3A_211 = arith.constant 0 : index
    %swap3A_212 = arith.constant 0 : index
    %swap3A_213 = vector.load %arg5[%swap3A_211, %swap3A_212] : memref<2048x1xf32, #tpu.memory_space<vmem>>, vector<2048x1xf32>
    tpu.vector_store %arg5[%swap3A_211, %swap3A_212], %mul3A_210 {strides = array<i32>} : memref<2048x1xf32, #tpu.memory_space<vmem>>, vector<2048x1xf32>,
    %mul3A_214 = arith.mulf %broadcast_in_dim3A_25, %convert_element_type3A_146 : vector<2048x1xf32>
    %swap3A_215 = arith.constant 0 : index
    %swap3A_216 = arith.constant 0 : index
    %swap3A_217 = vector.load %arg6[%swap3A_215, %swap3A_216] : memref<2048x1xf32, #tpu.memory_space<vmem>>, vector<2048x1xf32>
    tpu.vector_store %arg6[%swap3A_215, %swap3A_216], %mul3A_214 {strides = array<i32>} : memref<2048x1xf32, #tpu.memory_space<vmem>>, vector<2048x1xf32>,
    %reduce_sum3A_218 = arith.constant dense<0.000000e+00> : vector<64xf32>
    %reduce_sum3A_219 = vector.multi_reduction <add>, %div3A_10, %reduce_sum3A_218 [0] : vector<2048x64xf32> to vector<64xf32>
    %broadcast_in_dim3A_220 = vector.shape_cast %reduce_sum3A_219 : vector<64xf32> to vector<1x64xf32>
    %div3A_221 = arith.constant 2.048000e+03 : f32
    %div3A_222 = vector.broadcast %div3A_221 : f32 to vector<1x64xf32>
    %div3A_223 = arith.divf %broadcast_in_dim3A_220, %div3A_222 : vector<1x64xf32>
    %div3A_224 = arith.constant 2.048000e+03 : f32
    %div3A_225 = vector.broadcast %div3A_224 : f32 to vector<1x64xf32>
    %div3A_226 = arith.divf %add3A_115, %div3A_225 : vector<1x64xf32>
    %mul3A_227 = arith.mulf %div3A_226, %div3A_223 : vector<1x64xf32>
    %reduce_sum3A_228 = vector.shape_cast %mul3A_227 : vector<1x64xf32> to vector<1x1x64xf32>
    %reduce_sum3A_229 = arith.constant dense<0.000000e+00> : vector<1xf32>
    %reduce_sum3A_230 = vector.multi_reduction <add>, %reduce_sum3A_228, %reduce_sum3A_229 [1, 2] : vector<1x1x64xf32> to vector<1xf32>
    %reduce_sum3A_231 = vector.shape_cast %reduce_sum3A_230 : vector<1xf32> to vector<1x1x1xf32>
    %reduce_sum3A_232 = vector.extract %reduce_sum3A_231[0, 0, 0] : f32 from vector<1x1x1xf32>
    %broadcast_in_dim3A_233 = vector.broadcast %reduce_sum3A_232 : f32 to vector<1x1xf32>
    %mul3A_234 = arith.constant 6.400000e+01 : f32
    %mul3A_235 = vector.broadcast %mul3A_234 : f32 to vector<1x1xf32>
    %mul3A_236 = arith.mulf %mul3A_235, %broadcast_in_dim3A_233 : vector<1x1xf32>
    %mul3A_237 = arith.mulf %add3A, %add3A : vector<2048x1xf32>
    %reduce_sum3A_238 = vector.shape_cast %mul3A_237 : vector<2048x1xf32> to vector<1x2048x1xf32>
    %reduce_sum3A_239 = arith.constant dense<0.000000e+00> : vector<1xf32>
    %reduce_sum3A_240 = vector.multi_reduction <add>, %reduce_sum3A_238, %reduce_sum3A_239 [1, 2] : vector<1x2048x1xf32> to vector<1xf32>
    %reduce_sum3A_241 = vector.shape_cast %reduce_sum3A_240 : vector<1xf32> to vector<1x1x1xf32>
    %reduce_sum3A_242 = vector.extract %reduce_sum3A_241[0, 0, 0] : f32 from vector<1x1x1xf32>
    %broadcast_in_dim3A_243 = vector.broadcast %reduce_sum3A_242 : f32 to vector<1x1xf32>
    %div3A_244 = arith.constant 2.048000e+03 : f32
    %div3A_245 = vector.broadcast %div3A_244 : f32 to vector<1x1xf32>
    %div3A_246 = arith.divf %broadcast_in_dim3A_243, %div3A_245 : vector<1x1xf32>
    %mul3A_247 = arith.constant 0.00999999977 : f32
    %mul3A_248 = vector.broadcast %mul3A_247 : f32 to vector<1x1xf32>
    %mul3A_249 = arith.mulf %mul3A_248, %mul3A_236 : vector<1x1xf32>
    %mul3A_250 = arith.constant 1.000000e-03 : f32
    %mul3A_251 = vector.broadcast %mul3A_250 : f32 to vector<1x1xf32>
    %mul3A_252 = arith.mulf %mul3A_251, %div3A_246 : vector<1x1xf32>
    %add3A_253 = arith.addf %mul3A_249, %mul3A_252 : vector<1x1xf32>
    %iota3A_254 = tpu.iota {dimensions = array<i32: 0>} : vector<8x128xi32>
    %iota3A_255 = tpu.iota {dimensions = array<i32: 1>} : vector<8x128xi32>
    %eq3A_256 = arith.constant 0 : i32
    %eq3A_257 = vector.broadcast %eq3A_256 : i32 to vector<8x128xi32>
    %eq3A_258 = arith.cmpi eq, %iota3A_254, %eq3A_257 : vector<8x128xi32>
    %eq3A_259 = arith.constant 0 : i32
    %eq3A_260 = vector.broadcast %eq3A_259 : i32 to vector<8x128xi32>
    %eq3A_261 = arith.cmpi eq, %iota3A_255, %eq3A_260 : vector<8x128xi32>
    %and3A_262 = arith.andi %eq3A_258, %eq3A_261 : vector<8x128xi1>
    %convert_element_type3A_263 = arith.extui %and3A_262 : vector<8x128xi1> to vector<8x128xi32>
    %convert_element_type3A_264 = arith.sitofp %convert_element_type3A_263 : vector<8x128xi32> to vector<8x128xf32>
    %mul3A_265 = vector.broadcast %mul3A_236 : vector<1x1xf32> to vector<8x128xf32>
    %mul3A_266 = arith.mulf %mul3A_265, %convert_element_type3A_264 : vector<8x128xf32>
    %eq3A_267 = arith.constant 0 : i32
    %eq3A_268 = vector.broadcast %eq3A_267 : i32 to vector<8x128xi32>
    %eq3A_269 = arith.cmpi eq, %iota3A_254, %eq3A_268 : vector<8x128xi32>
    %eq3A_270 = arith.constant 1 : i32
    %eq3A_271 = vector.broadcast %eq3A_270 : i32 to vector<8x128xi32>
    %eq3A_272 = arith.cmpi eq, %iota3A_255, %eq3A_271 : vector<8x128xi32>
    %and3A_273 = arith.andi %eq3A_269, %eq3A_272 : vector<8x128xi1>
    %convert_element_type3A_274 = arith.extui %and3A_273 : vector<8x128xi1> to vector<8x128xi32>
    %convert_element_type3A_275 = arith.sitofp %convert_element_type3A_274 : vector<8x128xi32> to vector<8x128xf32>
    %mul3A_276 = vector.broadcast %div3A_246 : vector<1x1xf32> to vector<8x128xf32>
    %mul3A_277 = arith.mulf %mul3A_276, %convert_element_type3A_275 : vector<8x128xf32>
    %add3A_278 = arith.addf %mul3A_266, %mul3A_277 : vector<8x128xf32>
    %eq3A_279 = arith.constant 0 : i32
    %eq3A_280 = vector.broadcast %eq3A_279 : i32 to vector<8x128xi32>
    %eq3A_281 = arith.cmpi eq, %iota3A_254, %eq3A_280 : vector<8x128xi32>
    %eq3A_282 = arith.constant 2 : i32
    %eq3A_283 = vector.broadcast %eq3A_282 : i32 to vector<8x128xi32>
    %eq3A_284 = arith.cmpi eq, %iota3A_255, %eq3A_283 : vector<8x128xi32>
    %and3A_285 = arith.andi %eq3A_281, %eq3A_284 : vector<8x128xi1>
    %convert_element_type3A_286 = arith.extui %and3A_285 : vector<8x128xi1> to vector<8x128xi32>
    %convert_element_type3A_287 = arith.sitofp %convert_element_type3A_286 : vector<8x128xi32> to vector<8x128xf32>
    %mul3A_288 = vector.broadcast %add3A_253 : vector<1x1xf32> to vector<8x128xf32>
    %mul3A_289 = arith.mulf %mul3A_288, %convert_element_type3A_287 : vector<8x128xf32>
    %add3A_290 = arith.addf %add3A_278, %mul3A_289 : vector<8x128xf32>
    %swap3A_291 = arith.constant 0 : index
    %swap3A_292 = arith.constant 0 : index
    %swap3A_293 = vector.load %arg7[%swap3A_291, %swap3A_292] : memref<8x128xf32, #tpu.memory_space<vmem>>, vector<8x128xf32>
    tpu.vector_store %arg7[%swap3A_291, %swap3A_292], %add3A_290 {strides = array<i32>} : memref<8x128xf32, #tpu.memory_space<vmem>>, vector<8x128xf32>,
    return
  }
}

module attributes {stable_mosaic.version = 14 : i64} {
  func.func @_ffn_body(%arg0: i32, %arg1: memref<80x768xf32, #tpu.memory_space<vmem>>, %arg2: memref<1x768x2048xf32, #tpu.memory_space<vmem>>, %arg3: memref<1x1x2048xf32, #tpu.memory_space<vmem>>, %arg4: memref<1x2048x768xf32, #tpu.memory_space<vmem>>, %arg5: memref<1x1x768xf32, #tpu.memory_space<vmem>>, %arg6: memref<1x1x768xf32, #tpu.memory_space<vmem>>, %arg7: memref<1x1x768xf32, #tpu.memory_space<vmem>>, %arg8: memref<80x768xf32, #tpu.memory_space<vmem>>) attributes {dimension_semantics = [#tpu.dimension_semantics<arbitrary>], iteration_bounds = array<i64: 64>, scalar_prefetch = 0 : i64, scratch_operands = 0 : i64, tpu.core_type = #tpu.core_type<tc>, window_params = [{transform_indices = @transform_0, window_bounds = array<i64: 80, 768>}, {transform_indices = @transform_1, window_bounds = array<i64: 1, 768, 2048>}, {transform_indices = @transform_2, window_bounds = array<i64: 1, 1, 2048>}, {transform_indices = @transform_3, window_bounds = array<i64: 1, 2048, 768>}, {transform_indices = @transform_4, window_bounds = array<i64: 1, 1, 768>}, {transform_indices = @transform_5, window_bounds = array<i64: 1, 1, 768>}, {transform_indices = @transform_6, window_bounds = array<i64: 1, 1, 768>}, {transform_indices = @transform_7, window_bounds = array<i64: 80, 768>}]} {
    %get3A = arith.constant 0 : index
    %get3A_0 = arith.constant 0 : index
    %get3A_1 = vector.load %arg1[%get3A, %get3A_0] : memref<80x768xf32, #tpu.memory_space<vmem>>, vector<80x768xf32>
    %reduce_sum3A = arith.constant dense<0.000000e+00> : vector<80xf32>
    %reduce_sum3A_2 = vector.multi_reduction <add>, %get3A_1, %reduce_sum3A [1] : vector<80x768xf32> to vector<80xf32>
    %broadcast_in_dim3A = vector.shape_cast %reduce_sum3A_2 : vector<80xf32> to vector<80x1xf32>
    %div3A = arith.constant 7.680000e+02 : f32
    %div3A_3 = vector.broadcast %div3A : f32 to vector<80x1xf32>
    %div3A_4 = arith.divf %broadcast_in_dim3A, %div3A_3 : vector<80x1xf32>
    %sub3A = vector.broadcast %div3A_4 : vector<80x1xf32> to vector<80x768xf32>
    %sub3A_5 = arith.subf %get3A_1, %sub3A : vector<80x768xf32>
    %mul3A = arith.mulf %sub3A_5, %sub3A_5 : vector<80x768xf32>
    %reduce_sum3A_6 = arith.constant dense<0.000000e+00> : vector<80xf32>
    %reduce_sum3A_7 = vector.multi_reduction <add>, %mul3A, %reduce_sum3A_6 [1] : vector<80x768xf32> to vector<80xf32>
    %broadcast_in_dim3A_8 = vector.shape_cast %reduce_sum3A_7 : vector<80xf32> to vector<80x1xf32>
    %div3A_9 = arith.constant 7.680000e+02 : f32
    %div3A_10 = vector.broadcast %div3A_9 : f32 to vector<80x1xf32>
    %div3A_11 = arith.divf %broadcast_in_dim3A_8, %div3A_10 : vector<80x1xf32>
    %add3A = arith.constant 9.99999974E-6 : f32
    %add3A_12 = vector.broadcast %add3A : f32 to vector<80x1xf32>
    %add3A_13 = arith.addf %div3A_11, %add3A_12 : vector<80x1xf32>
    %rsqrt3A = math.rsqrt %add3A_13 : vector<80x1xf32>
    %mul3A_14 = vector.broadcast %rsqrt3A : vector<80x1xf32> to vector<80x768xf32>
    %mul3A_15 = arith.mulf %sub3A_5, %mul3A_14 : vector<80x768xf32>
    %get3A_16 = arith.constant 0 : index
    %get3A_17 = arith.constant 0 : index
    %get3A_18 = arith.constant 0 : index
    %get3A_19 = vector.load %arg6[%get3A_16, %get3A_17, %get3A_18] : memref<1x1x768xf32, #tpu.memory_space<vmem>>, vector<1x1x768xf32>
    %get3A_20 = vector.shape_cast %get3A_19 : vector<1x1x768xf32> to vector<1x768xf32>
    %mul3A_21 = vector.broadcast %get3A_20 : vector<1x768xf32> to vector<80x768xf32>
    %mul3A_22 = arith.mulf %mul3A_15, %mul3A_21 : vector<80x768xf32>
    %get3A_23 = arith.constant 0 : index
    %get3A_24 = arith.constant 0 : index
    %get3A_25 = arith.constant 0 : index
    %get3A_26 = vector.load %arg7[%get3A_23, %get3A_24, %get3A_25] : memref<1x1x768xf32, #tpu.memory_space<vmem>>, vector<1x1x768xf32>
    %get3A_27 = vector.shape_cast %get3A_26 : vector<1x1x768xf32> to vector<1x768xf32>
    %add3A_28 = vector.broadcast %get3A_27 : vector<1x768xf32> to vector<80x768xf32>
    %add3A_29 = arith.addf %mul3A_22, %add3A_28 : vector<80x768xf32>
    %get3A_30 = arith.constant 0 : index
    %get3A_31 = arith.constant 0 : index
    %get3A_32 = arith.constant 0 : index
    %get3A_33 = vector.load %arg2[%get3A_30, %get3A_31, %get3A_32] : memref<1x768x2048xf32, #tpu.memory_space<vmem>>, vector<1x768x2048xf32>
    %get3A_34 = vector.shape_cast %get3A_33 : vector<1x768x2048xf32> to vector<768x2048xf32>
    %dot_general3A = arith.constant dense<0.000000e+00> : vector<80x2048xf32>
    %dot_general3A_35 = tpu.matmul %add3A_29, %get3A_34, %dot_general3A {dimension_numbers = #tpu.dot_dimension_numbers<[1], [0], [0], [1], [0, 0, 1, 1], [], []>, transpose_lhs_hint = false} : vector<80x768xf32>, vector<768x2048xf32>, vector<80x2048xf32> -> vector<80x2048xf32>
    %get3A_36 = arith.constant 0 : index
    %get3A_37 = arith.constant 0 : index
    %get3A_38 = arith.constant 0 : index
    %get3A_39 = vector.load %arg3[%get3A_36, %get3A_37, %get3A_38] : memref<1x1x2048xf32, #tpu.memory_space<vmem>>, vector<1x1x2048xf32>
    %get3A_40 = vector.shape_cast %get3A_39 : vector<1x1x2048xf32> to vector<1x2048xf32>
    %add3A_41 = vector.broadcast %get3A_40 : vector<1x2048xf32> to vector<80x2048xf32>
    %add3A_42 = arith.addf %dot_general3A_35, %add3A_41 : vector<80x2048xf32>
    %gt3A = arith.constant 0.000000e+00 : f32
    %gt3A_43 = vector.broadcast %gt3A : f32 to vector<80x2048xf32>
    %gt3A_44 = arith.cmpf ogt, %add3A_42, %gt3A_43 : vector<80x2048xf32>
    %mul3A_45 = arith.constant 0.00999999977 : f32
    %mul3A_46 = vector.broadcast %mul3A_45 : f32 to vector<80x2048xf32>
    %mul3A_47 = arith.mulf %mul3A_46, %add3A_42 : vector<80x2048xf32>
    %select_n3A = arith.select %gt3A_44, %add3A_42, %mul3A_47 : vector<80x2048xi1>, vector<80x2048xf32>
    %get3A_48 = arith.constant 0 : index
    %get3A_49 = arith.constant 0 : index
    %get3A_50 = arith.constant 0 : index
    %get3A_51 = vector.load %arg4[%get3A_48, %get3A_49, %get3A_50] : memref<1x2048x768xf32, #tpu.memory_space<vmem>>, vector<1x2048x768xf32>
    %get3A_52 = vector.shape_cast %get3A_51 : vector<1x2048x768xf32> to vector<2048x768xf32>
    %dot_general3A_53 = arith.constant dense<0.000000e+00> : vector<80x768xf32>
    %dot_general3A_54 = tpu.matmul %select_n3A, %get3A_52, %dot_general3A_53 {dimension_numbers = #tpu.dot_dimension_numbers<[1], [0], [0], [1], [0, 0, 1, 1], [], []>, transpose_lhs_hint = false} : vector<80x2048xf32>, vector<2048x768xf32>, vector<80x768xf32> -> vector<80x768xf32>
    %get3A_55 = arith.constant 0 : index
    %get3A_56 = arith.constant 0 : index
    %get3A_57 = arith.constant 0 : index
    %get3A_58 = vector.load %arg5[%get3A_55, %get3A_56, %get3A_57] : memref<1x1x768xf32, #tpu.memory_space<vmem>>, vector<1x1x768xf32>
    %get3A_59 = vector.shape_cast %get3A_58 : vector<1x1x768xf32> to vector<1x768xf32>
    %add3A_60 = vector.broadcast %get3A_59 : vector<1x768xf32> to vector<80x768xf32>
    %add3A_61 = arith.addf %dot_general3A_54, %add3A_60 : vector<80x768xf32>
    %swap3A = arith.constant 0 : index
    %swap3A_62 = arith.constant 0 : index
    %swap3A_63 = vector.load %arg8[%swap3A, %swap3A_62] : memref<80x768xf32, #tpu.memory_space<vmem>>, vector<80x768xf32>
    tpu.vector_store %arg8[%swap3A, %swap3A_62], %add3A_61 {strides = array<i32>} : memref<80x768xf32, #tpu.memory_space<vmem>>, vector<80x768xf32>,
    return
  }
  func.func @transform_0(%arg0: i32) -> (i32, i32) {
    %c0_i32 = arith.constant 0 : i32
    %c0_i32_0 = arith.constant 0 : i32
    return %arg0, %c0_i32 : i32, i32
  }
  func.func @transform_1(%arg0: i32) -> (i32, i32, i32) {
    %c0_i32 = arith.constant 0 : i32
    %c0_i32_0 = arith.constant 0 : i32
    %c0_i32_1 = arith.constant 0 : i32
    return %arg0, %c0_i32, %c0_i32_0 : i32, i32, i32
  }
  func.func @transform_2(%arg0: i32) -> (i32, i32, i32) {
    %c0_i32 = arith.constant 0 : i32
    %c0_i32_0 = arith.constant 0 : i32
    %c0_i32_1 = arith.constant 0 : i32
    return %arg0, %c0_i32, %c0_i32_0 : i32, i32, i32
  }
  func.func @transform_3(%arg0: i32) -> (i32, i32, i32) {
    %c0_i32 = arith.constant 0 : i32
    %c0_i32_0 = arith.constant 0 : i32
    %c0_i32_1 = arith.constant 0 : i32
    return %arg0, %c0_i32, %c0_i32_0 : i32, i32, i32
  }
  func.func @transform_4(%arg0: i32) -> (i32, i32, i32) {
    %c0_i32 = arith.constant 0 : i32
    %c0_i32_0 = arith.constant 0 : i32
    %c0_i32_1 = arith.constant 0 : i32
    return %arg0, %c0_i32, %c0_i32_0 : i32, i32, i32
  }
  func.func @transform_5(%arg0: i32) -> (i32, i32, i32) {
    %c0_i32 = arith.constant 0 : i32
    %c0_i32_0 = arith.constant 0 : i32
    %c0_i32_1 = arith.constant 0 : i32
    return %arg0, %c0_i32, %c0_i32_0 : i32, i32, i32
  }
  func.func @transform_6(%arg0: i32) -> (i32, i32, i32) {
    %c0_i32 = arith.constant 0 : i32
    %c0_i32_0 = arith.constant 0 : i32
    %c0_i32_1 = arith.constant 0 : i32
    return %arg0, %c0_i32, %c0_i32_0 : i32, i32, i32
  }
  func.func @transform_7(%arg0: i32) -> (i32, i32) {
    %c0_i32 = arith.constant 0 : i32
    %c0_i32_0 = arith.constant 0 : i32
    return %arg0, %c0_i32 : i32, i32
  }
}

</mosaic_0001>

<sc_bundles>
// kernel: kernel.6.cloned.1.call-start
scs
__scs_entry_jumppad:
0x0: {  	(pc) =	sbr.rel $0x88, $3  }
0x1: {  	(tag) =	ssettag $0x0;
	lr =	simm.s32 $0x1  }
0x2: {  	[smem:$0x3F99] =	sst lr;
	_ =	strace $0xD0000000  }
0x3: {  	_ = 	snop  }
0x4: {  	_ = 	snop  }
0x5: {  	_ = 	snop  }
0x6: {  	_ = 	snop  }
0x7: {  	_ = 	snop  }
__scs_overlays_trampoline_lowered:
0x8: {  	[smem:$0x3FA8] =	sst s0  }
0x9: {  	[smem:$0x3FA9] =	sst s1  }
0xa: {  	[smem:$0x3FAA] =	sst s2  }
0xb: {  	[smem:$0x3FAB] =	sst s3  }
0xc: {  	[smem:$0x3FAC] =	sst s4  }
0xd: {  	[smem:$0x3FAD] =	sst s5  }
0xe: {  	[smem:$0x3FAE] =	sst s6  }
0xf: {  	[smem:$0x3FAF] =	sst s7  }
0x10: {  	[smem:$0x3FB0] =	sst s8  }
0x11: {  	[smem:$0x3FB1] =	sst s9;
	s0 =	simm.s32 @!p0 $0x0  }
0x12: {  	s1 =	sld [smem:$0x3F97];
	s0 =	simm.s32 @p0 $0x1  }
0x13: {  	[smem:$0x3FB2] =	sst s0;
	s0 =	simm.s32 @!p1 $0x0  }
0x14: {  	s2 =	sld [smem:$0x3F96];
	s0 =	simm.s32 @p1 $0x1  }
0x15: {  	[smem:$0x3FB3] =	sst s0;
	s0 =	simm.s32 @!p2 $0x0  }
0x16: {  	s3 =	sld [smem:$0x3FDB];
	s0 =	simm.s32 @p2 $0x1  }
0x17: {  	s4 =	simm.s32 $0x1BF5;
	[smem:$0x3FB5] =	sst s0  }
0x18: {  	s0 =	sld [smem:$0x3F98];
	_ =	swait.ge [sflag:s4], $0x0  }
0x19: {  	s7 =	sld [smem:$0x3F99]  }
0x1a: {  	s8 =	sadd.s32 $0xFFFFE003, lr  }
0x1b: {  	s9 =	sadd.s32 $0xFFFFFEF7, lr;
	s5 =	simm.s32 $0xFFFFFFFF;
	p2 =	slt.u32 s8, $0xFFFFF086  }
0x1c: {  	p1 =	slt.u32 s9, $0xF7A;
	s5 =	simm.s32 @!p2 $0x0  }
0x1d: {  	s5 =	simm.s32 @p1 $0x1;
	p0 =	seq.s32 s7, s2  }
0x1e: {  	s7 =	smul.u32 @!p0 $0xF7A, s2;
	p2 =	seq.s32 @!p0 s5, $0x0  }
0x1f: {  	s9 =	smul.u32 $0xF7A, s1;
	s8 =	simm.s32 @!p0 $0x1BF5;
	p2 =	por !p2, p0  }
0x20: {  	[sflag:s8] =	ssyncset.s32 @!p0 $0xFFFFF086;
	s6 =	sadd.s32 @!p0 s3, s7;
	s7 =	simm.s32 @!p0 $0x108  }
0x21: {  	s3 =	sadd.s32 s3, s9;
	s6 =	sadd.s32 @!p0 $0x88, s6;
	s7 =	simm.s32 @p2 $0x1082  }
0x22: {  	[simem:s7], [sflag:s8] =	dma.local @!p0 [hbm:s6], $0xF7A  }
0x23: {  	s9 =	sor.u32 $0xD0000000, s2;
	s6 =	simm.s32 $0x108;
	_ =	swait.ge @!p0 [sflag:s8], $0x0  }
0x24: {  	s3 =	sadd.s32 $0x88, s3;
	s6 =	simm.s32 @!p1 $0x1082;
	[sflag:s4] =	ssyncset.s32 $0xFFFFF086  }
0x25: {  	[simem:s6], [sflag:s4] =	dma.local [hbm:s3], $0xF7A  }
0x26: {  	[smem:$0x3F99] =	sst s1;
	(tag) =	ssettag s2;
	_ =	strace s9  }
0x27: {  	s1 =	sld [smem:$0x3FA9]  }
0x28: {  	s2 =	sld [smem:$0x3FAA]  }
0x29: {  	s4 =	sld [smem:$0x3FAC]  }
0x2a: {  	p0 =	seq.s32 s5, $0x0;
	s5 =	sld [smem:$0x3FAD]  }
0x2b: {  	s6 =	sld [smem:$0x3FAE]  }
0x2c: {  	s7 =	sld [smem:$0x3FAF]  }
0x2d: {  	s3 =	simm.s32 $0x108;
	s8 =	sld [smem:$0x3FB0]  }
0x2e: {  	s3 =	simm.s32 @!p0 $0x1082;
	s9 =	sld [smem:$0x3FB1]  }
0x2f: {  	lr =	sadd.s32 s0, s3;
	s0 =	sld [smem:$0x3FA8]  }
0x30: {  	s3 =	sld [smem:$0x3FAB]  }
0x31: {  	[smem:$0x3FB4] =	sst s10  }
0x32: {  	s10 =	sld [smem:$0x3FB2];
	_ =	sdelay $0x3  }
0x33: {  	p0 =	seq.s32 s10, $0x1;
	s10 =	sld [smem:$0x3FB4];
	_ =	sdelay $0x3  }
0x34: {  	[smem:$0x3FB4] =	sst s10  }
0x35: {  	s10 =	sld [smem:$0x3FB3];
	_ =	sdelay $0x3  }
0x36: {  	p1 =	seq.s32 s10, $0x1;
	s10 =	sld [smem:$0x3FB4];
	_ =	sdelay $0x3  }
0x37: {  	[smem:$0x3FB4] =	sst s10  }
0x38: {  	s10 =	sld [smem:$0x3FB5]  }
0x39: {  	_ = 	snop;
	(pc) =	sbr.ind lr, $3  }
0x3a: {  	_ = 	snop  }
0x3b: {  	_ = 	snop  }
0x3c: {  	p2 =	seq.s32 s10, $0x1;
	s10 =	sld [smem:$0x3FB4]  }
0x3d: {  	_ =	shalt  }
0x3e: {  	_ =	shalt  }
0x3f: {  	_ =	shalt  }
0x40: {  	_ =	shalt  }
0x41: {  	_ =	shalt  }
0x42: {  	_ =	shalt  }
0x43: {  	_ =	shalt  }
0x44: {  	_ =	shalt  }
0x45: {  	_ =	shalt  }
0x46: {  	_ =	shalt  }
0x47: {  	_ =	shalt  }
0x48: {  	_ =	shalt  }
0x49: {  	_ =	shalt  }
0x4a: {  	_ =	shalt  }
0x4b: {  	_ =	shalt  }
0x4c: {  	_ =	shalt  }
0x4d: {  	_ =	shalt  }
0x4e: {  	_ =	shalt  }
0x4f: {  	_ =	shalt  }
0x50: {  	_ =	shalt  }
0x51: {  	_ =	shalt  }
0x52: {  	_ =	shalt  }
0x53: {  	_ =	shalt  }
0x54: {  	_ =	shalt  }
0x55: {  	_ =	shalt  }
0x56: {  	_ =	shalt  }
0x57: {  	_ =	shalt  }
0x58: {  	_ =	shalt  }
0x59: {  	_ =	shalt  }
0x5a: {  	_ =	shalt  }
0x5b: {  	_ =	shalt  }
0x5c: {  	_ =	shalt  }
0x5d: {  	_ =	shalt  }
0x5e: {  	_ =	shalt  }
0x5f: {  	_ =	shalt  }
0x60: {  	_ =	shalt  }
0x61: {  	_ =	shalt  }
0x62: {  	_ =	shalt  }
0x63: {  	_ =	shalt  }
0x64: {  	_ =	shalt  }
0x65: {  	_ =	shalt  }
0x66: {  	_ =	shalt  }
0x67: {  	_ =	shalt  }
0x68: {  	_ =	shalt  }
0x69: {  	_ =	shalt  }
0x6a: {  	_ =	shalt  }
0x6b: {  	_ =	shalt  }
0x6c: {  	_ =	shalt  }
0x6d: {  	_ =	shalt  }
0x6e: {  	_ =	shalt  }
0x6f: {  	_ =	shalt  }
0x70: {  	_ =	shalt  }
0x71: {  	_ =	shalt  }
0x72: {  	_ =	shalt  }
0x73: {  	_ =	shalt  }
0x74: {  	_ =	shalt  }
0x75: {  	_ =	shalt  }
0x76: {  	_ =	shalt  }
0x77: {  	_ =	shalt  }
0x78: {  	_ =	shalt  }
0x79: {  	_ =	shalt  }
0x7a: {  	_ =	shalt  }
0x7b: {  	_ =	shalt  }
0x7c: {  	_ =	shalt  }
0x7d: {  	_ =	shalt  }
0x7e: {  	_ =	shalt  }
0x7f: {  	_ =	shalt  }
0x80: {  	_ =	shalt  }
0x81: {  	_ =	shalt  }
0x82: {  	_ =	shalt  }
0x83: {  	_ =	shalt  }
0x84: {  	_ =	shalt  }
0x85: {  	_ =	shalt  }
0x86: {  	_ =	shalt  }
0x87: {  	_ =	shalt  }
.Lfunc_end0:
.L_simem_size_0:
called_computation_lowered:
.L_overlay_start_0:
0x88: {  	s2 =	sld [smem:$0x3FD9]  }
0x89: {  	s3 =	sld [smem:$0x3FFE];
	_ =	sdelay $0x1  }
0x8a: {  	s1 =	srdreg.scid  }
0x8b: {  	s0 =	sand.u32 $0x1, s1  }
0x8c: {  	s14 =	sshll.u32 s0, $0xA;
	s2 =	sadd.s32 s3, s2  }
0x8d: {  	s2 =	sadd.s32 s2, s14  }
0x8e: {  	[smem:$0x3FC0] =	sst s2  }
0x8f: {  	_ = 	snop  }
0x90: {  	s2 =	sld [smem:$0x3FD0];
	_ =	sdelay $0x2  }
0x91: {  	s15 =	simm.s32 $0xA;
	s4 =	simm.s32 $0x10  }
0x92: {  	[smem:s4], [sflag:s15] =	dma.local [hbm:s2], $0x1  }
0x93: {  	_ =	swait.eq [sflag:s15], $0x1  }
0x94: {  	[sflag:s15] =	ssyncset.done $0x0  }
0x95: {  	[sflag:s15] =	ssyncadd.s32 $0xFFFFFFFF  }
0x96: {  	s16 =	sld [smem:$0x10];
	(tm) =	ssettm $0x1  }
0x97: {  	s17 =	sld [smem:$0x3FFB];
	_ =	sdelay $0x3  }
0x98: {  	_ =	strace s17  }
0x99: {  	s3 =	sld [smem:$0x3FFC];
	_ =	sdelay $0x3  }
0x9a: {  	_ =	strace s3  }
0x9b: {  	s3 =	sld [smem:$0x3FFD];
	_ =	sdelay $0x3  }
0x9c: {  	_ =	strace s3  }
0x9d: {  	_ =	strace $0x8FFFFFFF  }
0x9e: {  	s18 =	sld [smem:$0x3FDB];
	_ =	sdelay $0x1  }
0x9f: {  	s19 =	simm.s32 $_scs_section_size  }
0xa0: {  	s5 =	simm.s32 $_size__tile_overlayer_lowered;
	s6 =	simm.s32 $_tile_overlayer_lowered  }
0xa1: {  	s22 =	simm.s32 $0x1BFF;
	s21 =	sshll.u32 s6, $0x1;
	s3 =	sadd.s32 s19, s18  }
0xa2: {  	s7 =	simm.s32 $0x0;
	s20 =	sshll.u32 s5, $0x1;
	s5 =	sadd.s32 s21, s3  }
0xa3: {  	[timem:s7], [sflag:s22] =	dma.local [hbm:s5], s20  }
0xa4: {  	_ =	swait.ge [sflag:s22], s20  }
0xa5: {  	s4 =	ssub.s32 $0x0, s20;
	[sflag:s22] =	ssyncset.done $0x0  }
0xa6: {  	[sflag:s22] =	ssyncadd.s32 s4;
	_ =	sdelay $0x1  }
0xa7: {  	s23 =	simm.s32 $0x1B8B  }
0xa8: {  	_ =	swait.ge [sflag:s23], $0x1  }
0xa9: {  	[sflag:s23] =	ssyncset.done $0x0  }
0xaa: {  	s25 =	simm.s32 $0x1B8E;
	s24 =	sld [smem:$0x3FFE];
	[sflag:s23] =	ssyncadd.s32 $0xFFFFFFFF  }
0xab: {  	s26 =	simm.s32 $execute0_lowered;
	[smem:$0x3FD2] =	sst s25  }
0xac: {  	s5 =	sshll.u32 s26, $0x1;
	_ =	strace $0x80000046;
	[dreg:$0x1] =	wrdreg $0xFFFFFFFF  }
0xad: {  	s28 =	simm.s32 $_size_execute0_lowered;
	s3 =	sadd.s32 s3, s5;
	[dreg:$0x0] =	wrdreg $0x0  }
0xae: {  	s5 =	sshll.u32 s28, $0x1;
	[dreg:$0x2] =	wrdreg s3  }
0xaf: {  	[dreg:$0x3] =	wrdreg s5  }
0xb0: {  	[dreg:$0x4] =	wrdreg $0xC0  }
0xb1: {  	_ =	task [dreg:s7], $0x5FFFF  }
0xb2: {  	[dreg:$0x1] =	wrdreg $0xFFFFFFFF  }
0xb3: {  	[dreg:$0x0] =	wrdreg $0x60  }
0xb4: {  	[dreg:$0x2] =	wrdreg s24  }
0xb5: {  	[dreg:$0x3] =	wrdreg s16  }
0xb6: {  	[dreg:$0x4] =	wrdreg $0x9  }
0xb7: {  	_ =	task.clear_ibuf [dreg:s7], $0x5FFFF;
	_ =	strace $0x90000046  }
0xb8: {  	s29 =	simm.s32 $0x9;
	_ =	strace $0x80000048  }
0xb9: {  	_ =	swait.ge [sflag:s29], $0x1  }
0xba: {  	[sflag:s29] =	ssyncadd.s32 $0xFFFFFFFF  }
0xbb: {  	_ =	strace $0x90000048  }
0xbc: {  	_ =	sfence  }
0xbd: {  	s30 =	sld [smem:$0x0];
	_ =	sdelay $0x2  }
0xbe: {  	s31 =	sshll.u32 s1, $0xD;
	s1 =	sshrl.u32 s1, $0x2  }
0xbf: {  	s3 =	sand.u32 $0x4000, s31;
	s1 =	sadd.s32 s1, s30  }
0xc0: {  	s0 =	sor.u32 s3, s0;
	s1 =	sshll.u32 s1, $0x11  }
0xc1: {  	s0 =	sor.u32 s1, s0  }
0xc2: {  	s0 =	sadd.s32 $0x8F2B, s0  }
0xc3: {  	[sflag:s0] =	ssyncadd.remote.s32 $0x1  }
0xc4: {  	_ =	sfence.sel $0xFFFF  }
0xc5: {  	[dreg:$0x0] =	wrdreg $0xFFFFFFFF;
	(pc) =	sbr.abs _section_cstart, $3  }
0xc6: {  	[dreg:$0x1] =	wrdreg $0xFFFFFFFF  }
0xc7: {  	_ =	task.clear_ibuf [dreg:s7], $0x2FFFF;
	_ =	strace $0x9FFFFFFF  }
0xc8: {  	(tm) =	ssettm $0x7FFFFFFF  }
0xc9: {  	_ =	shalt  }
tec
execute0_lowered:
.L_overlay_start_1:
0x0: {  	(tag) =	ssettag $0x1  }
0x1: {  	s1 =	srdreg.scid;
	s0 =	stileid.u32  }
0x2: {  	s5 =	sand.u32 $0x1, s1;
	s6 =	sshll.u32 s0, $0x1  }
0x3: {  	s1 =	sor.u32 s5, s6  }
0x4: {  	s2 =	smul.u32 $0xA0, s1  }
0x5: {  	s3 =	rddreg [dreg:$0x1]  }
0x6: {  	s1 =	rddreg [dreg:$0x0];
	s4 =	sshrl.u32 s2, $0x3;
	s2 =	simm.s32 $0x0  }
0x7: {  	s10 =	simm.s32 $0x80;
	[smem:$0x7FF] =	sst s2  }
0x8: {  	s11 =	simm.s32 $0x900;
	_ =	strace $0x80000047;
	[dreg:$0x6] =	wrdreg s10  }
0x9: {  	s12 =	simm.s32 $0x1100;
	[dreg:$0x7] =	wrdreg s11  }
0xa: {  	s13 =	simm.s32 $0x1900;
	[dreg:$0x8] =	wrdreg s12  }
0xb: {  	s14 =	simm.s32 $0x2100;
	[dreg:$0x9] =	wrdreg s13  }
0xc: {  	s15 =	simm.s32 $0x2900;
	[dreg:$0xa] =	wrdreg s14  }
0xd: {  	s16 =	simm.s32 $0x3100;
	[dreg:$0xb] =	wrdreg s15  }
0xe: {  	s17 =	simm.s32 $0x3900;
	[dreg:$0xc] =	wrdreg s16  }
0xf: {  	s18 =	simm.s32 $0x4100;
	[dreg:$0xd] =	wrdreg s17  }
0x10: {  	s19 =	simm.s32 $0x4900;
	[dreg:$0xe] =	wrdreg s18  }
0x11: {  	s20 =	simm.s32 $0x5100;
	[dreg:$0xf] =	wrdreg s19  }
0x12: {  	s21 =	simm.s32 $0x5900;
	[dreg:$0x10] =	wrdreg s20  }
0x13: {  	s22 =	simm.s32 $0x6100;
	[dreg:$0x11] =	wrdreg s21  }
0x14: {  	s23 =	simm.s32 $0x6900;
	[dreg:$0x12] =	wrdreg s22  }
0x15: {  	s24 =	simm.s32 $0x7100;
	[dreg:$0x13] =	wrdreg s23  }
0x16: {  	s25 =	simm.s32 $0x7900;
	[dreg:$0x14] =	wrdreg s24  }
0x17: {  	s26 =	simm.s32 $0x8100;
	[dreg:$0x15] =	wrdreg s25  }
0x18: {  	s0 =	simm.s32 $0x8900;
	s3 =	sadd.s32 s3, s4;
	[dreg:$0x16] =	wrdreg s26  }
0x19: {  	s8 =	sadd.s32 $0xA, s3;
	[dreg:$0x17] =	wrdreg s0  }
0x1a: {  	s10 =	simm.s32 $0xB100;
	[dreg:$0x3] =	wrdreg s8  }
0x1b: {  	s11 =	simm.s32 $0xB900;
	[dreg:$0x1c] =	wrdreg s10  }
0x1c: {  	s12 =	simm.s32 $0xC100;
	[dreg:$0x1d] =	wrdreg s11  }
0x1d: {  	s13 =	simm.s32 $0xC900;
	[dreg:$0x1e] =	wrdreg s12  }
0x1e: {  	s14 =	simm.s32 $0xD100;
	[dreg:$0x1f] =	wrdreg s13  }
0x1f: {  	s15 =	simm.s32 $0xD900;
	[smem:$0x7F0] =	sst s14  }
0x20: {  	s16 =	simm.s32 $0xE100;
	[smem:$0x7F1] =	sst s15  }
0x21: {  	s17 =	simm.s32 $0xE900;
	[smem:$0x7F2] =	sst s16  }
0x22: {  	s18 =	simm.s32 $0xF900;
	[smem:$0x7F3] =	sst s17  }
0x23: {  	s28 =	simm.s32 $0x1C900;
	s19 =	simm.s32 $0x10100;
	[smem:$0x7F4] =	sst s18  }
0x24: {  	s29 =	simm.s32 $0x1D100;
	s20 =	simm.s32 $0x10900;
	[smem:$0x7F5] =	sst s19  }
0x25: {  	s30 =	simm.s32 $0x1D900;
	s21 =	simm.s32 $0x11100;
	[smem:$0x7F6] =	sst s20  }
0x26: {  	s31 =	simm.s32 $0x1;
	s22 =	simm.s32 $0x11900;
	[smem:$0x7F7] =	sst s21  }
0x27: {  	s5 =	ssub.s32 $0x2, s5;
	s23 =	simm.s32 $0x12100;
	[smem:$0x7F8] =	sst s22  }
0x28: {  	s6 =	smul.u32 $0x300, s4;
	s24 =	simm.s32 $0x13100;
	[smem:$0x7F9] =	sst s23  }
0x29: {  	s25 =	simm.s32 $0x13900;
	s26 =	simm.s32 $0x14100;
	[smem:$0x7FB] =	sst s24  }
0x2a: {  	s7 =	sadd.s32 s6, s1;
	s6 =	simm.s32 $0x9100;
	[smem:$0x7FC] =	sst s25  }
0x2b: {  	s8 =	simm.s32 $0xA100;
	s10 =	simm.s32 $0xF100;
	[smem:$0x7FD] =	sst s26  }
0x2c: {  	s12 =	simm.s32 $0x15100;
	s13 =	simm.s32 $0x15900;
	s14 =	simm.s32 $0x16100  }
0x2d: {  	s15 =	simm.s32 $0x16900;
	s16 =	simm.s32 $0x17100;
	s17 =	simm.s32 $0x17900  }
0x2e: {  	s18 =	simm.s32 $0x18100;
	s19 =	simm.s32 $0x18900;
	s20 =	simm.s32 $0x19100  }
0x2f: {  	s21 =	simm.s32 $0x19900;
	s22 =	simm.s32 $0x1A100;
	s23 =	simm.s32 $0x1A900  }
0x30: {  	s24 =	simm.s32 $0x1B100;
	s25 =	simm.s32 $0x1B900;
	[dreg:$0x18] =	wrdreg s6  }
0x31: {  	s26 =	simm.s32 $0x1C100;
	s9 =	sadd.s32 $0x30A00, s7;
	[dreg:$0x1a] =	wrdreg s8  }
0x32: {  	s4 =	sadd.s32 $0x32800, s7;
	s7 =	simm.s32 $0x9900;
	[dreg:$0x4] =	wrdreg s9  }
0x33: {  	s8 =	simm.s32 $0x12900;
	s6 =	sadd.s32 $0x800, s1;
	[dreg:$0x5] =	wrdreg s4  }
0x34: {  	[dreg:$0x19] =	wrdreg s7;
	s9 =	simm.s32 $0xA900;
	s4 =	sadd.s32 $0x600, s1  }
0x35: {  	v2 =	vlaneseq.u32;
	s7 =	sshrl.u32 s5, $0x1;
	[smem:$0x7FA] =	sst s8;
	s8 =	simm.s32 $0x3  }
0x36: {  	vm0 =	vmmov $0xffff;
	v1 =	vshrl.u32 v2, $0x3;
	[dreg:$0x1b] =	wrdreg s9;
	s7 =	ssub.s32 s5, s7;
	s5 =	sadd.s32 $0x700, s1  }
0x37: {  	v0 =	vand.u32 $0x7, v2;
	v2 =	vor.u32 $0x8, v2;
	v1 =	vmul.u32 $0x8, v1;
	s9 =	simm.s32 $0x100;
	s1 =	simm.s32 $0x2;
	s7 =	smax.u32 s7, $0x1  }
.LBB2_1:
0x38: {  	[tilespmem:s2], [sflag:$0x3] =	stream.linear.gather [hbm4b:s3+s2], $0x50, $0x38;
	[tilespmem:$0x1E100] =	vst v63  }
0x39: {  	_ =	swait.ge [sflag:s8], $0x50  }
0x3a: {  	s0 =	rddreg [dreg:$0x3];
	[sflag:s8] =	ssyncset.done $0x0  }
0x3b: {  	s11 =	rddreg [dreg:$0x6];
	[sflag:s8] =	ssyncadd.s32 $0xFFFFFFB0  }
0x3c: {  	[tilespmem:s11], [sflag:$0x3] =	stream.linear.gather [hbm4b:s0+s2], $0x50, $0x38;
	[tilespmem:$0x1E100] =	vst v63  }
0x3d: {  	_ =	swait.ge [sflag:s8], $0x50  }
0x3e: {  	[sflag:s8] =	ssyncset.done $0x0  }
0x3f: {  	[sflag:s8] =	ssyncadd.s32 $0xFFFFFFB0  }
0x40: {  	v3 =	vld [tilespmem:$0x0];
	_ =	sdelay $0x4  }
0x41: {  	v4 =	vshrl.u32 v3, $0x3  }
0x42: {  	v4 =	vmul.u32 $0x30, v4  }
0x43: {  	v3 =	vand.u32 $0x7, v3  }
0x44: {  	v3 =	vor.u32 v3, v4  }
0x45: {  	v4 =	vperm.xlane v3, v0;
	_ =	sdelay $0x1  }
0x46: {  	v4 =	vadd.s32 v1, v4;
	_ =	sdelay $0x3  }
0x47: {  	v3 =	vperm.xlane v3, v2  }
0x48: {  	[tilespmem:s9], [sflag:$0x1] =	stream.indirect_vreg.gather [hbm4b:s4+s2], $0x80, v4, vm0, $0xb8;
	[tilespmem:$0x1E100] =	vst v63  }
0x49: {  	s0 =	rddreg [dreg:$0x7];
	v3 =	vadd.s32 v1, v3  }
0x4a: {  	[tilespmem:s0], [sflag:$0x1] =	stream.indirect_vreg.gather [hbm4b:s5+s2], $0x80, v4, vm0, $0xb8;
	[tilespmem:$0x1E100] =	vst v63  }
0x4b: {  	s11 =	rddreg [dreg:$0x8]  }
0x4c: {  	[tilespmem:s11], [sflag:$0x1] =	stream.indirect_vreg.gather [hbm4b:s6+s2], $0x80, v4, vm0, $0xb8;
	[tilespmem:$0x1E100] =	vst v63  }
0x4d: {  	s0 =	rddreg [dreg:$0x9]  }
0x4e: {  	[tilespmem:s0], [sflag:$0x1] =	stream.indirect_vreg.gather [hbm4b:s4+s2], $0x80, v3, vm0, $0xb8;
	[tilespmem:$0x1E100] =	vst v63  }
0x4f: {  	s11 =	rddreg [dreg:$0xa]  }
0x50: {  	[tilespmem:s11], [sflag:$0x1] =	stream.indirect_vreg.gather [hbm4b:s5+s2], $0x80, v3, vm0, $0xb8;
	[tilespmem:$0x1E100] =	vst v63  }
0x51: {  	s0 =	rddreg [dreg:$0xb]  }
0x52: {  	[tilespmem:s0], [sflag:$0x1] =	stream.indirect_vreg.gather [hbm4b:s6+s2], $0x80, v3, vm0, $0xb8;
	[tilespmem:$0x1E100] =	vst v63  }
0x53: {  	v3 =	vld [tilespmem:$0x10];
	_ =	sdelay $0x4  }
0x54: {  	v55 =	vshrl.u32 v3, $0x3  }
0x55: {  	v4 =	vmul.u32 $0x30, v55  }
0x56: {  	v3 =	vand.u32 $0x7, v3  }
0x57: {  	v3 =	vor.u32 v3, v4  }
0x58: {  	v4 =	vperm.xlane v3, v0;
	_ =	sdelay $0x1  }
0x59: {  	v4 =	vadd.s32 v1, v4;
	_ =	sdelay $0x3  }
0x5a: {  	s0 =	rddreg [dreg:$0xc];
	v3 =	vperm.xlane v3, v2  }
0x5b: {  	[tilespmem:s0], [sflag:$0x1] =	stream.indirect_vreg.gather [hbm4b:s4+s2], $0x80, v4, vm0, $0xb8;
	[tilespmem:$0x1E100] =	vst v63  }
0x5c: {  	s11 =	rddreg [dreg:$0xd];
	v3 =	vadd.s32 v1, v3  }
0x5d: {  	[tilespmem:s11], [sflag:$0x1] =	stream.indirect_vreg.gather [hbm4b:s5+s2], $0x80, v4, vm0, $0xb8;
	[tilespmem:$0x1E100] =	vst v63  }
0x5e: {  	s0 =	rddreg [dreg:$0xe]  }
0x5f: {  	[tilespmem:s0], [sflag:$0x1] =	stream.indirect_vreg.gather [hbm4b:s6+s2], $0x80, v4, vm0, $0xb8;
	[tilespmem:$0x1E100] =	vst v63  }
0x60: {  	s11 =	rddreg [dreg:$0xf]  }
0x61: {  	[tilespmem:s11], [sflag:$0x1] =	stream.indirect_vreg.gather [hbm4b:s4+s2], $0x80, v3, vm0, $0xb8;
	[tilespmem:$0x1E100] =	vst v63  }
0x62: {  	s0 =	rddreg [dreg:$0x10]  }
0x63: {  	[tilespmem:s0], [sflag:$0x1] =	stream.indirect_vreg.gather [hbm4b:s5+s2], $0x80, v3, vm0, $0xb8;
	[tilespmem:$0x1E100] =	vst v63  }
0x64: {  	s11 =	rddreg [dreg:$0x11]  }
0x65: {  	[tilespmem:s11], [sflag:$0x1] =	stream.indirect_vreg.gather [hbm4b:s6+s2], $0x80, v3, vm0, $0xb8;
	[tilespmem:$0x1E100] =	vst v63  }
0x66: {  	v3 =	vld [tilespmem:$0x20];
	_ =	sdelay $0x4  }
0x67: {  	v56 =	vshrl.u32 v3, $0x3  }
0x68: {  	v4 =	vmul.u32 $0x30, v56  }
0x69: {  	v3 =	vand.u32 $0x7, v3  }
0x6a: {  	v3 =	vor.u32 v3, v4  }
0x6b: {  	v4 =	vperm.xlane v3, v0;
	_ =	sdelay $0x1  }
0x6c: {  	v4 =	vadd.s32 v1, v4;
	_ =	sdelay $0x3  }
0x6d: {  	s0 =	rddreg [dreg:$0x12];
	v3 =	vperm.xlane v3, v2  }
0x6e: {  	[tilespmem:s0], [sflag:$0x1] =	stream.indirect_vreg.gather [hbm4b:s4+s2], $0x80, v4, vm0, $0xb8;
	[tilespmem:$0x1E100] =	vst v63  }
0x6f: {  	s11 =	rddreg [dreg:$0x13];
	v3 =	vadd.s32 v1, v3  }
0x70: {  	[tilespmem:s11], [sflag:$0x1] =	stream.indirect_vreg.gather [hbm4b:s5+s2], $0x80, v4, vm0, $0xb8;
	[tilespmem:$0x1E100] =	vst v63  }
0x71: {  	s0 =	rddreg [dreg:$0x14]  }
0x72: {  	[tilespmem:s0], [sflag:$0x1] =	stream.indirect_vreg.gather [hbm4b:s6+s2], $0x80, v4, vm0, $0xb8;
	[tilespmem:$0x1E100] =	vst v63  }
0x73: {  	s11 =	rddreg [dreg:$0x15]  }
0x74: {  	[tilespmem:s11], [sflag:$0x1] =	stream.indirect_vreg.gather [hbm4b:s4+s2], $0x80, v3, vm0, $0xb8;
	[tilespmem:$0x1E100] =	vst v63  }
0x75: {  	s0 =	rddreg [dreg:$0x16]  }
0x76: {  	[tilespmem:s0], [sflag:$0x1] =	stream.indirect_vreg.gather [hbm4b:s5+s2], $0x80, v3, vm0, $0xb8;
	[tilespmem:$0x1E100] =	vst v63  }
0x77: {  	s11 =	rddreg [dreg:$0x17]  }
0x78: {  	[tilespmem:s11], [sflag:$0x1] =	stream.indirect_vreg.gather [hbm4b:s6+s2], $0x80, v3, vm0, $0xb8;
	[tilespmem:$0x1E100] =	vst v63  }
0x79: {  	v3 =	vld [tilespmem:$0x30];
	_ =	sdelay $0x4  }
0x7a: {  	v57 =	vshrl.u32 v3, $0x3  }
0x7b: {  	v4 =	vmul.u32 $0x30, v57  }
0x7c: {  	v3 =	vand.u32 $0x7, v3  }
0x7d: {  	v3 =	vor.u32 v3, v4  }
0x7e: {  	v4 =	vperm.xlane v3, v0;
	_ =	sdelay $0x1  }
0x7f: {  	v4 =	vadd.s32 v1, v4;
	_ =	sdelay $0x3  }
0x80: {  	s0 =	rddreg [dreg:$0x18];
	v3 =	vperm.xlane v3, v2  }
0x81: {  	[tilespmem:s0], [sflag:$0x1] =	stream.indirect_vreg.gather [hbm4b:s4+s2], $0x80, v4, vm0, $0xb8;
	[tilespmem:$0x1E100] =	vst v63  }
0x82: {  	s11 =	rddreg [dreg:$0x19];
	v3 =	vadd.s32 v1, v3  }
0x83: {  	[tilespmem:s11], [sflag:$0x1] =	stream.indirect_vreg.gather [hbm4b:s5+s2], $0x80, v4, vm0, $0xb8;
	[tilespmem:$0x1E100] =	vst v63  }
0x84: {  	s0 =	rddreg [dreg:$0x1a]  }
0x85: {  	[tilespmem:s0], [sflag:$0x1] =	stream.indirect_vreg.gather [hbm4b:s6+s2], $0x80, v4, vm0, $0xb8;
	[tilespmem:$0x1E100] =	vst v63  }
0x86: {  	s11 =	rddreg [dreg:$0x1b]  }
0x87: {  	[tilespmem:s11], [sflag:$0x1] =	stream.indirect_vreg.gather [hbm4b:s4+s2], $0x80, v3, vm0, $0xb8;
	[tilespmem:$0x1E100] =	vst v63  }
0x88: {  	s0 =	rddreg [dreg:$0x1c]  }
0x89: {  	[tilespmem:s0], [sflag:$0x1] =	stream.indirect_vreg.gather [hbm4b:s5+s2], $0x80, v3, vm0, $0xb8;
	[tilespmem:$0x1E100] =	vst v63  }
0x8a: {  	s11 =	rddreg [dreg:$0x1d]  }
0x8b: {  	[tilespmem:s11], [sflag:$0x1] =	stream.indirect_vreg.gather [hbm4b:s6+s2], $0x80, v3, vm0, $0xb8;
	[tilespmem:$0x1E100] =	vst v63  }
0x8c: {  	v3 =	vld [tilespmem:$0x40];
	_ =	sdelay $0x4  }
0x8d: {  	v58 =	vshrl.u32 v3, $0x3  }
0x8e: {  	v4 =	vmul.u32 $0x30, v58  }
0x8f: {  	v3 =	vand.u32 $0x7, v3  }
0x90: {  	v3 =	vor.u32 v3, v4  }
0x91: {  	v4 =	vperm.xlane v3, v0;
	_ =	sdelay $0x1  }
0x92: {  	v4 =	vadd.s32 v1, v4;
	_ =	sdelay $0x2  }
0x93: {  	s0 =	rddreg [dreg:$0x1e]  }
0x94: {  	s11 =	rddreg [dreg:$0x1f];
	v3 =	vperm.xlane v3, v2  }
0x95: {  	[tilespmem:s0], [sflag:$0x1] =	stream.indirect_vreg.gather [hbm4b:s4+s2], $0x80, v4, vm0, $0xb8;
	[tilespmem:$0x1E100] =	vst v63  }
0x96: {  	v3 =	vadd.s32 v1, v3;
	s0 =	sld [smem:$0x7F0]  }
0x97: {  	[tilespmem:s11], [sflag:$0x1] =	stream.indirect_vreg.gather [hbm4b:s5+s2], $0x80, v4, vm0, $0xb8;
	[tilespmem:$0x1E100] =	vst v63  }
0x98: {  	s11 =	sld [smem:$0x7F1]  }
0x99: {  	[tilespmem:s0], [sflag:$0x1] =	stream.indirect_vreg.gather [hbm4b:s6+s2], $0x80, v4, vm0, $0xb8;
	[tilespmem:$0x1E100] =	vst v63  }
0x9a: {  	s0 =	sld [smem:$0x7F2]  }
0x9b: {  	[tilespmem:s11], [sflag:$0x1] =	stream.indirect_vreg.gather [hbm4b:s4+s2], $0x80, v3, vm0, $0xb8;
	[tilespmem:$0x1E100] =	vst v63  }
0x9c: {  	s11 =	sld [smem:$0x7F3]  }
0x9d: {  	[tilespmem:s0], [sflag:$0x1] =	stream.indirect_vreg.gather [hbm4b:s5+s2], $0x80, v3, vm0, $0xb8;
	[tilespmem:$0x1E100] =	vst v63  }
0x9e: {  	_ = 	snop  }
0x9f: {  	[tilespmem:s11], [sflag:$0x1] =	stream.indirect_vreg.gather [hbm4b:s6+s2], $0x80, v3, vm0, $0xb8;
	[tilespmem:$0x1E100] =	vst v63  }
0xa0: {  	v3 =	vld [tilespmem:$0x80];
	_ =	sdelay $0x4  }
0xa1: {  	v59 =	vshrl.u32 v3, $0x3  }
0xa2: {  	v4 =	vmul.u32 $0x30, v59  }
0xa3: {  	v3 =	vand.u32 $0x7, v3  }
0xa4: {  	v3 =	vor.u32 v3, v4  }
0xa5: {  	v4 =	vperm.xlane v3, v0;
	_ =	sdelay $0x1  }
0xa6: {  	v4 =	vadd.s32 v1, v4;
	_ =	sdelay $0x3  }
0xa7: {  	s0 =	sld [smem:$0x7F4];
	v3 =	vperm.xlane v3, v2  }
0xa8: {  	[tilespmem:s10], [sflag:$0x2] =	stream.indirect_vreg.gather [hbm4b:s4+s2], $0x80, v4, vm0, $0xb8;
	[tilespmem:$0x1E100] =	vst v63  }
0xa9: {  	s11 =	sld [smem:$0x7F5];
	v3 =	vadd.s32 v1, v3  }
0xaa: {  	[tilespmem:s0], [sflag:$0x2] =	stream.indirect_vreg.gather [hbm4b:s5+s2], $0x80, v4, vm0, $0xb8;
	[tilespmem:$0x1E100] =	vst v63  }
0xab: {  	s0 =	sld [smem:$0x7F6]  }
0xac: {  	[tilespmem:s11], [sflag:$0x2] =	stream.indirect_vreg.gather [hbm4b:s6+s2], $0x80, v4, vm0, $0xb8;
	[tilespmem:$0x1E100] =	vst v63  }
0xad: {  	s11 =	sld [smem:$0x7F7]  }
0xae: {  	[tilespmem:s0], [sflag:$0x2] =	stream.indirect_vreg.gather [hbm4b:s4+s2], $0x80, v3, vm0, $0xb8;
	[tilespmem:$0x1E100] =	vst v63  }
0xaf: {  	s0 =	sld [smem:$0x7F8]  }
0xb0: {  	[tilespmem:s11], [sflag:$0x2] =	stream.indirect_vreg.gather [hbm4b:s5+s2], $0x80, v3, vm0, $0xb8;
	[tilespmem:$0x1E100] =	vst v63  }
0xb1: {  	_ = 	snop  }
0xb2: {  	[tilespmem:s0], [sflag:$0x2] =	stream.indirect_vreg.gather [hbm4b:s6+s2], $0x80, v3, vm0, $0xb8;
	[tilespmem:$0x1E100] =	vst v63  }
0xb3: {  	v3 =	vld [tilespmem:$0x90];
	_ =	sdelay $0x4  }
0xb4: {  	v60 =	vshrl.u32 v3, $0x3  }
0xb5: {  	v4 =	vmul.u32 $0x30, v60  }
0xb6: {  	v3 =	vand.u32 $0x7, v3  }
0xb7: {  	v3 =	vor.u32 v3, v4  }
0xb8: {  	v4 =	vperm.xlane v3, v0;
	_ =	sdelay $0x1  }
0xb9: {  	v4 =	vadd.s32 v1, v4;
	_ =	sdelay $0x1  }
0xba: {  	s0 =	sld [smem:$0x7F9];
	_ =	sdelay $0x1  }
0xbb: {  	s11 =	sld [smem:$0x7FA];
	v3 =	vperm.xlane v3, v2  }
0xbc: {  	[tilespmem:s0], [sflag:$0x2] =	stream.indirect_vreg.gather [hbm4b:s4+s2], $0x80, v4, vm0, $0xb8;
	[tilespmem:$0x1E100] =	vst v63  }
0xbd: {  	v3 =	vadd.s32 v1, v3;
	s0 =	sld [smem:$0x7FB]  }
0xbe: {  	[tilespmem:s11], [sflag:$0x2] =	stream.indirect_vreg.gather [hbm4b:s5+s2], $0x80, v4, vm0, $0xb8;
	[tilespmem:$0x1E100] =	vst v63  }
0xbf: {  	s11 =	sld [smem:$0x7FC]  }
0xc0: {  	[tilespmem:s0], [sflag:$0x2] =	stream.indirect_vreg.gather [hbm4b:s6+s2], $0x80, v4, vm0, $0xb8;
	[tilespmem:$0x1E100] =	vst v63  }
0xc1: {  	s0 =	sld [smem:$0x7FD]  }
0xc2: {  	[tilespmem:s11], [sflag:$0x2] =	stream.indirect_vreg.gather [hbm4b:s4+s2], $0x80, v3, vm0, $0xb8;
	[tilespmem:$0x1E100] =	vst v63  }
0xc3: {  	_ = 	snop  }
0xc4: {  	[tilespmem:s0], [sflag:$0x2] =	stream.indirect_vreg.gather [hbm4b:s5+s2], $0x80, v3, vm0, $0xb8;
	[tilespmem:$0x1E100] =	vst v63  }
0xc5: {  	s11 =	simm.s32 $0x14900  }
0xc6: {  	[tilespmem:s11], [sflag:$0x2] =	stream.indirect_vreg.gather [hbm4b:s6+s2], $0x80, v3, vm0, $0xb8;
	[tilespmem:$0x1E100] =	vst v63  }
0xc7: {  	v3 =	vld [tilespmem:$0xA0];
	_ =	sdelay $0x4  }
0xc8: {  	v61 =	vshrl.u32 v3, $0x3  }
0xc9: {  	v4 =	vmul.u32 $0x30, v61  }
0xca: {  	v3 =	vand.u32 $0x7, v3  }
0xcb: {  	v3 =	vor.u32 v3, v4  }
0xcc: {  	v4 =	vperm.xlane v3, v0;
	_ =	sdelay $0x1  }
0xcd: {  	v4 =	vadd.s32 v1, v4;
	_ =	sdelay $0x3  }
0xce: {  	v3 =	vperm.xlane v3, v2  }
0xcf: {  	[tilespmem:s12], [sflag:$0x2] =	stream.indirect_vreg.gather [hbm4b:s4+s2], $0x80, v4, vm0, $0xb8;
	[tilespmem:$0x1E100] =	vst v63  }
0xd0: {  	v3 =	vadd.s32 v1, v3  }
0xd1: {  	[tilespmem:s13], [sflag:$0x2] =	stream.indirect_vreg.gather [hbm4b:s5+s2], $0x80, v4, vm0, $0xb8;
	[tilespmem:$0x1E100] =	vst v63  }
0xd2: {  	_ = 	snop  }
0xd3: {  	[tilespmem:s14], [sflag:$0x2] =	stream.indirect_vreg.gather [hbm4b:s6+s2], $0x80, v4, vm0, $0xb8;
	[tilespmem:$0x1E100] =	vst v63  }
0xd4: {  	_ = 	snop  }
0xd5: {  	[tilespmem:s15], [sflag:$0x2] =	stream.indirect_vreg.gather [hbm4b:s4+s2], $0x80, v3, vm0, $0xb8;
	[tilespmem:$0x1E100] =	vst v63  }
0xd6: {  	_ = 	snop  }
0xd7: {  	[tilespmem:s16], [sflag:$0x2] =	stream.indirect_vreg.gather [hbm4b:s5+s2], $0x80, v3, vm0, $0xb8;
	[tilespmem:$0x1E100] =	vst v63  }
0xd8: {  	_ = 	snop  }
0xd9: {  	[tilespmem:s17], [sflag:$0x2] =	stream.indirect_vreg.gather [hbm4b:s6+s2], $0x80, v3, vm0, $0xb8;
	[tilespmem:$0x1E100] =	vst v63  }
0xda: {  	v3 =	vld [tilespmem:$0xB0];
	_ =	sdelay $0x4  }
0xdb: {  	v62 =	vshrl.u32 v3, $0x3  }
0xdc: {  	v4 =	vmul.u32 $0x30, v62  }
0xdd: {  	v3 =	vand.u32 $0x7, v3  }
0xde: {  	v3 =	vor.u32 v3, v4  }
0xdf: {  	v4 =	vperm.xlane v3, v0;
	_ =	sdelay $0x1  }
0xe0: {  	v4 =	vadd.s32 v1, v4;
	_ =	sdelay $0x3  }
0xe1: {  	v3 =	vperm.xlane v3, v2  }
0xe2: {  	[tilespmem:s18], [sflag:$0x2] =	stream.indirect_vreg.gather [hbm4b:s4+s2], $0x80, v4, vm0, $0xb8;
	[tilespmem:$0x1E100] =	vst v63  }
0xe3: {  	v3 =	vadd.s32 v1, v3  }
0xe4: {  	[tilespmem:s19], [sflag:$0x2] =	stream.indirect_vreg.gather [hbm4b:s5+s2], $0x80, v4, vm0, $0xb8;
	[tilespmem:$0x1E100] =	vst v63  }
0xe5: {  	_ = 	snop  }
0xe6: {  	[tilespmem:s20], [sflag:$0x2] =	stream.indirect_vreg.gather [hbm4b:s6+s2], $0x80, v4, vm0, $0xb8;
	[tilespmem:$0x1E100] =	vst v63  }
0xe7: {  	_ = 	snop  }
0xe8: {  	[tilespmem:s21], [sflag:$0x2] =	stream.indirect_vreg.gather [hbm4b:s4+s2], $0x80, v3, vm0, $0xb8;
	[tilespmem:$0x1E100] =	vst v63  }
0xe9: {  	_ = 	snop  }
0xea: {  	[tilespmem:s22], [sflag:$0x2] =	stream.indirect_vreg.gather [hbm4b:s5+s2], $0x80, v3, vm0, $0xb8;
	[tilespmem:$0x1E100] =	vst v63  }
0xeb: {  	_ = 	snop  }
0xec: {  	[tilespmem:s23], [sflag:$0x2] =	stream.indirect_vreg.gather [hbm4b:s6+s2], $0x80, v3, vm0, $0xb8;
	[tilespmem:$0x1E100] =	vst v63  }
0xed: {  	v3 =	vld [tilespmem:$0xC0];
	_ =	sdelay $0x4  }
0xee: {  	v63 =	vshrl.u32 v3, $0x3  }
0xef: {  	v4 =	vmul.u32 $0x30, v63  }
0xf0: {  	v3 =	vand.u32 $0x7, v3  }
0xf1: {  	v3 =	vor.u32 v3, v4  }
0xf2: {  	v4 =	vperm.xlane v3, v0;
	_ =	sdelay $0x1  }
0xf3: {  	v4 =	vadd.s32 v1, v4;
	_ =	sdelay $0x3  }
0xf4: {  	v3 =	vperm.xlane v3, v2  }
0xf5: {  	[tilespmem:s24], [sflag:$0x2] =	stream.indirect_vreg.gather [hbm4b:s4+s2], $0x80, v4, vm0, $0xb8;
	[tilespmem:$0x1E100] =	vst v63  }
0xf6: {  	v3 =	vadd.s32 v1, v3  }
0xf7: {  	[tilespmem:s25], [sflag:$0x2] =	stream.indirect_vreg.gather [hbm4b:s5+s2], $0x80, v4, vm0, $0xb8;
	[tilespmem:$0x1E100] =	vst v63  }
0xf8: {  	_ = 	snop  }
0xf9: {  	[tilespmem:s26], [sflag:$0x2] =	stream.indirect_vreg.gather [hbm4b:s6+s2], $0x80, v4, vm0, $0xb8;
	[tilespmem:$0x1E100] =	vst v63  }
0xfa: {  	_ = 	snop  }
0xfb: {  	[tilespmem:s28], [sflag:$0x2] =	stream.indirect_vreg.gather [hbm4b:s4+s2], $0x80, v3, vm0, $0xb8;
	[tilespmem:$0x1E100] =	vst v63  }
0xfc: {  	_ = 	snop  }
0xfd: {  	[tilespmem:s29], [sflag:$0x2] =	stream.indirect_vreg.gather [hbm4b:s5+s2], $0x80, v3, vm0, $0xb8;
	[tilespmem:$0x1E100] =	vst v63  }
0xfe: {  	_ = 	snop  }
0xff: {  	[tilespmem:s30], [sflag:$0x2] =	stream.indirect_vreg.gather [hbm4b:s6+s2], $0x80, v3, vm0, $0xb8;
	[tilespmem:$0x1E100] =	vst v63  }
0x100: {  	_ =	swait.ge [sflag:s31], $0xF000  }
0x101: {  	[sflag:s31] =	ssyncset.done $0x0  }
0x102: {  	s11 =	rddreg [dreg:$0x4];
	[sflag:s31] =	ssyncadd.s32 $0xFFFF1000  }
0x103: {  	[hbm4b:s11+s2] =	stream.linear.scatter [tilespmem:s9], [sflag:$0x3], $0xF000, $0x38;
	[tilespmem:$0x1E100] =	vst v63  }
0x104: {  	_ =	swait.ge [sflag:s8], $0xF000  }
0x105: {  	[sflag:s8] =	ssyncset.done $0x0  }
0x106: {  	[sflag:s8] =	ssyncadd.s32 $0xFFFF1000  }
0x107: {  	_ =	swait.ge [sflag:s1], $0xF000  }
0x108: {  	p0 =	sne.s32 s7, $0x1;
	[sflag:s1] =	ssyncset.done $0x0  }
.Ltmp0:
0x109: {  	s11 =	rddreg [dreg:$0x5];
	[sflag:s1] =	ssyncadd.s32 $0xFFFF1000;
	(pc) =	sbr.rel @p0 .LBB2_1-.Ltmp0, $4  }
0x10a: {  	[hbm4b:s11+s2] =	stream.linear.scatter [tilespmem:s10], [sflag:$0x3], $0xF000, $0x38;
	[tilespmem:$0x1E100] =	vst v63  }
0x10b: {  	_ =	swait.ge [sflag:s8], $0xF000  }
0x10c: {  	[sflag:s8] =	ssyncset.done $0x0  }
0x10d: {  	s7 =	sadd.s32 $0xFFFFFFFF, s7;
	[sflag:s8] =	ssyncadd.s32 $0xFFFF1000  }
0x10e: {  	_ =	sfence.sel $0x180000  }
0x10f: {  	[bflag:$0x0] =	sbarrier.arrive $0xFFFF  }
0x110: {  	_ =	strace $0x90000047  }
0x111: {  	s0 =	stileid.u32;
	[bflag:$0x2] =	sbarrier.arrive $0xFFFF  }
0x112: {  	p0 =	sne.s32 s0, $0x0;
	s0 =	rddreg [dreg:$0x2]  }
0x113: {  	s0 =	sadd.s32 @!p0 $0x100000, s0  }
0x114: {  	[sflag:s0] =	ssyncadd.tile.s32 @!p0 $0x1;
	_ =	shalt  }
.Lfunc_end2:
_tile_overlayer_lowered:
.L_overlay_start_2:
0x115: {  	(tag) =	ssettag $0x2  }
0x116: {  	s0 =	rddreg [dreg:$0x0];
	s2 =	stileid.u32  }
0x117: {  	s1 =	rddreg [dreg:$0x1];
	p0 =	sne.s32 s2, $0x0  }
0x118: {  	s3 =	rddreg [dreg:$0x2];
	[bflag:$0x3] =	sbarrier.arrive $0xFFFF;
	s2 =	simm.s32 @!p0 $0x1C03  }
0x119: {  	[timem:s3], [sflag:s2] =	dma.local @!p0 [hbm:s0], s1  }
0x11a: {  	s0 =	simm.s32 @!p0 $0x3  }
0x11b: {  	_ =	swait.ge @!p0 [sflag:s0], s1  }
0x11c: {  	s1 =	ssub.s32 @!p0 $0x0, s1;
	[sflag:s0] =	ssyncset.done @!p0 $0x0  }
0x11d: {  	[sflag:s0] =	ssyncadd.s32 @!p0 s1  }
0x11e: {  	[bflag:$0x3] =	sbarrier.arrive $0xFFFF  }
0x11f: {  	_ =	shalt  }

// kernel: kernel.9.cloned.1.call-start
scs
__scs_entry_jumppad:
0x0: {  	(pc) =	sbr.rel $0x88, $3  }
0x1: {  	(tag) =	ssettag $0x0;
	lr =	simm.s32 $0x1  }
0x2: {  	[smem:$0x3F99] =	sst lr;
	_ =	strace $0xD0000000  }
0x3: {  	_ = 	snop  }
0x4: {  	_ = 	snop  }
0x5: {  	_ = 	snop  }
0x6: {  	_ = 	snop  }
0x7: {  	_ = 	snop  }
__scs_overlays_trampoline_lowered:
0x8: {  	[smem:$0x3FA8] =	sst s0  }
0x9: {  	[smem:$0x3FA9] =	sst s1  }
0xa: {  	[smem:$0x3FAA] =	sst s2  }
0xb: {  	[smem:$0x3FAB] =	sst s3  }
0xc: {  	[smem:$0x3FAC] =	sst s4  }
0xd: {  	[smem:$0x3FAD] =	sst s5  }
0xe: {  	[smem:$0x3FAE] =	sst s6  }
0xf: {  	[smem:$0x3FAF] =	sst s7  }
0x10: {  	[smem:$0x3FB0] =	sst s8  }
0x11: {  	[smem:$0x3FB1] =	sst s9;
	s0 =	simm.s32 @!p0 $0x0  }
0x12: {  	s1 =	sld [smem:$0x3F97];
	s0 =	simm.s32 @p0 $0x1  }
0x13: {  	[smem:$0x3FB2] =	sst s0;
	s0 =	simm.s32 @!p1 $0x0  }
0x14: {  	s2 =	sld [smem:$0x3F96];
	s0 =	simm.s32 @p1 $0x1  }
0x15: {  	[smem:$0x3FB3] =	sst s0;
	s0 =	simm.s32 @!p2 $0x0  }
0x16: {  	s3 =	sld [smem:$0x3FDB];
	s0 =	simm.s32 @p2 $0x1  }
0x17: {  	s4 =	simm.s32 $0x1BF5;
	[smem:$0x3FB5] =	sst s0  }
0x18: {  	s0 =	sld [smem:$0x3F98];
	_ =	swait.ge [sflag:s4], $0x0  }
0x19: {  	s7 =	sld [smem:$0x3F99]  }
0x1a: {  	s8 =	sadd.s32 $0xFFFFE003, lr  }
0x1b: {  	s9 =	sadd.s32 $0xFFFFFEF7, lr;
	s5 =	simm.s32 $0xFFFFFFFF;
	p2 =	slt.u32 s8, $0xFFFFF086  }
0x1c: {  	p1 =	slt.u32 s9, $0xF7A;
	s5 =	simm.s32 @!p2 $0x0  }
0x1d: {  	s5 =	simm.s32 @p1 $0x1;
	p0 =	seq.s32 s7, s2  }
0x1e: {  	s7 =	smul.u32 @!p0 $0xF7A, s2;
	p2 =	seq.s32 @!p0 s5, $0x0  }
0x1f: {  	s9 =	smul.u32 $0xF7A, s1;
	s8 =	simm.s32 @!p0 $0x1BF5;
	p2 =	por !p2, p0  }
0x20: {  	[sflag:s8] =	ssyncset.s32 @!p0 $0xFFFFF086;
	s6 =	sadd.s32 @!p0 s3, s7;
	s7 =	simm.s32 @!p0 $0x108  }
0x21: {  	s3 =	sadd.s32 s3, s9;
	s6 =	sadd.s32 @!p0 $0x88, s6;
	s7 =	simm.s32 @p2 $0x1082  }
0x22: {  	[simem:s7], [sflag:s8] =	dma.local @!p0 [hbm:s6], $0xF7A  }
0x23: {  	s9 =	sor.u32 $0xD0000000, s2;
	s6 =	simm.s32 $0x108;
	_ =	swait.ge @!p0 [sflag:s8], $0x0  }
0x24: {  	s3 =	sadd.s32 $0x88, s3;
	s6 =	simm.s32 @!p1 $0x1082;
	[sflag:s4] =	ssyncset.s32 $0xFFFFF086  }
0x25: {  	[simem:s6], [sflag:s4] =	dma.local [hbm:s3], $0xF7A  }
0x26: {  	[smem:$0x3F99] =	sst s1;
	(tag) =	ssettag s2;
	_ =	strace s9  }
0x27: {  	s1 =	sld [smem:$0x3FA9]  }
0x28: {  	s2 =	sld [smem:$0x3FAA]  }
0x29: {  	s4 =	sld [smem:$0x3FAC]  }
0x2a: {  	p0 =	seq.s32 s5, $0x0;
	s5 =	sld [smem:$0x3FAD]  }
0x2b: {  	s6 =	sld [smem:$0x3FAE]  }
0x2c: {  	s7 =	sld [smem:$0x3FAF]  }
0x2d: {  	s3 =	simm.s32 $0x108;
	s8 =	sld [smem:$0x3FB0]  }
0x2e: {  	s3 =	simm.s32 @!p0 $0x1082;
	s9 =	sld [smem:$0x3FB1]  }
0x2f: {  	lr =	sadd.s32 s0, s3;
	s0 =	sld [smem:$0x3FA8]  }
0x30: {  	s3 =	sld [smem:$0x3FAB]  }
0x31: {  	[smem:$0x3FB4] =	sst s10  }
0x32: {  	s10 =	sld [smem:$0x3FB2];
	_ =	sdelay $0x3  }
0x33: {  	p0 =	seq.s32 s10, $0x1;
	s10 =	sld [smem:$0x3FB4];
	_ =	sdelay $0x3  }
0x34: {  	[smem:$0x3FB4] =	sst s10  }
0x35: {  	s10 =	sld [smem:$0x3FB3];
	_ =	sdelay $0x3  }
0x36: {  	p1 =	seq.s32 s10, $0x1;
	s10 =	sld [smem:$0x3FB4];
	_ =	sdelay $0x3  }
0x37: {  	[smem:$0x3FB4] =	sst s10  }
0x38: {  	s10 =	sld [smem:$0x3FB5]  }
0x39: {  	_ = 	snop;
	(pc) =	sbr.ind lr, $3  }
0x3a: {  	_ = 	snop  }
0x3b: {  	_ = 	snop  }
0x3c: {  	p2 =	seq.s32 s10, $0x1;
	s10 =	sld [smem:$0x3FB4]  }
0x3d: {  	_ =	shalt  }
0x3e: {  	_ =	shalt  }
0x3f: {  	_ =	shalt  }
0x40: {  	_ =	shalt  }
0x41: {  	_ =	shalt  }
0x42: {  	_ =	shalt  }
0x43: {  	_ =	shalt  }
0x44: {  	_ =	shalt  }
0x45: {  	_ =	shalt  }
0x46: {  	_ =	shalt  }
0x47: {  	_ =	shalt  }
0x48: {  	_ =	shalt  }
0x49: {  	_ =	shalt  }
0x4a: {  	_ =	shalt  }
0x4b: {  	_ =	shalt  }
0x4c: {  	_ =	shalt  }
0x4d: {  	_ =	shalt  }
0x4e: {  	_ =	shalt  }
0x4f: {  	_ =	shalt  }
0x50: {  	_ =	shalt  }
0x51: {  	_ =	shalt  }
0x52: {  	_ =	shalt  }
0x53: {  	_ =	shalt  }
0x54: {  	_ =	shalt  }
0x55: {  	_ =	shalt  }
0x56: {  	_ =	shalt  }
0x57: {  	_ =	shalt  }
0x58: {  	_ =	shalt  }
0x59: {  	_ =	shalt  }
0x5a: {  	_ =	shalt  }
0x5b: {  	_ =	shalt  }
0x5c: {  	_ =	shalt  }
0x5d: {  	_ =	shalt  }
0x5e: {  	_ =	shalt  }
0x5f: {  	_ =	shalt  }
0x60: {  	_ =	shalt  }
0x61: {  	_ =	shalt  }
0x62: {  	_ =	shalt  }
0x63: {  	_ =	shalt  }
0x64: {  	_ =	shalt  }
0x65: {  	_ =	shalt  }
0x66: {  	_ =	shalt  }
0x67: {  	_ =	shalt  }
0x68: {  	_ =	shalt  }
0x69: {  	_ =	shalt  }
0x6a: {  	_ =	shalt  }
0x6b: {  	_ =	shalt  }
0x6c: {  	_ =	shalt  }
0x6d: {  	_ =	shalt  }
0x6e: {  	_ =	shalt  }
0x6f: {  	_ =	shalt  }
0x70: {  	_ =	shalt  }
0x71: {  	_ =	shalt  }
0x72: {  	_ =	shalt  }
0x73: {  	_ =	shalt  }
0x74: {  	_ =	shalt  }
0x75: {  	_ =	shalt  }
0x76: {  	_ =	shalt  }
0x77: {  	_ =	shalt  }
0x78: {  	_ =	shalt  }
0x79: {  	_ =	shalt  }
0x7a: {  	_ =	shalt  }
0x7b: {  	_ =	shalt  }
0x7c: {  	_ =	shalt  }
0x7d: {  	_ =	shalt  }
0x7e: {  	_ =	shalt  }
0x7f: {  	_ =	shalt  }
0x80: {  	_ =	shalt  }
0x81: {  	_ =	shalt  }
0x82: {  	_ =	shalt  }
0x83: {  	_ =	shalt  }
0x84: {  	_ =	shalt  }
0x85: {  	_ =	shalt  }
0x86: {  	_ =	shalt  }
0x87: {  	_ =	shalt  }
.Lfunc_end0:
.L_simem_size_0:
called_computation.1_lowered:
.L_overlay_start_0:
0x88: {  	s2 =	sld [smem:$0x3FD9]  }
0x89: {  	s3 =	sld [smem:$0x3FFE];
	_ =	sdelay $0x1  }
0x8a: {  	s1 =	srdreg.scid  }
0x8b: {  	s0 =	sand.u32 $0x1, s1  }
0x8c: {  	s14 =	sshll.u32 s0, $0xA;
	s2 =	sadd.s32 s3, s2  }
0x8d: {  	s2 =	sadd.s32 s2, s14  }
0x8e: {  	[smem:$0x3FC0] =	sst s2  }
0x8f: {  	_ = 	snop  }
0x90: {  	s2 =	sld [smem:$0x3FD0];
	_ =	sdelay $0x2  }
0x91: {  	s15 =	simm.s32 $0xA;
	s4 =	simm.s32 $0x10  }
0x92: {  	[smem:s4], [sflag:s15] =	dma.local [hbm:s2], $0x1  }
0x93: {  	_ =	swait.eq [sflag:s15], $0x1  }
0x94: {  	[sflag:s15] =	ssyncset.done $0x0  }
0x95: {  	[sflag:s15] =	ssyncadd.s32 $0xFFFFFFFF  }
0x96: {  	s16 =	sld [smem:$0x10];
	(tm) =	ssettm $0x1  }
0x97: {  	s17 =	sld [smem:$0x3FFB];
	_ =	sdelay $0x3  }
0x98: {  	_ =	strace s17  }
0x99: {  	s3 =	sld [smem:$0x3FFC];
	_ =	sdelay $0x3  }
0x9a: {  	_ =	strace s3  }
0x9b: {  	s3 =	sld [smem:$0x3FFD];
	_ =	sdelay $0x3  }
0x9c: {  	_ =	strace s3  }
0x9d: {  	_ =	strace $0x8FFFFFFF  }
0x9e: {  	s18 =	sld [smem:$0x3FDB];
	_ =	sdelay $0x1  }
0x9f: {  	s19 =	simm.s32 $_scs_section_size  }
0xa0: {  	s5 =	simm.s32 $_size__tile_overlayer_lowered;
	s6 =	simm.s32 $_tile_overlayer_lowered  }
0xa1: {  	s22 =	simm.s32 $0x1BFF;
	s21 =	sshll.u32 s6, $0x1;
	s3 =	sadd.s32 s19, s18  }
0xa2: {  	s7 =	simm.s32 $0x0;
	s20 =	sshll.u32 s5, $0x1;
	s5 =	sadd.s32 s21, s3  }
0xa3: {  	[timem:s7], [sflag:s22] =	dma.local [hbm:s5], s20  }
0xa4: {  	_ =	swait.ge [sflag:s22], s20  }
0xa5: {  	s4 =	ssub.s32 $0x0, s20;
	[sflag:s22] =	ssyncset.done $0x0  }
0xa6: {  	[sflag:s22] =	ssyncadd.s32 s4;
	_ =	sdelay $0x1  }
0xa7: {  	s23 =	simm.s32 $0x1B8B  }
0xa8: {  	_ =	swait.ge [sflag:s23], $0x1  }
0xa9: {  	[sflag:s23] =	ssyncset.done $0x0  }
0xaa: {  	s25 =	simm.s32 $0x1B8E;
	s24 =	sld [smem:$0x3FFE];
	[sflag:s23] =	ssyncadd.s32 $0xFFFFFFFF  }
0xab: {  	s26 =	simm.s32 $execute0_lowered;
	[smem:$0x3FD2] =	sst s25  }
0xac: {  	s5 =	sshll.u32 s26, $0x1;
	_ =	strace $0x80000049;
	[dreg:$0x1] =	wrdreg $0xFFFFFFFF  }
0xad: {  	s28 =	simm.s32 $_size_execute0_lowered;
	s3 =	sadd.s32 s3, s5;
	[dreg:$0x0] =	wrdreg $0x0  }
0xae: {  	s5 =	sshll.u32 s28, $0x1;
	[dreg:$0x2] =	wrdreg s3  }
0xaf: {  	[dreg:$0x3] =	wrdreg s5  }
0xb0: {  	[dreg:$0x4] =	wrdreg $0xC0  }
0xb1: {  	_ =	task [dreg:s7], $0x5FFFF  }
0xb2: {  	[dreg:$0x1] =	wrdreg $0xFFFFFFFF  }
0xb3: {  	[dreg:$0x0] =	wrdreg $0x60  }
0xb4: {  	[dreg:$0x2] =	wrdreg s24  }
0xb5: {  	[dreg:$0x3] =	wrdreg s16  }
0xb6: {  	[dreg:$0x4] =	wrdreg $0x9  }
0xb7: {  	_ =	task.clear_ibuf [dreg:s7], $0x5FFFF;
	_ =	strace $0x90000049  }
0xb8: {  	s29 =	simm.s32 $0x9;
	_ =	strace $0x8000004B  }
0xb9: {  	_ =	swait.ge [sflag:s29], $0x1  }
0xba: {  	[sflag:s29] =	ssyncadd.s32 $0xFFFFFFFF  }
0xbb: {  	_ =	strace $0x9000004B  }
0xbc: {  	_ =	sfence  }
0xbd: {  	s30 =	sld [smem:$0x0];
	_ =	sdelay $0x2  }
0xbe: {  	s31 =	sshll.u32 s1, $0xD;
	s1 =	sshrl.u32 s1, $0x2  }
0xbf: {  	s3 =	sand.u32 $0x4000, s31;
	s1 =	sadd.s32 s1, s30  }
0xc0: {  	s0 =	sor.u32 s3, s0;
	s1 =	sshll.u32 s1, $0x11  }
0xc1: {  	s0 =	sor.u32 s1, s0  }
0xc2: {  	s0 =	sadd.s32 $0x8F2B, s0  }
0xc3: {  	[sflag:s0] =	ssyncadd.remote.s32 $0x1  }
0xc4: {  	_ =	sfence.sel $0xFFFF  }
0xc5: {  	[dreg:$0x0] =	wrdreg $0xFFFFFFFF;
	(pc) =	sbr.abs _section_cstart, $3  }
0xc6: {  	[dreg:$0x1] =	wrdreg $0xFFFFFFFF  }
0xc7: {  	_ =	task.clear_ibuf [dreg:s7], $0x2FFFF;
	_ =	strace $0x9FFFFFFF  }
0xc8: {  	(tm) =	ssettm $0x7FFFFFFF  }
0xc9: {  	_ =	shalt  }
tec
execute0_lowered:
.L_overlay_start_1:
0x0: {  	(tag) =	ssettag $0x1  }
0x1: {  	s0 =	rddreg [dreg:$0x0]  }
0x2: {  	s1 =	rddreg [dreg:$0x1]  }
0x3: {  	s2 =	srdreg.scid;
	s4 =	stileid.u32;
	s12 =	simm.s32 $0x3  }
0x4: {  	s14 =	simm.s32 $0x100;
	s15 =	simm.s32 $0x180;
	s16 =	simm.s32 $0x200  }
0x5: {  	s21 =	simm.s32 $0x13A00;
	s22 =	simm.s32 $0x14200;
	s23 =	simm.s32 $0x14A00  }
0x6: {  	s24 =	simm.s32 $0x15200;
	s28 =	simm.s32 $0x16A00;
	s29 =	simm.s32 $0x17200  }
0x7: {  	s30 =	simm.s32 $0x17A00;
	s31 =	simm.s32 $0x1;
	s3 =	sand.u32 $0x1, s2  }
0x8: {  	s2 =	simm.s32 $0x0;
	s4 =	sshll.u32 s4, $0x4;
	s9 =	sadd.s32 $0x800, s0  }
0x9: {  	s5 =	sshll.u32 s3, $0x3;
	[smem:$0x7FF] =	sst s2;
	s25 =	ssub.s32 $0x2, s3  }
0xa: {  	s3 =	sadd.s32 $0x600, s0;
	s7 =	sor.u32 s5, s4;
	s26 =	sshrl.u32 s25, $0x1  }
0xb: {  	_ =	strace $0x8000004A;
	s8 =	sadd.s32 s7, s0;
	s11 =	ssub.s32 s25, s26  }
0xc: {  	s10 =	smul.u32 $0x300, s7;
	s25 =	simm.s32 $0x15A00;
	s26 =	simm.s32 $0x16200  }
0xd: {  	v2 =	vlaneseq.u32;
	s4 =	sadd.s32 $0xA8A00, s8;
	s5 =	sadd.s32 $0xA8C00, s8;
	s6 =	sadd.s32 $0xA8E00, s8  }
0xe: {  	vm0 =	vmmov $0xffff;
	v1 =	vshrl.u32 v2, $0x3;
	s7 =	sadd.s32 $0xA9000, s8;
	s8 =	sadd.s32 $0x700, s0;
	s11 =	smax.u32 s11, $0x1  }
0xf: {  	v0 =	vand.u32 $0x7, v2;
	v2 =	vor.u32 $0x8, v2;
	v1 =	vmul.u32 $0x8, v1;
	s0 =	simm.s32 $0x2;
	s10 =	sadd.s32 s1, s10;
	s1 =	simm.s32 $0x0  }
.LBB2_1:
0x10: {  	[tilespmem:s2], [sflag:$0x3] =	stream.linear.gather [hbm4b:s4+s2], $0x40, $0x38;
	[tilespmem:$0x18200] =	vst v63  }
0x11: {  	_ =	swait.ge [sflag:s12], $0x40  }
0x12: {  	[sflag:s12] =	ssyncset.done $0x0  }
0x13: {  	s13 =	simm.s32 $0x80;
	[sflag:s12] =	ssyncadd.s32 $0xFFFFFFC0  }
0x14: {  	[tilespmem:s13], [sflag:$0x3] =	stream.linear.gather [hbm4b:s5+s2], $0x40, $0x38;
	[tilespmem:$0x18200] =	vst v63  }
0x15: {  	_ =	swait.ge [sflag:s12], $0x40  }
0x16: {  	[sflag:s12] =	ssyncset.done $0x0  }
0x17: {  	[sflag:s12] =	ssyncadd.s32 $0xFFFFFFC0  }
0x18: {  	[tilespmem:s14], [sflag:$0x3] =	stream.linear.gather [hbm4b:s6+s2], $0x40, $0x38;
	[tilespmem:$0x18200] =	vst v63  }
0x19: {  	_ =	swait.ge [sflag:s12], $0x40  }
0x1a: {  	[sflag:s12] =	ssyncset.done $0x0  }
0x1b: {  	[sflag:s12] =	ssyncadd.s32 $0xFFFFFFC0  }
0x1c: {  	[tilespmem:s15], [sflag:$0x3] =	stream.linear.gather [hbm4b:s7+s2], $0x40, $0x38;
	[tilespmem:$0x18200] =	vst v63  }
0x1d: {  	_ =	swait.ge [sflag:s12], $0x40  }
0x1e: {  	[sflag:s12] =	ssyncset.done $0x0  }
0x1f: {  	[sflag:s12] =	ssyncadd.s32 $0xFFFFFFC0  }
0x20: {  	v3 =	vld [tilespmem:$0x0];
	_ =	sdelay $0x4  }
0x21: {  	v4 =	vshrl.u32 v3, $0x3  }
0x22: {  	v4 =	vmul.u32 $0x30, v4  }
0x23: {  	v3 =	vand.u32 $0x7, v3  }
0x24: {  	v3 =	vor.u32 v3, v4  }
0x25: {  	v4 =	vperm.xlane v3, v0;
	_ =	sdelay $0x1  }
0x26: {  	v4 =	vadd.s32 v1, v4;
	_ =	sdelay $0x3  }
0x27: {  	v3 =	vperm.xlane v3, v2  }
0x28: {  	[tilespmem:s16], [sflag:$0x1] =	stream.indirect_vreg.gather [hbm4b:s3+s2], $0x80, v4, vm0, $0xb8;
	[tilespmem:$0x18200] =	vst v63  }
0x29: {  	s18 =	simm.s32 $0xA00;
	v3 =	vadd.s32 v1, v3  }
0x2a: {  	[tilespmem:s18], [sflag:$0x1] =	stream.indirect_vreg.gather [hbm4b:s8+s2], $0x80, v4, vm0, $0xb8;
	[tilespmem:$0x18200] =	vst v63  }
0x2b: {  	s19 =	simm.s32 $0x1200  }
0x2c: {  	[tilespmem:s19], [sflag:$0x1] =	stream.indirect_vreg.gather [hbm4b:s9+s2], $0x80, v4, vm0, $0xb8;
	[tilespmem:$0x18200] =	vst v63  }
0x2d: {  	s20 =	simm.s32 $0x1A00  }
0x2e: {  	[tilespmem:s20], [sflag:$0x1] =	stream.indirect_vreg.gather [hbm4b:s3+s2], $0x80, v3, vm0, $0xb8;
	[tilespmem:$0x18200] =	vst v63  }
0x2f: {  	s17 =	simm.s32 $0x2200  }
0x30: {  	[tilespmem:s17], [sflag:$0x1] =	stream.indirect_vreg.gather [hbm4b:s8+s2], $0x80, v3, vm0, $0xb8;
	[tilespmem:$0x18200] =	vst v63  }
0x31: {  	s18 =	simm.s32 $0x2A00  }
0x32: {  	[tilespmem:s18], [sflag:$0x1] =	stream.indirect_vreg.gather [hbm4b:s9+s2], $0x80, v3, vm0, $0xb8;
	[tilespmem:$0x18200] =	vst v63  }
0x33: {  	v3 =	vld [tilespmem:$0x10];
	_ =	sdelay $0x4  }
0x34: {  	v4 =	vshrl.u32 v3, $0x3  }
0x35: {  	v4 =	vmul.u32 $0x30, v4  }
0x36: {  	v3 =	vand.u32 $0x7, v3  }
0x37: {  	v3 =	vor.u32 v3, v4  }
0x38: {  	v4 =	vperm.xlane v3, v0;
	_ =	sdelay $0x1  }
0x39: {  	v4 =	vadd.s32 v1, v4;
	_ =	sdelay $0x3  }
0x3a: {  	s19 =	simm.s32 $0x3200;
	v3 =	vperm.xlane v3, v2  }
0x3b: {  	[tilespmem:s19], [sflag:$0x1] =	stream.indirect_vreg.gather [hbm4b:s3+s2], $0x80, v4, vm0, $0xb8;
	[tilespmem:$0x18200] =	vst v63  }
0x3c: {  	s20 =	simm.s32 $0x3A00;
	v3 =	vadd.s32 v1, v3  }
0x3d: {  	[tilespmem:s20], [sflag:$0x1] =	stream.indirect_vreg.gather [hbm4b:s8+s2], $0x80, v4, vm0, $0xb8;
	[tilespmem:$0x18200] =	vst v63  }
0x3e: {  	s17 =	simm.s32 $0x4200  }
0x3f: {  	[tilespmem:s17], [sflag:$0x1] =	stream.indirect_vreg.gather [hbm4b:s9+s2], $0x80, v4, vm0, $0xb8;
	[tilespmem:$0x18200] =	vst v63  }
0x40: {  	s18 =	simm.s32 $0x4A00  }
0x41: {  	[tilespmem:s18], [sflag:$0x1] =	stream.indirect_vreg.gather [hbm4b:s3+s2], $0x80, v3, vm0, $0xb8;
	[tilespmem:$0x18200] =	vst v63  }
0x42: {  	s19 =	simm.s32 $0x5200  }
0x43: {  	[tilespmem:s19], [sflag:$0x1] =	stream.indirect_vreg.gather [hbm4b:s8+s2], $0x80, v3, vm0, $0xb8;
	[tilespmem:$0x18200] =	vst v63  }
0x44: {  	s20 =	simm.s32 $0x5A00  }
0x45: {  	[tilespmem:s20], [sflag:$0x1] =	stream.indirect_vreg.gather [hbm4b:s9+s2], $0x80, v3, vm0, $0xb8;
	[tilespmem:$0x18200] =	vst v63  }
0x46: {  	v3 =	vld [tilespmem:$0x20];
	_ =	sdelay $0x4  }
0x47: {  	v4 =	vshrl.u32 v3, $0x3  }
0x48: {  	v4 =	vmul.u32 $0x30, v4  }
0x49: {  	v3 =	vand.u32 $0x7, v3  }
0x4a: {  	v3 =	vor.u32 v3, v4  }
0x4b: {  	v4 =	vperm.xlane v3, v0;
	_ =	sdelay $0x1  }
0x4c: {  	v4 =	vadd.s32 v1, v4;
	_ =	sdelay $0x3  }
0x4d: {  	s17 =	simm.s32 $0x6200;
	v3 =	vperm.xlane v3, v2  }
0x4e: {  	[tilespmem:s17], [sflag:$0x1] =	stream.indirect_vreg.gather [hbm4b:s3+s2], $0x80, v4, vm0, $0xb8;
	[tilespmem:$0x18200] =	vst v63  }
0x4f: {  	s18 =	simm.s32 $0x6A00;
	v3 =	vadd.s32 v1, v3  }
0x50: {  	[tilespmem:s18], [sflag:$0x1] =	stream.indirect_vreg.gather [hbm4b:s8+s2], $0x80, v4, vm0, $0xb8;
	[tilespmem:$0x18200] =	vst v63  }
0x51: {  	s19 =	simm.s32 $0x7200  }
0x52: {  	[tilespmem:s19], [sflag:$0x1] =	stream.indirect_vreg.gather [hbm4b:s9+s2], $0x80, v4, vm0, $0xb8;
	[tilespmem:$0x18200] =	vst v63  }
0x53: {  	s20 =	simm.s32 $0x7A00  }
0x54: {  	[tilespmem:s20], [sflag:$0x1] =	stream.indirect_vreg.gather [hbm4b:s3+s2], $0x80, v3, vm0, $0xb8;
	[tilespmem:$0x18200] =	vst v63  }
0x55: {  	s17 =	simm.s32 $0x8200  }
0x56: {  	[tilespmem:s17], [sflag:$0x1] =	stream.indirect_vreg.gather [hbm4b:s8+s2], $0x80, v3, vm0, $0xb8;
	[tilespmem:$0x18200] =	vst v63  }
0x57: {  	s18 =	simm.s32 $0x8A00  }
0x58: {  	[tilespmem:s18], [sflag:$0x1] =	stream.indirect_vreg.gather [hbm4b:s9+s2], $0x80, v3, vm0, $0xb8;
	[tilespmem:$0x18200] =	vst v63  }
0x59: {  	v3 =	vld [tilespmem:$0x30];
	_ =	sdelay $0x4  }
0x5a: {  	v4 =	vshrl.u32 v3, $0x3  }
0x5b: {  	v4 =	vmul.u32 $0x30, v4  }
0x5c: {  	v3 =	vand.u32 $0x7, v3  }
0x5d: {  	v3 =	vor.u32 v3, v4  }
0x5e: {  	v4 =	vperm.xlane v3, v0;
	_ =	sdelay $0x1  }
0x5f: {  	v4 =	vadd.s32 v1, v4;
	_ =	sdelay $0x3  }
0x60: {  	s19 =	simm.s32 $0x9200;
	v3 =	vperm.xlane v3, v2  }
0x61: {  	[tilespmem:s19], [sflag:$0x1] =	stream.indirect_vreg.gather [hbm4b:s3+s2], $0x80, v4, vm0, $0xb8;
	[tilespmem:$0x18200] =	vst v63  }
0x62: {  	s20 =	simm.s32 $0x9A00;
	v3 =	vadd.s32 v1, v3  }
0x63: {  	[tilespmem:s20], [sflag:$0x1] =	stream.indirect_vreg.gather [hbm4b:s8+s2], $0x80, v4, vm0, $0xb8;
	[tilespmem:$0x18200] =	vst v63  }
0x64: {  	s17 =	simm.s32 $0xA200  }
0x65: {  	[tilespmem:s17], [sflag:$0x1] =	stream.indirect_vreg.gather [hbm4b:s9+s2], $0x80, v4, vm0, $0xb8;
	[tilespmem:$0x18200] =	vst v63  }
0x66: {  	s18 =	simm.s32 $0xAA00  }
0x67: {  	[tilespmem:s18], [sflag:$0x1] =	stream.indirect_vreg.gather [hbm4b:s3+s2], $0x80, v3, vm0, $0xb8;
	[tilespmem:$0x18200] =	vst v63  }
0x68: {  	s19 =	simm.s32 $0xB200  }
0x69: {  	[tilespmem:s19], [sflag:$0x1] =	stream.indirect_vreg.gather [hbm4b:s8+s2], $0x80, v3, vm0, $0xb8;
	[tilespmem:$0x18200] =	vst v63  }
0x6a: {  	s20 =	simm.s32 $0xBA00  }
0x6b: {  	[tilespmem:s20], [sflag:$0x1] =	stream.indirect_vreg.gather [hbm4b:s9+s2], $0x80, v3, vm0, $0xb8;
	[tilespmem:$0x18200] =	vst v63  }
0x6c: {  	v3 =	vld [tilespmem:$0x80];
	_ =	sdelay $0x4  }
0x6d: {  	v4 =	vshrl.u32 v3, $0x3  }
0x6e: {  	v4 =	vmul.u32 $0x30, v4  }
0x6f: {  	v3 =	vand.u32 $0x7, v3  }
0x70: {  	v3 =	vor.u32 v3, v4  }
0x71: {  	v4 =	vperm.xlane v3, v0;
	_ =	sdelay $0x1  }
0x72: {  	v4 =	vadd.s32 v1, v4;
	_ =	sdelay $0x3  }
0x73: {  	s17 =	simm.s32 $0xC200;
	v3 =	vperm.xlane v3, v2  }
0x74: {  	[tilespmem:s17], [sflag:$0x2] =	stream.indirect_vreg.gather [hbm4b:s3+s2], $0x80, v4, vm0, $0xb8;
	[tilespmem:$0x18200] =	vst v63  }
0x75: {  	s18 =	simm.s32 $0xCA00;
	v3 =	vadd.s32 v1, v3  }
0x76: {  	[tilespmem:s18], [sflag:$0x2] =	stream.indirect_vreg.gather [hbm4b:s8+s2], $0x80, v4, vm0, $0xb8;
	[tilespmem:$0x18200] =	vst v63  }
0x77: {  	s19 =	simm.s32 $0xD200  }
0x78: {  	[tilespmem:s19], [sflag:$0x2] =	stream.indirect_vreg.gather [hbm4b:s9+s2], $0x80, v4, vm0, $0xb8;
	[tilespmem:$0x18200] =	vst v63  }
0x79: {  	s20 =	simm.s32 $0xDA00  }
0x7a: {  	[tilespmem:s20], [sflag:$0x2] =	stream.indirect_vreg.gather [hbm4b:s3+s2], $0x80, v3, vm0, $0xb8;
	[tilespmem:$0x18200] =	vst v63  }
0x7b: {  	s17 =	simm.s32 $0xE200  }
0x7c: {  	[tilespmem:s17], [sflag:$0x2] =	stream.indirect_vreg.gather [hbm4b:s8+s2], $0x80, v3, vm0, $0xb8;
	[tilespmem:$0x18200] =	vst v63  }
0x7d: {  	s18 =	simm.s32 $0xEA00  }
0x7e: {  	[tilespmem:s18], [sflag:$0x2] =	stream.indirect_vreg.gather [hbm4b:s9+s2], $0x80, v3, vm0, $0xb8;
	[tilespmem:$0x18200] =	vst v63  }
0x7f: {  	v3 =	vld [tilespmem:$0x90];
	_ =	sdelay $0x4  }
0x80: {  	v4 =	vshrl.u32 v3, $0x3  }
0x81: {  	v4 =	vmul.u32 $0x30, v4  }
0x82: {  	v3 =	vand.u32 $0x7, v3  }
0x83: {  	v3 =	vor.u32 v3, v4  }
0x84: {  	v4 =	vperm.xlane v3, v0;
	_ =	sdelay $0x1  }
0x85: {  	v4 =	vadd.s32 v1, v4;
	_ =	sdelay $0x3  }
0x86: {  	s19 =	simm.s32 $0xF200;
	v3 =	vperm.xlane v3, v2  }
0x87: {  	[tilespmem:s19], [sflag:$0x2] =	stream.indirect_vreg.gather [hbm4b:s3+s2], $0x80, v4, vm0, $0xb8;
	[tilespmem:$0x18200] =	vst v63  }
0x88: {  	s20 =	simm.s32 $0xFA00;
	v3 =	vadd.s32 v1, v3  }
0x89: {  	[tilespmem:s20], [sflag:$0x2] =	stream.indirect_vreg.gather [hbm4b:s8+s2], $0x80, v4, vm0, $0xb8;
	[tilespmem:$0x18200] =	vst v63  }
0x8a: {  	s17 =	simm.s32 $0x10200  }
0x8b: {  	[tilespmem:s17], [sflag:$0x2] =	stream.indirect_vreg.gather [hbm4b:s9+s2], $0x80, v4, vm0, $0xb8;
	[tilespmem:$0x18200] =	vst v63  }
0x8c: {  	s18 =	simm.s32 $0x10A00  }
0x8d: {  	[tilespmem:s18], [sflag:$0x2] =	stream.indirect_vreg.gather [hbm4b:s3+s2], $0x80, v3, vm0, $0xb8;
	[tilespmem:$0x18200] =	vst v63  }
0x8e: {  	s19 =	simm.s32 $0x11200  }
0x8f: {  	[tilespmem:s19], [sflag:$0x2] =	stream.indirect_vreg.gather [hbm4b:s8+s2], $0x80, v3, vm0, $0xb8;
	[tilespmem:$0x18200] =	vst v63  }
0x90: {  	s20 =	simm.s32 $0x11A00  }
0x91: {  	[tilespmem:s20], [sflag:$0x2] =	stream.indirect_vreg.gather [hbm4b:s9+s2], $0x80, v3, vm0, $0xb8;
	[tilespmem:$0x18200] =	vst v63  }
0x92: {  	v3 =	vld [tilespmem:$0xA0];
	_ =	sdelay $0x4  }
0x93: {  	v4 =	vshrl.u32 v3, $0x3  }
0x94: {  	v4 =	vmul.u32 $0x30, v4  }
0x95: {  	v3 =	vand.u32 $0x7, v3  }
0x96: {  	v3 =	vor.u32 v3, v4  }
0x97: {  	v4 =	vperm.xlane v3, v0;
	_ =	sdelay $0x1  }
0x98: {  	v4 =	vadd.s32 v1, v4;
	_ =	sdelay $0x3  }
0x99: {  	s17 =	simm.s32 $0x12200;
	v3 =	vperm.xlane v3, v2  }
0x9a: {  	[tilespmem:s17], [sflag:$0x2] =	stream.indirect_vreg.gather [hbm4b:s3+s2], $0x80, v4, vm0, $0xb8;
	[tilespmem:$0x18200] =	vst v63  }
0x9b: {  	s18 =	simm.s32 $0x12A00;
	v3 =	vadd.s32 v1, v3  }
0x9c: {  	[tilespmem:s18], [sflag:$0x2] =	stream.indirect_vreg.gather [hbm4b:s8+s2], $0x80, v4, vm0, $0xb8;
	[tilespmem:$0x18200] =	vst v63  }
0x9d: {  	s19 =	simm.s32 $0x13200  }
0x9e: {  	[tilespmem:s19], [sflag:$0x2] =	stream.indirect_vreg.gather [hbm4b:s9+s2], $0x80, v4, vm0, $0xb8;
	[tilespmem:$0x18200] =	vst v63  }
0x9f: {  	_ = 	snop  }
0xa0: {  	[tilespmem:s21], [sflag:$0x2] =	stream.indirect_vreg.gather [hbm4b:s3+s2], $0x80, v3, vm0, $0xb8;
	[tilespmem:$0x18200] =	vst v63  }
0xa1: {  	_ = 	snop  }
0xa2: {  	[tilespmem:s22], [sflag:$0x2] =	stream.indirect_vreg.gather [hbm4b:s8+s2], $0x80, v3, vm0, $0xb8;
	[tilespmem:$0x18200] =	vst v63  }
0xa3: {  	_ = 	snop  }
0xa4: {  	[tilespmem:s23], [sflag:$0x2] =	stream.indirect_vreg.gather [hbm4b:s9+s2], $0x80, v3, vm0, $0xb8;
	[tilespmem:$0x18200] =	vst v63  }
0xa5: {  	v3 =	vld [tilespmem:$0xB0];
	_ =	sdelay $0x4  }
0xa6: {  	v4 =	vshrl.u32 v3, $0x3  }
0xa7: {  	v4 =	vmul.u32 $0x30, v4  }
0xa8: {  	v3 =	vand.u32 $0x7, v3  }
0xa9: {  	v3 =	vor.u32 v3, v4  }
0xaa: {  	v4 =	vperm.xlane v3, v0;
	_ =	sdelay $0x1  }
0xab: {  	v4 =	vadd.s32 v1, v4;
	_ =	sdelay $0x3  }
0xac: {  	v3 =	vperm.xlane v3, v2  }
0xad: {  	[tilespmem:s24], [sflag:$0x2] =	stream.indirect_vreg.gather [hbm4b:s3+s2], $0x80, v4, vm0, $0xb8;
	[tilespmem:$0x18200] =	vst v63  }
0xae: {  	v3 =	vadd.s32 v1, v3  }
0xaf: {  	[tilespmem:s25], [sflag:$0x2] =	stream.indirect_vreg.gather [hbm4b:s8+s2], $0x80, v4, vm0, $0xb8;
	[tilespmem:$0x18200] =	vst v63  }
0xb0: {  	_ = 	snop  }
0xb1: {  	[tilespmem:s26], [sflag:$0x2] =	stream.indirect_vreg.gather [hbm4b:s9+s2], $0x80, v4, vm0, $0xb8;
	[tilespmem:$0x18200] =	vst v63  }
0xb2: {  	_ = 	snop  }
0xb3: {  	[tilespmem:s28], [sflag:$0x2] =	stream.indirect_vreg.gather [hbm4b:s3+s2], $0x80, v3, vm0, $0xb8;
	[tilespmem:$0x18200] =	vst v63  }
0xb4: {  	_ = 	snop  }
0xb5: {  	[tilespmem:s29], [sflag:$0x2] =	stream.indirect_vreg.gather [hbm4b:s8+s2], $0x80, v3, vm0, $0xb8;
	[tilespmem:$0x18200] =	vst v63  }
0xb6: {  	_ = 	snop  }
0xb7: {  	[tilespmem:s30], [sflag:$0x2] =	stream.indirect_vreg.gather [hbm4b:s9+s2], $0x80, v3, vm0, $0xb8;
	[tilespmem:$0x18200] =	vst v63  }
0xb8: {  	_ =	swait.ge [sflag:s31], $0xC000  }
0xb9: {  	[sflag:s31] =	ssyncset.done $0x0  }
0xba: {  	s20 =	simm.s32 $0x0;
	[sflag:s31] =	ssyncadd.s32 $0xFFFF4000  }
0xbb: {  	s13 =	smul.u32 $0x1800, s20;
	_ =	swait.ge [sflag:s0], $0xC000  }
0xbc: {  	s17 =	sand.u32 $0x380, s2;
	[sflag:s0] =	ssyncset.done $0x0  }
0xbd: {  	s13 =	sor.u32 s17, s13;
	[sflag:s0] =	ssyncadd.s32 $0xFFFF4000  }
0xbe: {  	v18 =	vld [tilespmem:s13+$0xC200]  }
0xbf: {  	v3 =	vld [tilespmem:s13+$0x220]  }
0xc0: {  	v4 =	vld [tilespmem:s13+$0x250]  }
0xc1: {  	v5 =	vld [tilespmem:s13+$0x600]  }
0xc2: {  	v6 =	vld [tilespmem:s13+$0x630]  }
0xc3: {  	v7 =	vld [tilespmem:s13+$0x660]  }
0xc4: {  	v8 =	vld [tilespmem:s13+$0xA10]  }
0xc5: {  	v9 =	vld [tilespmem:s13+$0xA40]  }
0xc6: {  	v10 =	vld [tilespmem:s13+$0xA70]  }
0xc7: {  	v13 =	vld [tilespmem:s13+$0xE20]  }
0xc8: {  	v14 =	vld [tilespmem:s13+$0xE50]  }
0xc9: {  	v11 =	vmov s2;
	v15 =	vld [tilespmem:s13+$0x1200]  }
0xca: {  	v16 =	vld [tilespmem:s13+$0x1230]  }
0xcb: {  	s17 =	simm.s32 $0x1;
	s18 =	simm.s32 $0x0;
	v17 =	vld [tilespmem:s13+$0x1260]  }
.LBB2_2:
0xcc: {  	p0 =	sne.s32 s17, $0x3F;
	v19 =	vld [tilespmem:s13+$0x1660]  }
0xcd: {  	v20 =	vld [tilespmem:s13+$0x200]  }
0xce: {  	v12 =	vld.idx.msk [tilespmem:v11+s14+$0x0], $0xffff  }
0xcf: {  	v11 =	vld.idx.msk [tilespmem:v11+s15+$0x0], $0xffff  }
0xd0: {  	v21 =	vld [tilespmem:s13+$0xD670]  }
0xd1: {  	v22 =	vld [tilespmem:s13+$0x1670]  }
0xd2: {  	v23 =	vld [tilespmem:s13+$0x1610]  }
0xd3: {  	v24 =	vld [tilespmem:s13+$0x1640]  }
0xd4: {  	v20 =	vmul.f32 v20, v12;
	v19 =	vmul.f32 v19, v12;
	v25 =	vld [tilespmem:s13+$0xD660]  }
0xd5: {  	vm1 =	vlt.f32 v12, $0.0e+00;
	vm2 =	vgt.f32 v12, $0.0e+00;
	vm3 =	vlt.f32 v11, $0.0e+00;
	v26 =	vld [tilespmem:s13+$0x1650]  }
0xd6: {  	vm4 =	vgt.f32 v11, $0.0e+00;
	v21 =	vmul.f32 v21, v11;
	v27 =	vld [tilespmem:s13+$0xD650];
	v22 =	vmul.f32 v22, v12  }
0xd7: {  	vm2 =	vmor vm2, vm1;
	v18 =	vmul.f32 v18, v11;
	vm1 =	vmor vm4, vm3;
	v28 =	vld [tilespmem:s13+$0xD640]  }
0xd8: {  	v20 =	vnsel vm2, $0x0, v20;
	v21 =	vnsel vm1, $0x0, v21;
	v29 =	vld [tilespmem:s13+$0x1630];
	v22 =	vnsel vm2, $0x0, v22  }
0xd9: {  	v18 =	vnsel vm1, $0x0, v18;
	v30 =	vld [tilespmem:s13+$0xD630];
	v25 =	vmul.f32 v25, v11;
	v21 =	vadd.f32 v21, v22  }
0xda: {  	v19 =	vnsel vm2, $0x0, v19;
	v18 =	vadd.f32 v18, v20;
	v20 =	vld [tilespmem:s13+$0x1620];
	v22 =	vmul.f32 v26, v12  }
0xdb: {  	v24 =	vmul.f32 v24, v12;
	v26 =	vld [tilespmem:s13+$0xD620];
	v27 =	vmul.f32 v27, v11;
	v25 =	vnsel vm1, $0x0, v25;
	[tilespmem:s13+$0x1670] =	vst v21  }
0xdc: {  	[tilespmem:s13+$0x200] =	vst v18;
	v18 =	vld [tilespmem:s13+$0xD610];
	v21 =	vmul.f32 v28, v11;
	v22 =	vnsel vm2, $0x0, v22;
	v19 =	vadd.f32 v25, v19  }
0xdd: {  	v24 =	vnsel vm2, $0x0, v24;
	v25 =	vld [tilespmem:s13+$0x1600];
	v28 =	vmul.f32 v29, v12;
	v27 =	vnsel vm1, $0x0, v27  }
0xde: {  	v29 =	vld [tilespmem:s13+$0xD600];
	v30 =	vmul.f32 v30, v11;
	v21 =	vnsel vm1, $0x0, v21;
	v22 =	vadd.f32 v27, v22;
	[tilespmem:s13+$0x1660] =	vst v19  }
0xdf: {  	v19 =	vld [tilespmem:s13+$0x1270];
	v20 =	vmul.f32 v20, v12;
	v27 =	vnsel vm2, $0x0, v28;
	v21 =	vadd.f32 v21, v24  }
0xe0: {  	v23 =	vmul.f32 v23, v12;
	v24 =	vld [tilespmem:s13+$0xD270];
	v26 =	vmul.f32 v26, v11;
	v28 =	vnsel vm1, $0x0, v30;
	[tilespmem:s13+$0x1650] =	vst v22  }
0xe1: {  	v22 =	vld [tilespmem:s13+$0xD260];
	v18 =	vmul.f32 v18, v11;
	v20 =	vnsel vm2, $0x0, v20;
	v27 =	vadd.f32 v28, v27;
	[tilespmem:s13+$0x1640] =	vst v21  }
0xe2: {  	v23 =	vnsel vm2, $0x0, v23;
	v21 =	vld [tilespmem:s13+$0x1250];
	v25 =	vmul.f32 v25, v12;
	v26 =	vnsel vm1, $0x0, v26  }
0xe3: {  	v28 =	vld [tilespmem:s13+$0xD250];
	v29 =	vmul.f32 v29, v11;
	v18 =	vnsel vm1, $0x0, v18;
	v20 =	vadd.f32 v26, v20;
	[tilespmem:s13+$0x1630] =	vst v27  }
0xe4: {  	v26 =	vld [tilespmem:s13+$0x1240];
	v19 =	vmul.f32 v19, v12;
	v25 =	vnsel vm2, $0x0, v25;
	v18 =	vadd.f32 v18, v23  }
0xe5: {  	v17 =	vmul.f32 v17, v12;
	v23 =	vld [tilespmem:s13+$0xD240];
	v24 =	vmul.f32 v24, v11;
	v27 =	vnsel vm1, $0x0, v29;
	[tilespmem:s13+$0x1620] =	vst v20  }
0xe6: {  	v20 =	vld [tilespmem:s13+$0xD230];
	v22 =	vmul.f32 v22, v11;
	v19 =	vnsel vm2, $0x0, v19;
	v25 =	vadd.f32 v27, v25;
	[tilespmem:s13+$0x1610] =	vst v18  }
0xe7: {  	v17 =	vnsel vm2, $0x0, v17;
	v18 =	vld [tilespmem:s13+$0x1220];
	v21 =	vmul.f32 v21, v12;
	v24 =	vnsel vm1, $0x0, v24  }
0xe8: {  	v27 =	vld [tilespmem:s13+$0xD220];
	v28 =	vmul.f32 v28, v11;
	v22 =	vnsel vm1, $0x0, v22;
	v19 =	vadd.f32 v24, v19;
	[tilespmem:s13+$0x1600] =	vst v25  }
0xe9: {  	v24 =	vld [tilespmem:s13+$0x1210];
	v25 =	vmul.f32 v26, v12;
	v21 =	vnsel vm2, $0x0, v21;
	v17 =	vadd.f32 v22, v17  }
0xea: {  	v16 =	vmul.f32 v16, v12;
	v22 =	vld [tilespmem:s13+$0xD210];
	v23 =	vmul.f32 v23, v11;
	v26 =	vnsel vm1, $0x0, v28;
	[tilespmem:s13+$0x1270] =	vst v19  }
0xeb: {  	v19 =	vld [tilespmem:s13+$0xD200];
	v20 =	vmul.f32 v20, v11;
	v25 =	vnsel vm2, $0x0, v25;
	v21 =	vadd.f32 v26, v21;
	[tilespmem:s13+$0x1260] =	vst v17  }
0xec: {  	v16 =	vnsel vm2, $0x0, v16;
	v17 =	vld [tilespmem:s13+$0xE70];
	v18 =	vmul.f32 v18, v12;
	v23 =	vnsel vm1, $0x0, v23  }
0xed: {  	v26 =	vld [tilespmem:s13+$0xCE70];
	v27 =	vmul.f32 v27, v11;
	v20 =	vnsel vm1, $0x0, v20;
	v23 =	vadd.f32 v23, v25;
	[tilespmem:s13+$0x1250] =	vst v21  }
0xee: {  	v21 =	vld [tilespmem:s13+$0xE60];
	v24 =	vmul.f32 v24, v12;
	v18 =	vnsel vm2, $0x0, v18;
	v16 =	vadd.f32 v20, v16  }
0xef: {  	v15 =	vmul.f32 v15, v12;
	v20 =	vld [tilespmem:s13+$0xCE60];
	v22 =	vmul.f32 v22, v11;
	v25 =	vnsel vm1, $0x0, v27;
	[tilespmem:s13+$0x1240] =	vst v23  }
0xf0: {  	v23 =	vld [tilespmem:s13+$0xCE50];
	v19 =	vmul.f32 v19, v11;
	v24 =	vnsel vm2, $0x0, v24;
	v18 =	vadd.f32 v25, v18;
	[tilespmem:s13+$0x1230] =	vst v16  }
0xf1: {  	v15 =	vnsel vm2, $0x0, v15;
	v16 =	vld [tilespmem:s13+$0xE40];
	v17 =	vmul.f32 v17, v12;
	v22 =	vnsel vm1, $0x0, v22  }
0xf2: {  	v25 =	vld [tilespmem:s13+$0xCE40];
	v26 =	vmul.f32 v26, v11;
	v19 =	vnsel vm1, $0x0, v19;
	v22 =	vadd.f32 v22, v24;
	[tilespmem:s13+$0x1220] =	vst v18  }
0xf3: {  	v18 =	vld [tilespmem:s13+$0xE30];
	v21 =	vmul.f32 v21, v12;
	v17 =	vnsel vm2, $0x0, v17;
	v15 =	vadd.f32 v19, v15  }
0xf4: {  	v14 =	vmul.f32 v14, v12;
	v19 =	vld [tilespmem:s13+$0xCE30];
	v20 =	vmul.f32 v20, v11;
	v24 =	vnsel vm1, $0x0, v26;
	[tilespmem:s13+$0x1210] =	vst v22  }
0xf5: {  	v22 =	vld [tilespmem:s13+$0xCE20];
	v23 =	vmul.f32 v23, v11;
	v21 =	vnsel vm2, $0x0, v21;
	v17 =	vadd.f32 v24, v17;
	[tilespmem:s13+$0x1200] =	vst v15  }
0xf6: {  	v14 =	vnsel vm2, $0x0, v14;
	v15 =	vld [tilespmem:s13+$0xE10];
	v16 =	vmul.f32 v16, v12;
	v20 =	vnsel vm1, $0x0, v20  }
0xf7: {  	v24 =	vld [tilespmem:s13+$0xCE10];
	v25 =	vmul.f32 v25, v11;
	v23 =	vnsel vm1, $0x0, v23;
	v20 =	vadd.f32 v20, v21;
	[tilespmem:s13+$0xE70] =	vst v17  }
0xf8: {  	v17 =	vld [tilespmem:s13+$0xE00];
	v18 =	vmul.f32 v18, v12;
	v16 =	vnsel vm2, $0x0, v16;
	v14 =	vadd.f32 v23, v14  }
0xf9: {  	v13 =	vmul.f32 v13, v12;
	v21 =	vld [tilespmem:s13+$0xCE00];
	v19 =	vmul.f32 v19, v11;
	v23 =	vnsel vm1, $0x0, v25;
	[tilespmem:s13+$0xE60] =	vst v20  }
0xfa: {  	v20 =	vld [tilespmem:s13+$0xCA70];
	v22 =	vmul.f32 v22, v11;
	v18 =	vnsel vm2, $0x0, v18;
	v16 =	vadd.f32 v23, v16;
	[tilespmem:s13+$0xE50] =	vst v14  }
0xfb: {  	v13 =	vnsel vm2, $0x0, v13;
	v14 =	vld [tilespmem:s13+$0xA60];
	v15 =	vmul.f32 v15, v12;
	v19 =	vnsel vm1, $0x0, v19  }
0xfc: {  	v23 =	vld [tilespmem:s13+$0xCA60];
	v24 =	vmul.f32 v24, v11;
	v22 =	vnsel vm1, $0x0, v22;
	v18 =	vadd.f32 v19, v18;
	[tilespmem:s13+$0xE40] =	vst v16  }
0xfd: {  	v16 =	vld [tilespmem:s13+$0xA50];
	v17 =	vmul.f32 v17, v12;
	v15 =	vnsel vm2, $0x0, v15;
	v13 =	vadd.f32 v22, v13  }
0xfe: {  	v10 =	vmul.f32 v10, v12;
	v19 =	vld [tilespmem:s13+$0xCA50];
	v21 =	vmul.f32 v21, v11;
	v22 =	vnsel vm1, $0x0, v24;
	[tilespmem:s13+$0xE30] =	vst v18  }
0xff: {  	v18 =	vld [tilespmem:s13+$0xCA40];
	v20 =	vmul.f32 v20, v11;
	v17 =	vnsel vm2, $0x0, v17;
	v15 =	vadd.f32 v22, v15;
	[tilespmem:s13+$0xE20] =	vst v13  }
0x100: {  	v10 =	vnsel vm2, $0x0, v10;
	v13 =	vld [tilespmem:s13+$0xA30];
	v14 =	vmul.f32 v14, v12;
	v21 =	vnsel vm1, $0x0, v21  }
0x101: {  	v22 =	vld [tilespmem:s13+$0xCA30];
	v23 =	vmul.f32 v23, v11;
	v20 =	vnsel vm1, $0x0, v20;
	v17 =	vadd.f32 v21, v17;
	[tilespmem:s13+$0xE10] =	vst v15  }
0x102: {  	v15 =	vld [tilespmem:s13+$0xA20];
	v16 =	vmul.f32 v16, v12;
	v14 =	vnsel vm2, $0x0, v14;
	v10 =	vadd.f32 v20, v10  }
0x103: {  	v9 =	vmul.f32 v9, v12;
	v20 =	vld [tilespmem:s13+$0xCA20];
	v19 =	vmul.f32 v19, v11;
	v21 =	vnsel vm1, $0x0, v23;
	[tilespmem:s13+$0xE00] =	vst v17  }
0x104: {  	v17 =	vld [tilespmem:s13+$0xCA10];
	v18 =	vmul.f32 v18, v11;
	v16 =	vnsel vm2, $0x0, v16;
	v14 =	vadd.f32 v21, v14;
	[tilespmem:s13+$0xA70] =	vst v10  }
0x105: {  	v9 =	vnsel vm2, $0x0, v9;
	v10 =	vld [tilespmem:s13+$0xA00];
	v13 =	vmul.f32 v13, v12;
	v19 =	vnsel vm1, $0x0, v19  }
0x106: {  	v21 =	vld [tilespmem:s13+$0xCA00];
	v22 =	vmul.f32 v22, v11;
	v18 =	vnsel vm1, $0x0, v18;
	v16 =	vadd.f32 v19, v16;
	[tilespmem:s13+$0xA60] =	vst v14  }
0x107: {  	v14 =	vld [tilespmem:s13+$0x670];
	v15 =	vmul.f32 v15, v12;
	v13 =	vnsel vm2, $0x0, v13;
	v9 =	vadd.f32 v18, v9  }
0x108: {  	v8 =	vmul.f32 v8, v12;
	v18 =	vld [tilespmem:s13+$0xC670];
	v19 =	vmul.f32 v20, v11;
	v20 =	vnsel vm1, $0x0, v22;
	[tilespmem:s13+$0xA50] =	vst v16  }
0x109: {  	v16 =	vld [tilespmem:s13+$0xC660];
	v17 =	vmul.f32 v17, v11;
	v15 =	vnsel vm2, $0x0, v15;
	v13 =	vadd.f32 v20, v13;
	[tilespmem:s13+$0xA40] =	vst v9  }
0x10a: {  	v8 =	vnsel vm2, $0x0, v8;
	v9 =	vld [tilespmem:s13+$0x650];
	v10 =	vmul.f32 v10, v12;
	v19 =	vnsel vm1, $0x0, v19  }
0x10b: {  	v20 =	vld [tilespmem:s13+$0xC650];
	v21 =	vmul.f32 v21, v11;
	v17 =	vnsel vm1, $0x0, v17;
	v15 =	vadd.f32 v19, v15;
	[tilespmem:s13+$0xA30] =	vst v13  }
0x10c: {  	v13 =	vld [tilespmem:s13+$0x640];
	v14 =	vmul.f32 v14, v12;
	v10 =	vnsel vm2, $0x0, v10;
	v8 =	vadd.f32 v17, v8  }
0x10d: {  	v7 =	vmul.f32 v7, v12;
	v17 =	vld [tilespmem:s13+$0xC640];
	v18 =	vmul.f32 v18, v11;
	v19 =	vnsel vm1, $0x0, v21;
	[tilespmem:s13+$0xA20] =	vst v15  }
0x10e: {  	v15 =	vld [tilespmem:s13+$0xC630];
	v16 =	vmul.f32 v16, v11;
	v14 =	vnsel vm2, $0x0, v14;
	v10 =	vadd.f32 v19, v10;
	[tilespmem:s13+$0xA10] =	vst v8  }
0x10f: {  	v7 =	vnsel vm2, $0x0, v7;
	v8 =	vld [tilespmem:s13+$0x620];
	v9 =	vmul.f32 v9, v12;
	v18 =	vnsel vm1, $0x0, v18  }
0x110: {  	v19 =	vld [tilespmem:s13+$0xC620];
	v20 =	vmul.f32 v20, v11;
	v16 =	vnsel vm1, $0x0, v16;
	v14 =	vadd.f32 v18, v14;
	[tilespmem:s13+$0xA00] =	vst v10  }
0x111: {  	v10 =	vld [tilespmem:s13+$0x610];
	v13 =	vmul.f32 v13, v12;
	v9 =	vnsel vm2, $0x0, v9;
	v7 =	vadd.f32 v16, v7  }
0x112: {  	v6 =	vmul.f32 v6, v12;
	v16 =	vld [tilespmem:s13+$0xC610];
	v17 =	vmul.f32 v17, v11;
	v18 =	vnsel vm1, $0x0, v20;
	[tilespmem:s13+$0x670] =	vst v14  }
0x113: {  	v14 =	vld [tilespmem:s13+$0xC600];
	v15 =	vmul.f32 v15, v11;
	v13 =	vnsel vm2, $0x0, v13;
	v9 =	vadd.f32 v18, v9;
	[tilespmem:s13+$0x660] =	vst v7  }
0x114: {  	v6 =	vnsel vm2, $0x0, v6;
	v7 =	vld [tilespmem:s13+$0x270];
	v8 =	vmul.f32 v8, v12;
	v17 =	vnsel vm1, $0x0, v17  }
0x115: {  	v18 =	vld [tilespmem:s13+$0xC270];
	v19 =	vmul.f32 v19, v11;
	v15 =	vnsel vm1, $0x0, v15;
	v13 =	vadd.f32 v17, v13;
	[tilespmem:s13+$0x650] =	vst v9  }
0x116: {  	v9 =	vld [tilespmem:s13+$0x260];
	v10 =	vmul.f32 v10, v12;
	v8 =	vnsel vm2, $0x0, v8;
	v6 =	vadd.f32 v15, v6  }
0x117: {  	v5 =	vmul.f32 v5, v12;
	v15 =	vld [tilespmem:s13+$0xC260];
	v16 =	vmul.f32 v16, v11;
	v17 =	vnsel vm1, $0x0, v19;
	[tilespmem:s13+$0x640] =	vst v13  }
0x118: {  	v13 =	vld [tilespmem:s13+$0xC250];
	v14 =	vmul.f32 v14, v11;
	v10 =	vnsel vm2, $0x0, v10;
	v8 =	vadd.f32 v17, v8;
	[tilespmem:s13+$0x630] =	vst v6  }
0x119: {  	v5 =	vnsel vm2, $0x0, v5;
	v6 =	vld [tilespmem:s13+$0x240];
	v7 =	vmul.f32 v7, v12;
	v16 =	vnsel vm1, $0x0, v16  }
0x11a: {  	v17 =	vld [tilespmem:s13+$0xC240];
	v18 =	vmul.f32 v18, v11;
	v14 =	vnsel vm1, $0x0, v14;
	v10 =	vadd.f32 v16, v10;
	[tilespmem:s13+$0x620] =	vst v8  }
0x11b: {  	v8 =	vld [tilespmem:s13+$0x230];
	v9 =	vmul.f32 v9, v12;
	v7 =	vnsel vm2, $0x0, v7;
	v5 =	vadd.f32 v14, v5  }
0x11c: {  	v4 =	vmul.f32 v4, v12;
	v14 =	vld [tilespmem:s13+$0xC230];
	v15 =	vmul.f32 v15, v11;
	v16 =	vnsel vm1, $0x0, v18;
	[tilespmem:s13+$0x610] =	vst v10  }
0x11d: {  	v10 =	vld [tilespmem:s13+$0xC220];
	v13 =	vmul.f32 v13, v11;
	v9 =	vnsel vm2, $0x0, v9;
	v7 =	vadd.f32 v16, v7;
	[tilespmem:s13+$0x600] =	vst v5  }
0x11e: {  	v4 =	vnsel vm2, $0x0, v4;
	v5 =	vld [tilespmem:s13+$0x210];
	v6 =	vmul.f32 v6, v12;
	v15 =	vnsel vm1, $0x0, v15  }
0x11f: {  	v16 =	vld [tilespmem:s13+$0xC210];
	v17 =	vmul.f32 v17, v11;
	v13 =	vnsel vm1, $0x0, v13;
	v9 =	vadd.f32 v15, v9;
	[tilespmem:s13+$0x270] =	vst v7  }
0x120: {  	v7 =	vmul.f32 v8, v12;
	v6 =	vnsel vm2, $0x0, v6;
	v4 =	vadd.f32 v13, v4  }
0x121: {  	v3 =	vmul.f32 v3, v12;
	v8 =	vmul.f32 v14, v11;
	v13 =	vnsel vm1, $0x0, v17;
	[tilespmem:s13+$0x260] =	vst v9  }
0x122: {  	v9 =	vmul.f32 v10, v11;
	v7 =	vnsel vm2, $0x0, v7;
	v6 =	vadd.f32 v13, v6;
	[tilespmem:s13+$0x250] =	vst v4  }
0x123: {  	s19 =	sshrl.u32 s17, $0x3;
	v3 =	vnsel vm2, $0x0, v3;
	v4 =	vmul.f32 v5, v12;
	v5 =	vnsel vm1, $0x0, v8  }
0x124: {  	s18 =	sadd.s32 $0x80, s18;
	s19 =	smul.u32 $0x1800, s19;
	v8 =	vmul.f32 v16, v11;
	v9 =	vnsel vm1, $0x0, v9;
	v5 =	vadd.f32 v5, v7;
	[tilespmem:s13+$0x240] =	vst v6  }
0x125: {  	s20 =	sand.u32 $0x380, s18;
	v4 =	vnsel vm2, $0x0, v4;
	v3 =	vadd.f32 v9, v3  }
0x126: {  	s19 =	sor.u32 s20, s19;
	v6 =	vnsel vm1, $0x0, v8;
	[tilespmem:s13+$0x230] =	vst v5  }
0x127: {  	v18 =	vld [tilespmem:s19+$0xC200];
	v5 =	vadd.f32 v6, v4;
	[tilespmem:s13+$0x220] =	vst v3  }
0x128: {  	v3 =	vld [tilespmem:s19+$0x220]  }
0x129: {  	v4 =	vld [tilespmem:s19+$0x250];
	[tilespmem:s13+$0x210] =	vst v5;
	s13 =	smov.u32 s19  }
0x12a: {  	v5 =	vld [tilespmem:s13+$0x600]  }
0x12b: {  	v6 =	vld [tilespmem:s13+$0x630]  }
0x12c: {  	v7 =	vld [tilespmem:s13+$0x660]  }
0x12d: {  	v8 =	vld [tilespmem:s13+$0xA10]  }
0x12e: {  	v9 =	vld [tilespmem:s13+$0xA40]  }
0x12f: {  	v10 =	vld [tilespmem:s13+$0xA70]  }
.Ltmp0:
0x130: {  	v13 =	vld [tilespmem:s13+$0xE20];
	(pc) =	sbr.rel @p0 .LBB2_2-.Ltmp0, $4  }
0x131: {  	v14 =	vld [tilespmem:s13+$0xE50]  }
0x132: {  	v11 =	vmov s17;
	v15 =	vld [tilespmem:s13+$0x1200]  }
0x133: {  	v16 =	vld [tilespmem:s13+$0x1230]  }
0x134: {  	s17 =	sadd.s32 $0x1, s17;
	v17 =	vld [tilespmem:s13+$0x1260]  }
0x135: {  	_ =	sdelay $0x1  }
0x136: {  	v19 =	vld [tilespmem:s13+$0x1660]  }
0x137: {  	v20 =	vld [tilespmem:s13+$0x200]  }
0x138: {  	v12 =	vld.idx.msk [tilespmem:v11+s14+$0x0], $0xffff  }
0x139: {  	v11 =	vld.idx.msk [tilespmem:v11+s15+$0x0], $0xffff  }
0x13a: {  	v21 =	vld [tilespmem:s13+$0xD670]  }
0x13b: {  	v22 =	vld [tilespmem:s13+$0x1670]  }
0x13c: {  	v23 =	vld [tilespmem:s13+$0x1610]  }
0x13d: {  	v24 =	vld [tilespmem:s13+$0x1640]  }
0x13e: {  	v25 =	vld [tilespmem:s13+$0xD660]  }
0x13f: {  	v26 =	vld [tilespmem:s13+$0x1650]  }
0x140: {  	v27 =	vld [tilespmem:s13+$0xD650]  }
0x141: {  	v28 =	vld [tilespmem:s13+$0xD640]  }
0x142: {  	v29 =	vld [tilespmem:s13+$0x1630]  }
0x143: {  	v30 =	vld [tilespmem:s13+$0xD630]  }
0x144: {  	v33 =	vld [tilespmem:s13+$0x1620]  }
0x145: {  	v37 =	vld [tilespmem:s13+$0xD610];
	v20 =	vmul.f32 v20, v12  }
0x146: {  	v39 =	vld [tilespmem:s13+$0xD600];
	v22 =	vmul.f32 v22, v12;
	v21 =	vmul.f32 v21, v11  }
0x147: {  	v43 =	vld [tilespmem:s13+$0xD270];
	v18 =	vmul.f32 v18, v11;
	v19 =	vmul.f32 v19, v12  }
0x148: {  	v50 =	vld [tilespmem:s13+$0x1250];
	v31 =	vmul.f32 v25, v11;
	v35 =	vmul.f32 v26, v12  }
0x149: {  	v51 =	vld [tilespmem:s13+$0xD250];
	v36 =	vmul.f32 v27, v11;
	v38 =	vmul.f32 v24, v12  }
0x14a: {  	v52 =	vld [tilespmem:s13+$0x1240];
	v40 =	vmul.f32 v28, v11;
	v44 =	vmul.f32 v29, v12  }
0x14b: {  	v59 =	vld [tilespmem:s13+$0xD220];
	v45 =	vmul.f32 v30, v11;
	v48 =	vmul.f32 v33, v12  }
0x14c: {  	v23 =	vmul.f32 v23, v12;
	v26 =	vmul.f32 v37, v11  }
0x14d: {  	v24 =	vmul.f32 v39, v11;
	v56 =	vmul.f32 v43, v11  }
0x14e: {  	v17 =	vmul.f32 v17, v12;
	v61 =	vmul.f32 v50, v12  }
0x14f: {  	v62 =	vmul.f32 v51, v11;
	v30 =	vmul.f32 v52, v12  }
0x150: {  	v16 =	vmul.f32 v16, v12;
	v25 =	vmul.f32 v59, v11  }
0x151: {  	vm1 =	vlt.f32 v12, $0.0e+00;
	v15 =	vmul.f32 v15, v12;
	v14 =	vmul.f32 v14, v12  }
0x152: {  	v32 =	vld [tilespmem:s13+$0xD620];
	vm2 =	vgt.f32 v12, $0.0e+00;
	v13 =	vmul.f32 v13, v12;
	v10 =	vmul.f32 v10, v12  }
0x153: {  	v41 =	vld [tilespmem:s13+$0x1270];
	vm3 =	vlt.f32 v11, $0.0e+00;
	v9 =	vmul.f32 v9, v12;
	v8 =	vmul.f32 v8, v12  }
0x154: {  	v46 =	vld [tilespmem:s13+$0xD260];
	vm4 =	vgt.f32 v11, $0.0e+00;
	v7 =	vmul.f32 v7, v12;
	v6 =	vmul.f32 v6, v12  }
0x155: {  	v47 =	vld [tilespmem:s13+$0x1600];
	v5 =	vmul.f32 v5, v12;
	v4 =	vmul.f32 v4, v12;
	vm2 =	vmor vm2, vm1  }
0x156: {  	v54 =	vld [tilespmem:s13+$0xD240];
	v3 =	vmul.f32 v3, v12;
	vm1 =	vmor vm4, vm3;
	v22 =	vnsel vm2, $0x0, v22  }
0x157: {  	v55 =	vld [tilespmem:s13+$0xD230];
	v21 =	vnsel vm1, $0x0, v21;
	v20 =	vnsel vm2, $0x0, v20;
	v18 =	vnsel vm1, $0x0, v18  }
0x158: {  	v57 =	vld [tilespmem:s13+$0x1220];
	v19 =	vnsel vm2, $0x0, v19;
	v34 =	vnsel vm1, $0x0, v31;
	v42 =	vnsel vm1, $0x0, v40  }
0x159: {  	v60 =	vld [tilespmem:s13+$0xD210];
	v28 =	vnsel vm2, $0x0, v44;
	v29 =	vnsel vm1, $0x0, v45;
	v23 =	vnsel vm2, $0x0, v23  }
0x15a: {  	v63 =	vld [tilespmem:s13+$0xD200];
	v53 =	vnsel vm1, $0x0, v26;
	v24 =	vnsel vm1, $0x0, v24;
	v58 =	vnsel vm1, $0x0, v56  }
0x15b: {  	v33 =	vld [tilespmem:s13+$0xCE70];
	v17 =	vnsel vm2, $0x0, v17;
	v31 =	vmul.f32 v54, v11;
	v16 =	vnsel vm2, $0x0, v16  }
0x15c: {  	v37 =	vld [tilespmem:s13+$0xCE50];
	v39 =	vnsel vm1, $0x0, v25;
	v15 =	vnsel vm2, $0x0, v15;
	v14 =	vnsel vm2, $0x0, v14  }
0x15d: {  	v50 =	vld [tilespmem:s13+$0xCE20];
	v13 =	vnsel vm2, $0x0, v13;
	v10 =	vnsel vm2, $0x0, v10;
	v9 =	vnsel vm2, $0x0, v9  }
0x15e: {  	v27 =	vld [tilespmem:s13+$0x610];
	v8 =	vnsel vm2, $0x0, v8;
	v7 =	vnsel vm2, $0x0, v7;
	v6 =	vnsel vm2, $0x0, v6  }
0x15f: {  	v44 =	vld [tilespmem:s13+$0xE30];
	v5 =	vnsel vm2, $0x0, v5;
	v4 =	vnsel vm2, $0x0, v4;
	v21 =	vadd.f32 v21, v22  }
0x160: {  	v54 =	vld [tilespmem:s13+$0xCE00];
	v3 =	vnsel vm2, $0x0, v3;
	v18 =	vadd.f32 v18, v20;
	v19 =	vadd.f32 v34, v19  }
0x161: {  	v26 =	vld [tilespmem:s13+$0xC610];
	v22 =	vnsel vm1, $0x0, v36;
	v20 =	vmul.f32 v32, v11;
	v49 =	vadd.f32 v29, v28;
	[tilespmem:s13+$0x1670] =	vst v21  }
0x162: {  	v23 =	vadd.f32 v53, v23;
	v28 =	vnsel vm2, $0x0, v61;
	v29 =	vnsel vm1, $0x0, v62;
	v32 =	vld [tilespmem:s13+$0xE70];
	[tilespmem:s13+$0x200] =	vst v18  }
0x163: {  	v34 =	vld [tilespmem:s13+$0x1210];
	v18 =	vnsel vm2, $0x0, v35;
	[tilespmem:s13+$0x1660] =	vst v19;
	v21 =	vnsel vm2, $0x0, v38;
	v19 =	vmul.f32 v41, v12  }
0x164: {  	v36 =	vld [tilespmem:s13+$0xCE60];
	v20 =	vnsel vm1, $0x0, v20;
	[tilespmem:s13+$0x1610] =	vst v23;
	v23 =	vmul.f32 v57, v12;
	v45 =	vmul.f32 v33, v11  }
0x165: {  	v61 =	vld [tilespmem:s13+$0xA60];
	v51 =	vmul.f32 v37, v11;
	v18 =	vadd.f32 v22, v18;
	v21 =	vadd.f32 v42, v21  }
0x166: {  	v62 =	vld [tilespmem:s13+$0xCA60];
	[tilespmem:s13+$0x1630] =	vst v49;
	v22 =	vmul.f32 v47, v12;
	v19 =	vnsel vm2, $0x0, v19;
	v38 =	vnsel vm2, $0x0, v23  }
0x167: {  	v35 =	vld [tilespmem:s13+$0xE60];
	v49 =	vnsel vm1, $0x0, v45;
	v59 =	vmul.f32 v44, v12;
	[tilespmem:s13+$0x1640] =	vst v21;
	v21 =	vnsel vm2, $0x0, v48  }
0x168: {  	v41 =	vld [tilespmem:s13+$0xE40];
	[tilespmem:s13+$0x1650] =	vst v18;
	v22 =	vnsel vm2, $0x0, v22;
	v18 =	vmul.f32 v46, v11;
	v19 =	vadd.f32 v58, v19  }
0x169: {  	v42 =	vld [tilespmem:s13+$0xCE40];
	v40 =	vmul.f32 v34, v12;
	v43 =	vmul.f32 v32, v12;
	v20 =	vadd.f32 v20, v21  }
0x16a: {  	v53 =	vld [tilespmem:s13+$0xCE10];
	v48 =	vmul.f32 v36, v11;
	v34 =	vmul.f32 v61, v12;
	v22 =	vadd.f32 v24, v22;
	[tilespmem:s13+$0x1270] =	vst v19  }
0x16b: {  	v57 =	vld [tilespmem:s13+$0xCA70];
	v36 =	vmul.f32 v62, v11;
	v21 =	vnsel vm1, $0x0, v31;
	v18 =	vnsel vm1, $0x0, v18;
	[tilespmem:s13+$0x1620] =	vst v20  }
0x16c: {  	v46 =	vld [tilespmem:s13+$0xCE30];
	v19 =	vadd.f32 v29, v28;
	[tilespmem:s13+$0x1600] =	vst v22;
	v20 =	vmul.f32 v55, v11;
	v22 =	vmul.f32 v60, v11  }
0x16d: {  	v33 =	vld [tilespmem:s13+$0xCA30];
	v17 =	vadd.f32 v18, v17;
	v18 =	vmul.f32 v63, v11;
	v55 =	vmul.f32 v41, v12  }
0x16e: {  	v37 =	vld [tilespmem:s13+$0xCA20];
	v47 =	vnsel vm2, $0x0, v43;
	v56 =	vmul.f32 v42, v11;
	[tilespmem:s13+$0x1250] =	vst v19;
	v19 =	vmul.f32 v35, v12  }
0x16f: {  	v29 =	vld [tilespmem:s13+$0xCA50];
	[tilespmem:s13+$0x1260] =	vst v17;
	v17 =	vnsel vm2, $0x0, v30;
	v20 =	vnsel vm1, $0x0, v20;
	v22 =	vnsel vm1, $0x0, v22  }
0x170: {  	v58 =	vld [tilespmem:s13+$0xE10];
	v18 =	vnsel vm1, $0x0, v18;
	v17 =	vadd.f32 v21, v17;
	v16 =	vadd.f32 v20, v16  }
0x171: {  	v32 =	vld [tilespmem:s13+$0xA30];
	v60 =	vmul.f32 v46, v11;
	v20 =	vadd.f32 v39, v38;
	v15 =	vadd.f32 v18, v15  }
0x172: {  	v63 =	vld [tilespmem:s13+$0xE00];
	v52 =	vnsel vm2, $0x0, v19;
	v18 =	vnsel vm1, $0x0, v48;
	v21 =	vmul.f32 v50, v11  }
0x173: {  	v61 =	vld [tilespmem:s13+$0x620];
	v19 =	vmul.f32 v53, v11;
	v38 =	vnsel vm2, $0x0, v34;
	v39 =	vnsel vm1, $0x0, v36;
	[tilespmem:s13+$0x1240] =	vst v17  }
0x174: {  	v28 =	vld [tilespmem:s13+$0xA50];
	v48 =	vmul.f32 v33, v11;
	v41 =	vmul.f32 v29, v11;
	[tilespmem:s13+$0x1230] =	vst v16;
	v16 =	vnsel vm2, $0x0, v40  }
0x175: {  	v35 =	vld [tilespmem:s13+$0xA20];
	[tilespmem:s13+$0x1200] =	vst v15;
	v17 =	vadd.f32 v18, v52;
	v15 =	vnsel vm1, $0x0, v51;
	v18 =	vnsel vm2, $0x0, v55  }
0x176: {  	v46 =	vld [tilespmem:s13+$0x670];
	[tilespmem:s13+$0x1220] =	vst v20;
	v20 =	vnsel vm1, $0x0, v56;
	v21 =	vnsel vm1, $0x0, v21;
	v19 =	vnsel vm1, $0x0, v19  }
0x177: {  	v53 =	vld [tilespmem:s13+$0x650];
	v31 =	vmul.f32 v63, v12;
	v52 =	vmul.f32 v37, v11;
	v16 =	vadd.f32 v22, v16  }
0x178: {  	v33 =	vld [tilespmem:s13+$0xC270];
	v14 =	vadd.f32 v15, v14;
	v18 =	vadd.f32 v20, v18;
	v22 =	vnsel vm1, $0x0, v60;
	[tilespmem:s13+$0xE60] =	vst v17  }
0x179: {  	v42 =	vld [tilespmem:s13+$0xCA00];
	v13 =	vadd.f32 v21, v13;
	v15 =	vmul.f32 v57, v11;
	v44 =	vnsel vm1, $0x0, v41;
	[tilespmem:s13+$0x1210] =	vst v16  }
0x17a: {  	v56 =	vld [tilespmem:s13+$0xC640];
	v20 =	vnsel vm1, $0x0, v48;
	v51 =	vmul.f32 v35, v12;
	v17 =	vmul.f32 v58, v12;
	[tilespmem:s13+$0xE50] =	vst v14  }
0x17b: {  	v63 =	vld [tilespmem:s13+$0xC620];
	v57 =	vmul.f32 v46, v12;
	v16 =	vadd.f32 v49, v47;
	v14 =	vnsel vm2, $0x0, v59;
	[tilespmem:s13+$0xE40] =	vst v18  }
0x17c: {  	v30 =	vld [tilespmem:s13+$0xCA40];
	[tilespmem:s13+$0xE20] =	vst v13;
	v13 =	vnsel vm2, $0x0, v31;
	v15 =	vnsel vm1, $0x0, v15;
	v18 =	vmul.f32 v28, v12  }
0x17d: {  	v40 =	vld [tilespmem:s13+$0xCA10];
	v24 =	vmul.f32 v53, v12;
	v46 =	vmul.f32 v33, v11;
	v14 =	vadd.f32 v22, v14  }
0x17e: {  	v58 =	vld [tilespmem:s13+$0xC630];
	v17 =	vnsel vm2, $0x0, v17;
	v10 =	vadd.f32 v15, v10;
	[tilespmem:s13+$0xE70] =	vst v16;
	v16 =	vmul.f32 v54, v11  }
0x17f: {  	v50 =	vld [tilespmem:s13+$0xA00];
	v17 =	vadd.f32 v19, v17;
	v43 =	vnsel vm2, $0x0, v18;
	v19 =	vmul.f32 v32, v12  }
0x180: {  	v47 =	vld [tilespmem:s13+$0xC670];
	v28 =	vnsel vm2, $0x0, v24;
	v29 =	vmul.f32 v56, v11;
	v35 =	vmul.f32 v63, v11;
	[tilespmem:s13+$0xE30] =	vst v14  }
0x181: {  	v55 =	vld [tilespmem:s13+$0x640];
	[tilespmem:s13+$0xA70] =	vst v10;
	v14 =	vmul.f32 v30, v11;
	v45 =	vadd.f32 v44, v43;
	v10 =	vmul.f32 v42, v11  }
0x182: {  	v54 =	vld [tilespmem:s13+$0xC650];
	v16 =	vnsel vm1, $0x0, v16;
	[tilespmem:s13+$0xE10] =	vst v17;
	v19 =	vnsel vm2, $0x0, v19;
	v17 =	vmul.f32 v40, v11  }
0x183: {  	v37 =	vld [tilespmem:s13+$0x260];
	v31 =	vmul.f32 v58, v11;
	v40 =	vmul.f32 v26, v11;
	v13 =	vadd.f32 v16, v13  }
0x184: {  	v30 =	vld [tilespmem:s13+$0xC600];
	v14 =	vnsel vm1, $0x0, v14;
	v19 =	vadd.f32 v20, v19;
	v16 =	vnsel vm1, $0x0, v52  }
0x185: {  	v49 =	vld [tilespmem:s13+$0xC660];
	v59 =	vmul.f32 v47, v11;
	v10 =	vnsel vm1, $0x0, v10;
	v9 =	vadd.f32 v14, v9  }
0x186: {  	v36 =	vld [tilespmem:s13+$0xC260];
	v17 =	vnsel vm1, $0x0, v17;
	v14 =	vmul.f32 v50, v12;
	[tilespmem:s13+$0xE00] =	vst v13;
	v13 =	vadd.f32 v39, v38  }
0x187: {  	v44 =	vld [tilespmem:s13+$0xC240];
	[tilespmem:s13+$0xA50] =	vst v45;
	v8 =	vadd.f32 v17, v8;
	v62 =	vnsel vm1, $0x0, v59;
	v25 =	vmul.f32 v54, v11  }
0x188: {  	v45 =	vld [tilespmem:s13+$0x240];
	v38 =	vmul.f32 v27, v12;
	v17 =	vmul.f32 v37, v12;
	[tilespmem:s13+$0xA40] =	vst v9;
	v9 =	vnsel vm2, $0x0, v51  }
0x189: {  	v41 =	vld [tilespmem:s13+$0xC250];
	v14 =	vnsel vm2, $0x0, v14;
	v42 =	vmul.f32 v30, v11;
	v9 =	vadd.f32 v16, v9  }
0x18a: {  	[tilespmem:s13+$0xA60] =	vst v13;
	v60 =	vadd.f32 v10, v14;
	v13 =	vmul.f32 v49, v11;
	v16 =	vmul.f32 v55, v12  }
0x18b: {  	[tilespmem:s13+$0xA10] =	vst v8;
	v8 =	vnsel vm1, $0x0, v25;
	v10 =	vmul.f32 v61, v12;
	v43 =	vnsel vm2, $0x0, v38  }
0x18c: {  	v50 =	vld [tilespmem:s13+$0xC220];
	[tilespmem:s13+$0xA30] =	vst v19;
	v49 =	vmul.f32 v36, v11;
	v14 =	vmul.f32 v44, v11;
	v8 =	vadd.f32 v8, v28  }
0x18d: {  	v53 =	vmul.f32 v45, v12;
	[tilespmem:s13+$0xA20] =	vst v9;
	v9 =	vnsel vm2, $0x0, v57;
	v13 =	vnsel vm1, $0x0, v13  }
0x18e: {  	v48 =	vld [tilespmem:s13+$0x230];
	[tilespmem:s13+$0xA00] =	vst v60;
	v39 =	vnsel vm2, $0x0, v10;
	v10 =	vmul.f32 v41, v11;
	v9 =	vadd.f32 v62, v9  }
0x18f: {  	v34 =	vld [tilespmem:s13+$0x270];
	v32 =	vnsel vm2, $0x0, v16;
	v7 =	vadd.f32 v13, v7;
	v13 =	vnsel vm1, $0x0, v29;
	[tilespmem:s13+$0x650] =	vst v8  }
0x190: {  	v54 =	vld [tilespmem:s13+$0xC210];
	v57 =	vnsel vm1, $0x0, v14;
	v10 =	vnsel vm1, $0x0, v10;
	[tilespmem:s13+$0x670] =	vst v9;
	v9 =	vadd.f32 v13, v32  }
0x191: {  	v58 =	vmul.f32 v50, v11;
	v56 =	vnsel vm2, $0x0, v53;
	[tilespmem:s13+$0x660] =	vst v7;
	v4 =	vadd.f32 v10, v4  }
0x192: {  	v47 =	vld [tilespmem:s13+$0xC230];
	v51 =	vnsel vm2, $0x0, v17;
	v7 =	vnsel vm1, $0x0, v31;
	v10 =	vadd.f32 v57, v56;
	[tilespmem:s13+$0x640] =	vst v9  }
0x193: {  	v52 =	vld [tilespmem:s13+$0x210];
	v55 =	vmul.f32 v48, v12;
	v62 =	vnsel vm1, $0x0, v58;
	v6 =	vadd.f32 v7, v6;
	[tilespmem:s13+$0x250] =	vst v4  }
0x194: {  	v16 =	vmul.f32 v34, v12;
	v8 =	vnsel vm1, $0x0, v35;
	v3 =	vadd.f32 v62, v3;
	[tilespmem:s13+$0x240] =	vst v10  }
0x195: {  	v61 =	vmul.f32 v54, v11;
	v7 =	vadd.f32 v8, v39;
	[tilespmem:s13+$0x630] =	vst v6;
	v6 =	vnsel vm1, $0x0, v42  }
0x196: {  	v16 =	vnsel vm2, $0x0, v16;
	v9 =	vnsel vm1, $0x0, v40;
	[tilespmem:s13+$0x220] =	vst v3;
	v5 =	vadd.f32 v6, v5  }
0x197: {  	v8 =	vadd.f32 v9, v43;
	[tilespmem:s13+$0x620] =	vst v7;
	v9 =	vmul.f32 v47, v11;
	v6 =	vnsel vm1, $0x0, v49  }
0x198: {  	v7 =	vnsel vm1, $0x0, v46;
	v6 =	vadd.f32 v6, v51;
	[tilespmem:s13+$0x600] =	vst v5;
	v5 =	vmul.f32 v52, v12  }
0x199: {  	v59 =	vnsel vm2, $0x0, v55;
	v7 =	vadd.f32 v7, v16;
	[tilespmem:s13+$0x610] =	vst v8;
	v60 =	vnsel vm1, $0x0, v9  }
0x19a: {  	v63 =	vnsel vm1, $0x0, v61;
	[tilespmem:s13+$0x260] =	vst v6;
	v6 =	vadd.f32 v60, v59;
	v5 =	vnsel vm2, $0x0, v5  }
0x19b: {  	s1 =	sadd.s32 $0x1, s1;
	[tilespmem:s13+$0x270] =	vst v7;
	v4 =	vadd.f32 v63, v5  }
0x19c: {  	p0 =	sne.s32 s1, s11;
	[tilespmem:s13+$0x230] =	vst v6  }
.Ltmp1:
0x19d: {  	[tilespmem:s13+$0x210] =	vst v4;
	(pc) =	sbr.rel @p0 .LBB2_1-.Ltmp1, $4  }
0x19e: {  	[hbm4b:s10+s2] =	stream.linear.scatter [tilespmem:s16], [sflag:$0x3], $0xC000, $0x38;
	[tilespmem:$0x18200] =	vst v63  }
0x19f: {  	_ =	swait.ge [sflag:s12], $0xC000  }
0x1a0: {  	[sflag:s12] =	ssyncset.done $0x0  }
0x1a1: {  	[sflag:s12] =	ssyncadd.s32 $0xFFFF4000  }
0x1a2: {  	_ =	sfence.sel $0x180000  }
0x1a3: {  	[bflag:$0x0] =	sbarrier.arrive $0xFFFF  }
0x1a4: {  	_ =	strace $0x9000004A  }
0x1a5: {  	s0 =	stileid.u32;
	[bflag:$0x2] =	sbarrier.arrive $0xFFFF  }
0x1a6: {  	p0 =	sne.s32 s0, $0x0;
	s0 =	rddreg [dreg:$0x2]  }
0x1a7: {  	s0 =	sadd.s32 @!p0 $0x100000, s0  }
0x1a8: {  	[sflag:s0] =	ssyncadd.tile.s32 @!p0 $0x1;
	_ =	shalt  }
.Lfunc_end2:
_tile_overlayer_lowered:
.L_overlay_start_2:
0x1a9: {  	(tag) =	ssettag $0x2  }
0x1aa: {  	s0 =	rddreg [dreg:$0x0];
	s2 =	stileid.u32  }
0x1ab: {  	s1 =	rddreg [dreg:$0x1];
	p0 =	sne.s32 s2, $0x0  }
0x1ac: {  	s3 =	rddreg [dreg:$0x2];
	[bflag:$0x3] =	sbarrier.arrive $0xFFFF;
	s2 =	simm.s32 @!p0 $0x1C03  }
0x1ad: {  	[timem:s3], [sflag:s2] =	dma.local @!p0 [hbm:s0], s1  }
0x1ae: {  	s0 =	simm.s32 @!p0 $0x3  }
0x1af: {  	_ =	swait.ge @!p0 [sflag:s0], s1  }
0x1b0: {  	s1 =	ssub.s32 @!p0 $0x0, s1;
	[sflag:s0] =	ssyncset.done @!p0 $0x0  }
0x1b1: {  	[sflag:s0] =	ssyncadd.s32 @!p0 s1  }
0x1b2: {  	[bflag:$0x3] =	sbarrier.arrive $0xFFFF  }
0x1b3: {  	_ =	shalt  }

</sc_bundles>
